<compile_context>
chip_gen: v7x
topology: tpu7x:2x2x1
jax: 0.10.2.dev20260603
libtpu: 0.0.44.dev20260713+nightly
codegen_flags: <defaults>
</compile_context>

<pallas_src>
import functools

import jax
import jax.numpy as jnp
from jax import lax
from jax.experimental import pallas as pl
from jax.experimental.pallas import tpu as pltpu
from jax.experimental.pallas import tpu_sc as plsc

_H = 16
_NC, _NS = 2, 16
_NW = _NC * _NS
_W = 16


@functools.lru_cache(maxsize=None)
def _build(B, V):
    b_per_w = B // _NW
    n_waves = b_per_w // _W
    mesh = plsc.VectorSubcoreMesh(core_axis_name="c", subcore_axis_name="s")

    @functools.partial(
        pl.kernel,
        mesh=mesh,
        out_type=jax.ShapeDtypeStruct((_H, B), jnp.float32),
        scratch_types=[
            pltpu.VMEM((b_per_w,), jnp.int32),
            pltpu.VMEM((_W, _H, 128), jnp.float32),
            pltpu.VMEM((_W, _H, 128), jnp.float32),
            pltpu.VMEM((_H, b_per_w), jnp.float32),
        ]
        + [pltpu.SemaphoreType.DMA] * 2,
        compiler_params=pltpu.CompilerParams(
            use_tc_tiling_on_sc=True, needs_layout_passes=False
        ),
    )
    def gate_kernel(idx_hbm, tab_hbm, out_hbm, idx_v, wb0, wb1, out_v, *sems):
        wid = lax.axis_index("s") * _NC + lax.axis_index("c")
        base = wid * b_per_w
        pltpu.sync_copy(idx_hbm.at[pl.ds(base, b_per_w)], idx_v)

        uvec = lax.iota(jnp.int32, _W)

        def fire(i, wb, sem):
            iv = idx_v[pl.ds(i * _W, _W)]
            qv = (iv >> 7) * 128
            for u in range(_W):
                pltpu.async_copy(
                    tab_hbm.at[:, pl.ds(pl.multiple_of(qv[u], 128), 128)],
                    wb.at[u],
                    sem,
                )

        def process(i, wb):
            iv = idx_v[pl.ds(i * _W, _W)]
            lvec = iv & 127
            es = []
            s = None
            for h in range(_H):
                hv = jnp.full((_W,), h, jnp.int32)
                eh = jnp.exp(plsc.load_gather(wb, [uvec, hv, lvec]))
                es.append(eh)
                s = eh if s is None else s + eh
            inv = 1.0 / s
            pos = i * _W + uvec
            for h in range(_H):
                hv = jnp.full((_W,), h, jnp.int32)
                plsc.store_scatter(out_v, [hv, pos], es[h] * inv)

        def drain(wb, sem):
            pltpu.make_async_copy(
                tab_hbm.at[:, pl.ds(0, 128)],
                wb.at[0],
                sem,
            ).wait()

        fire(0, wb0, sems[0])

        def body(t, carry):
            i = t * 2
            fire(i + 1, wb1, sems[1])
            for _ in range(_W):
                drain(wb0, sems[0])
            process(i, wb0)

            @pl.when(t + 1 < n_waves // 2)
            def _():
                fire(i + 2, wb0, sems[0])

            for _ in range(_W):
                drain(wb1, sems[1])
            process(i + 1, wb1)
            return carry

        lax.fori_loop(0, n_waves // 2, body, 0)

        pltpu.sync_copy(out_v, out_hbm.at[:, pl.ds(base, b_per_w)])

    return gate_kernel


def kernel(user_idx, logits):
    B = user_idx.shape[0]
    V, H = logits.shape
    out = _build(B, V)(user_idx.astype(jnp.int32), logits.T)
    return out.T

# --- scband reference (transcript-rebuilt; emitter-appended) ---
"""Pipeline reference for scband-user-gate-59382217834645 (READ-ONLY COPY).

The authoritative reference and input builder live on the scoring server;
editing this copy changes nothing except your own understanding.
"""

import jax, jax.numpy as jnp
import numpy as np

NUM_USERS = 1000000
NUM_HEADS = 16
BATCH = 16384

def setup_inputs(seed: int = 0) -> dict:
    key = jax.random.key(seed)
    k_idx, k_w = jax.random.split(key)
    user_idx = jax.random.randint(k_idx, (BATCH,), 0, NUM_USERS, dtype=jnp.int64 if jax.config.jax_enable_x64 else jnp.int32)
    # Learned parameter: (num_users, num_heads) logit matrix. Module inits to zeros,
    # but we use small random values so softmax outputs are non-degenerate.
    logits = jax.random.normal(k_w, (NUM_USERS, NUM_HEADS), dtype=jnp.float32) * 0.02
    return {"user_idx": user_idx, "logits": logits}

def reference(user_idx, logits):
    # gather rows of the logit table by user index, then softmax over heads
    gathered = jnp.take(logits, user_idx, axis=0)  # (B, H)
    alpha = jax.nn.softmax(gathered, axis=-1)
    return alpha

if __name__ == "__main__":
    import jax
    _d = setup_inputs()
    print(jax.jit(kernel)(*tuple(_d.values())))

</pallas_src>

<mosaic_0001>
#map = affine_map<(d0, d1) -> (0)>
#map1 = affine_map<(d0, d1) -> (0, 0)>
module attributes {stable_mosaic.version = 14 : i64} {
  func.func @gate_kernel(%arg0: i32, %arg1: i32, %arg2: memref<16384xi32, #tpu.memory_space<hbm>>, %arg3: memref<16x1000000xf32, #tpu.memory_space<hbm>>, %arg4: memref<16x16384xf32, #tpu.memory_space<hbm>>, %arg5: memref<512xi32, #tpu.memory_space<vmem>>, %arg6: memref<16x16x128xf32, #tpu.memory_space<vmem>>, %arg7: memref<16x16x128xf32, #tpu.memory_space<vmem>>, %arg8: memref<16x512xf32, #tpu.memory_space<vmem>>, %arg9: memref<!tpu.dma_semaphore, #tpu.memory_space<semaphore_mem>>, %arg10: memref<!tpu.dma_semaphore, #tpu.memory_space<semaphore_mem>>) attributes {dimension_semantics = [#tpu.dimension_semantics<core_parallel>, #tpu.dimension_semantics<subcore_parallel>], iteration_bounds = array<i64: 2, 16>, scalar_prefetch = 0 : i64, scratch_operands = 6 : i64, tpu.core_type = #tpu.core_type<sc_vector_subcore>, window_params = [{transform_indices = #map}, {transform_indices = #map1}, {transform_indices = #map1}]} {
    %mul3A = arith.constant 2 : i32
    %mul3A_0 = arith.muli %arg1, %mul3A : i32
    %add3A = arith.addi %mul3A_0, %arg0 : i32
    %mul3A_1 = arith.constant 512 : i32
    %mul3A_2 = arith.muli %add3A, %mul3A_1 : i32
    "tpu.region"() ({
      %run_scoped3A = tpu.sem_alloc : memref<!tpu.dma_semaphore, #tpu.memory_space<semaphore_mem>>
      %dma_start3A_266 = tpu.memref_slice %arg2[%mul3A_2] : memref<16384xi32, #tpu.memory_space<hbm>> -> memref<512xi32, #tpu.memory_space<hbm>>
      %dma_start3A_267 = tpu.memref_slice %arg2[%mul3A_2] : memref<16384xi32, #tpu.memory_space<hbm>> -> memref<512xi32, #tpu.memory_space<hbm>>
      tpu.enqueue_dma source(%dma_start3A_267 : memref<512xi32, #tpu.memory_space<hbm>>) target(%arg5 : memref<512xi32, #tpu.memory_space<vmem>>) target_semaphore(%run_scoped3A : memref<!tpu.dma_semaphore, #tpu.memory_space<semaphore_mem>>)
      %dma_wait3A = tpu.memref_slice %arg2[%mul3A_2] : memref<16384xi32, #tpu.memory_space<hbm>> -> memref<512xi32, #tpu.memory_space<hbm>>
      %dma_wait3A_268 = tpu.memref_slice %arg2[%mul3A_2] : memref<16384xi32, #tpu.memory_space<hbm>> -> memref<512xi32, #tpu.memory_space<hbm>>
      tpu.wait_dma2 semaphore(%run_scoped3A : memref<!tpu.dma_semaphore, #tpu.memory_space<semaphore_mem>>) src(%dma_wait3A_268 : memref<512xi32, #tpu.memory_space<hbm>>) dst(%arg5 : memref<512xi32, #tpu.memory_space<vmem>>)
      tpu.yield
    }) : () -> ()
    %iota3A = tpu.iota {dimensions = array<i32: 0>} : vector<16xi32>
    %get3A = arith.constant 0 : index
    %get3A_3 = tpu.vector_load %arg5[%get3A] {strides = array<i32>} : memref<512xi32, #tpu.memory_space<vmem>>, vector<16xi32>,
    %shift_right_arithmetic3A = arith.constant 7 : i32
    %shift_right_arithmetic3A_4 = vector.broadcast %shift_right_arithmetic3A : i32 to vector<16xi32>
    %shift_right_arithmetic3A_5 = arith.shrsi %get3A_3, %shift_right_arithmetic3A_4 : vector<16xi32>
    %mul3A_6 = arith.constant 128 : i32
    %mul3A_7 = vector.broadcast %mul3A_6 : i32 to vector<16xi32>
    %mul3A_8 = arith.muli %shift_right_arithmetic3A_5, %mul3A_7 : vector<16xi32>
    %slice3A = vector.extract_strided_slice %mul3A_8 {offsets = [0], sizes = [1], strides = [1]} : vector<16xi32> to vector<1xi32>
    %squeeze3A = vector.extract %slice3A[0] : i32 from vector<1xi32>
    %multiple_of3A = tpu.assume_multiple %squeeze3A, 128 : i32
    %dma_start3A = arith.constant 0 : i32
    %dma_start3A_9 = arith.constant 0 : i32
    %dma_start3A_10 = arith.constant 0 : i32
    %dma_start3A_11 = tpu.memref_slice %arg6[%dma_start3A, %dma_start3A_9, %dma_start3A_10] : memref<16x16x128xf32, #tpu.memory_space<vmem>> -> memref<1x16x128xf32, #tpu.memory_space<vmem>>
    %dma_start3A_12 = tpu.memref_squeeze %dma_start3A_11 : memref<1x16x128xf32, #tpu.memory_space<vmem>> -> memref<16x128xf32, #tpu.memory_space<vmem>>
    %dma_start3A_13 = arith.constant 0 : i32
    %dma_start3A_14 = tpu.memref_slice %arg3[%dma_start3A_13, %multiple_of3A] : memref<16x1000000xf32, #tpu.memory_space<hbm>> -> memref<16x128xf32, #tpu.memory_space<hbm>>
    %dma_start3A_15 = arith.constant 0 : i32
    %dma_start3A_16 = arith.constant 0 : i32
    %dma_start3A_17 = tpu.memref_slice %arg6[%dma_start3A, %dma_start3A_15, %dma_start3A_16] : memref<16x16x128xf32, #tpu.memory_space<vmem>> -> memref<1x16x128xf32, #tpu.memory_space<vmem>>
    %dma_start3A_18 = tpu.memref_squeeze %dma_start3A_17 : memref<1x16x128xf32, #tpu.memory_space<vmem>> -> memref<16x128xf32, #tpu.memory_space<vmem>>
    %dma_start3A_19 = arith.constant 0 : i32
    %dma_start3A_20 = tpu.memref_slice %arg3[%dma_start3A_19, %multiple_of3A] : memref<16x1000000xf32, #tpu.memory_space<hbm>> -> memref<16x128xf32, #tpu.memory_space<hbm>>
    tpu.enqueue_dma source(%dma_start3A_20 : memref<16x128xf32, #tpu.memory_space<hbm>>) target(%dma_start3A_18 : memref<16x128xf32, #tpu.memory_space<vmem>>) target_semaphore(%arg9 : memref<!tpu.dma_semaphore, #tpu.memory_space<semaphore_mem>>)
    %slice3A_21 = vector.extract_strided_slice %mul3A_8 {offsets = [1], sizes = [1], strides = [1]} : vector<16xi32> to vector<1xi32>
    %squeeze3A_22 = vector.extract %slice3A_21[0] : i32 from vector<1xi32>
    %multiple_of3A_23 = tpu.assume_multiple %squeeze3A_22, 128 : i32
    %dma_start3A_24 = arith.constant 1 : i32
    %dma_start3A_25 = arith.constant 0 : i32
    %dma_start3A_26 = arith.constant 0 : i32
    %dma_start3A_27 = tpu.memref_slice %arg6[%dma_start3A_24, %dma_start3A_25, %dma_start3A_26] : memref<16x16x128xf32, #tpu.memory_space<vmem>> -> memref<1x16x128xf32, #tpu.memory_space<vmem>>
    %dma_start3A_28 = tpu.memref_squeeze %dma_start3A_27 : memref<1x16x128xf32, #tpu.memory_space<vmem>> -> memref<16x128xf32, #tpu.memory_space<vmem>>
    %dma_start3A_29 = arith.constant 0 : i32
    %dma_start3A_30 = tpu.memref_slice %arg3[%dma_start3A_29, %multiple_of3A_23] : memref<16x1000000xf32, #tpu.memory_space<hbm>> -> memref<16x128xf32, #tpu.memory_space<hbm>>
    %dma_start3A_31 = arith.constant 0 : i32
    %dma_start3A_32 = arith.constant 0 : i32
    %dma_start3A_33 = tpu.memref_slice %arg6[%dma_start3A_24, %dma_start3A_31, %dma_start3A_32] : memref<16x16x128xf32, #tpu.memory_space<vmem>> -> memref<1x16x128xf32, #tpu.memory_space<vmem>>
    %dma_start3A_34 = tpu.memref_squeeze %dma_start3A_33 : memref<1x16x128xf32, #tpu.memory_space<vmem>> -> memref<16x128xf32, #tpu.memory_space<vmem>>
    %dma_start3A_35 = arith.constant 0 : i32
    %dma_start3A_36 = tpu.memref_slice %arg3[%dma_start3A_35, %multiple_of3A_23] : memref<16x1000000xf32, #tpu.memory_space<hbm>> -> memref<16x128xf32, #tpu.memory_space<hbm>>
    tpu.enqueue_dma source(%dma_start3A_36 : memref<16x128xf32, #tpu.memory_space<hbm>>) target(%dma_start3A_34 : memref<16x128xf32, #tpu.memory_space<vmem>>) target_semaphore(%arg9 : memref<!tpu.dma_semaphore, #tpu.memory_space<semaphore_mem>>)
    %slice3A_37 = vector.extract_strided_slice %mul3A_8 {offsets = [2], sizes = [1], strides = [1]} : vector<16xi32> to vector<1xi32>
    %squeeze3A_38 = vector.extract %slice3A_37[0] : i32 from vector<1xi32>
    %multiple_of3A_39 = tpu.assume_multiple %squeeze3A_38, 128 : i32
    %dma_start3A_40 = arith.constant 2 : i32
    %dma_start3A_41 = arith.constant 0 : i32
    %dma_start3A_42 = arith.constant 0 : i32
    %dma_start3A_43 = tpu.memref_slice %arg6[%dma_start3A_40, %dma_start3A_41, %dma_start3A_42] : memref<16x16x128xf32, #tpu.memory_space<vmem>> -> memref<1x16x128xf32, #tpu.memory_space<vmem>>
    %dma_start3A_44 = tpu.memref_squeeze %dma_start3A_43 : memref<1x16x128xf32, #tpu.memory_space<vmem>> -> memref<16x128xf32, #tpu.memory_space<vmem>>
    %dma_start3A_45 = arith.constant 0 : i32
    %dma_start3A_46 = tpu.memref_slice %arg3[%dma_start3A_45, %multiple_of3A_39] : memref<16x1000000xf32, #tpu.memory_space<hbm>> -> memref<16x128xf32, #tpu.memory_space<hbm>>
    %dma_start3A_47 = arith.constant 0 : i32
    %dma_start3A_48 = arith.constant 0 : i32
    %dma_start3A_49 = tpu.memref_slice %arg6[%dma_start3A_40, %dma_start3A_47, %dma_start3A_48] : memref<16x16x128xf32, #tpu.memory_space<vmem>> -> memref<1x16x128xf32, #tpu.memory_space<vmem>>
    %dma_start3A_50 = tpu.memref_squeeze %dma_start3A_49 : memref<1x16x128xf32, #tpu.memory_space<vmem>> -> memref<16x128xf32, #tpu.memory_space<vmem>>
    %dma_start3A_51 = arith.constant 0 : i32
    %dma_start3A_52 = tpu.memref_slice %arg3[%dma_start3A_51, %multiple_of3A_39] : memref<16x1000000xf32, #tpu.memory_space<hbm>> -> memref<16x128xf32, #tpu.memory_space<hbm>>
    tpu.enqueue_dma source(%dma_start3A_52 : memref<16x128xf32, #tpu.memory_space<hbm>>) target(%dma_start3A_50 : memref<16x128xf32, #tpu.memory_space<vmem>>) target_semaphore(%arg9 : memref<!tpu.dma_semaphore, #tpu.memory_space<semaphore_mem>>)
    %slice3A_53 = vector.extract_strided_slice %mul3A_8 {offsets = [3], sizes = [1], strides = [1]} : vector<16xi32> to vector<1xi32>
    %squeeze3A_54 = vector.extract %slice3A_53[0] : i32 from vector<1xi32>
    %multiple_of3A_55 = tpu.assume_multiple %squeeze3A_54, 128 : i32
    %dma_start3A_56 = arith.constant 3 : i32
    %dma_start3A_57 = arith.constant 0 : i32
    %dma_start3A_58 = arith.constant 0 : i32
    %dma_start3A_59 = tpu.memref_slice %arg6[%dma_start3A_56, %dma_start3A_57, %dma_start3A_58] : memref<16x16x128xf32, #tpu.memory_space<vmem>> -> memref<1x16x128xf32, #tpu.memory_space<vmem>>
    %dma_start3A_60 = tpu.memref_squeeze %dma_start3A_59 : memref<1x16x128xf32, #tpu.memory_space<vmem>> -> memref<16x128xf32, #tpu.memory_space<vmem>>
    %dma_start3A_61 = arith.constant 0 : i32
    %dma_start3A_62 = tpu.memref_slice %arg3[%dma_start3A_61, %multiple_of3A_55] : memref<16x1000000xf32, #tpu.memory_space<hbm>> -> memref<16x128xf32, #tpu.memory_space<hbm>>
    %dma_start3A_63 = arith.constant 0 : i32
    %dma_start3A_64 = arith.constant 0 : i32
    %dma_start3A_65 = tpu.memref_slice %arg6[%dma_start3A_56, %dma_start3A_63, %dma_start3A_64] : memref<16x16x128xf32, #tpu.memory_space<vmem>> -> memref<1x16x128xf32, #tpu.memory_space<vmem>>
    %dma_start3A_66 = tpu.memref_squeeze %dma_start3A_65 : memref<1x16x128xf32, #tpu.memory_space<vmem>> -> memref<16x128xf32, #tpu.memory_space<vmem>>
    %dma_start3A_67 = arith.constant 0 : i32
    %dma_start3A_68 = tpu.memref_slice %arg3[%dma_start3A_67, %multiple_of3A_55] : memref<16x1000000xf32, #tpu.memory_space<hbm>> -> memref<16x128xf32, #tpu.memory_space<hbm>>
    tpu.enqueue_dma source(%dma_start3A_68 : memref<16x128xf32, #tpu.memory_space<hbm>>) target(%dma_start3A_66 : memref<16x128xf32, #tpu.memory_space<vmem>>) target_semaphore(%arg9 : memref<!tpu.dma_semaphore, #tpu.memory_space<semaphore_mem>>)
    %slice3A_69 = vector.extract_strided_slice %mul3A_8 {offsets = [4], sizes = [1], strides = [1]} : vector<16xi32> to vector<1xi32>
    %squeeze3A_70 = vector.extract %slice3A_69[0] : i32 from vector<1xi32>
    %multiple_of3A_71 = tpu.assume_multiple %squeeze3A_70, 128 : i32
    %dma_start3A_72 = arith.constant 4 : i32
    %dma_start3A_73 = arith.constant 0 : i32
    %dma_start3A_74 = arith.constant 0 : i32
    %dma_start3A_75 = tpu.memref_slice %arg6[%dma_start3A_72, %dma_start3A_73, %dma_start3A_74] : memref<16x16x128xf32, #tpu.memory_space<vmem>> -> memref<1x16x128xf32, #tpu.memory_space<vmem>>
    %dma_start3A_76 = tpu.memref_squeeze %dma_start3A_75 : memref<1x16x128xf32, #tpu.memory_space<vmem>> -> memref<16x128xf32, #tpu.memory_space<vmem>>
    %dma_start3A_77 = arith.constant 0 : i32
    %dma_start3A_78 = tpu.memref_slice %arg3[%dma_start3A_77, %multiple_of3A_71] : memref<16x1000000xf32, #tpu.memory_space<hbm>> -> memref<16x128xf32, #tpu.memory_space<hbm>>
    %dma_start3A_79 = arith.constant 0 : i32
    %dma_start3A_80 = arith.constant 0 : i32
    %dma_start3A_81 = tpu.memref_slice %arg6[%dma_start3A_72, %dma_start3A_79, %dma_start3A_80] : memref<16x16x128xf32, #tpu.memory_space<vmem>> -> memref<1x16x128xf32, #tpu.memory_space<vmem>>
    %dma_start3A_82 = tpu.memref_squeeze %dma_start3A_81 : memref<1x16x128xf32, #tpu.memory_space<vmem>> -> memref<16x128xf32, #tpu.memory_space<vmem>>
    %dma_start3A_83 = arith.constant 0 : i32
    %dma_start3A_84 = tpu.memref_slice %arg3[%dma_start3A_83, %multiple_of3A_71] : memref<16x1000000xf32, #tpu.memory_space<hbm>> -> memref<16x128xf32, #tpu.memory_space<hbm>>
    tpu.enqueue_dma source(%dma_start3A_84 : memref<16x128xf32, #tpu.memory_space<hbm>>) target(%dma_start3A_82 : memref<16x128xf32, #tpu.memory_space<vmem>>) target_semaphore(%arg9 : memref<!tpu.dma_semaphore, #tpu.memory_space<semaphore_mem>>)
    %slice3A_85 = vector.extract_strided_slice %mul3A_8 {offsets = [5], sizes = [1], strides = [1]} : vector<16xi32> to vector<1xi32>
    %squeeze3A_86 = vector.extract %slice3A_85[0] : i32 from vector<1xi32>
    %multiple_of3A_87 = tpu.assume_multiple %squeeze3A_86, 128 : i32
    %dma_start3A_88 = arith.constant 5 : i32
    %dma_start3A_89 = arith.constant 0 : i32
    %dma_start3A_90 = arith.constant 0 : i32
    %dma_start3A_91 = tpu.memref_slice %arg6[%dma_start3A_88, %dma_start3A_89, %dma_start3A_90] : memref<16x16x128xf32, #tpu.memory_space<vmem>> -> memref<1x16x128xf32, #tpu.memory_space<vmem>>
    %dma_start3A_92 = tpu.memref_squeeze %dma_start3A_91 : memref<1x16x128xf32, #tpu.memory_space<vmem>> -> memref<16x128xf32, #tpu.memory_space<vmem>>
    %dma_start3A_93 = arith.constant 0 : i32
    %dma_start3A_94 = tpu.memref_slice %arg3[%dma_start3A_93, %multiple_of3A_87] : memref<16x1000000xf32, #tpu.memory_space<hbm>> -> memref<16x128xf32, #tpu.memory_space<hbm>>
    %dma_start3A_95 = arith.constant 0 : i32
    %dma_start3A_96 = arith.constant 0 : i32
    %dma_start3A_97 = tpu.memref_slice %arg6[%dma_start3A_88, %dma_start3A_95, %dma_start3A_96] : memref<16x16x128xf32, #tpu.memory_space<vmem>> -> memref<1x16x128xf32, #tpu.memory_space<vmem>>
    %dma_start3A_98 = tpu.memref_squeeze %dma_start3A_97 : memref<1x16x128xf32, #tpu.memory_space<vmem>> -> memref<16x128xf32, #tpu.memory_space<vmem>>
    %dma_start3A_99 = arith.constant 0 : i32
    %dma_start3A_100 = tpu.memref_slice %arg3[%dma_start3A_99, %multiple_of3A_87] : memref<16x1000000xf32, #tpu.memory_space<hbm>> -> memref<16x128xf32, #tpu.memory_space<hbm>>
    tpu.enqueue_dma source(%dma_start3A_100 : memref<16x128xf32, #tpu.memory_space<hbm>>) target(%dma_start3A_98 : memref<16x128xf32, #tpu.memory_space<vmem>>) target_semaphore(%arg9 : memref<!tpu.dma_semaphore, #tpu.memory_space<semaphore_mem>>)
    %slice3A_101 = vector.extract_strided_slice %mul3A_8 {offsets = [6], sizes = [1], strides = [1]} : vector<16xi32> to vector<1xi32>
    %squeeze3A_102 = vector.extract %slice3A_101[0] : i32 from vector<1xi32>
    %multiple_of3A_103 = tpu.assume_multiple %squeeze3A_102, 128 : i32
    %dma_start3A_104 = arith.constant 6 : i32
    %dma_start3A_105 = arith.constant 0 : i32
    %dma_start3A_106 = arith.constant 0 : i32
    %dma_start3A_107 = tpu.memref_slice %arg6[%dma_start3A_104, %dma_start3A_105, %dma_start3A_106] : memref<16x16x128xf32, #tpu.memory_space<vmem>> -> memref<1x16x128xf32, #tpu.memory_space<vmem>>
    %dma_start3A_108 = tpu.memref_squeeze %dma_start3A_107 : memref<1x16x128xf32, #tpu.memory_space<vmem>> -> memref<16x128xf32, #tpu.memory_space<vmem>>
    %dma_start3A_109 = arith.constant 0 : i32
    %dma_start3A_110 = tpu.memref_slice %arg3[%dma_start3A_109, %multiple_of3A_103] : memref<16x1000000xf32, #tpu.memory_space<hbm>> -> memref<16x128xf32, #tpu.memory_space<hbm>>
    %dma_start3A_111 = arith.constant 0 : i32
    %dma_start3A_112 = arith.constant 0 : i32
    %dma_start3A_113 = tpu.memref_slice %arg6[%dma_start3A_104, %dma_start3A_111, %dma_start3A_112] : memref<16x16x128xf32, #tpu.memory_space<vmem>> -> memref<1x16x128xf32, #tpu.memory_space<vmem>>
    %dma_start3A_114 = tpu.memref_squeeze %dma_start3A_113 : memref<1x16x128xf32, #tpu.memory_space<vmem>> -> memref<16x128xf32, #tpu.memory_space<vmem>>
    %dma_start3A_115 = arith.constant 0 : i32
    %dma_start3A_116 = tpu.memref_slice %arg3[%dma_start3A_115, %multiple_of3A_103] : memref<16x1000000xf32, #tpu.memory_space<hbm>> -> memref<16x128xf32, #tpu.memory_space<hbm>>
    tpu.enqueue_dma source(%dma_start3A_116 : memref<16x128xf32, #tpu.memory_space<hbm>>) target(%dma_start3A_114 : memref<16x128xf32, #tpu.memory_space<vmem>>) target_semaphore(%arg9 : memref<!tpu.dma_semaphore, #tpu.memory_space<semaphore_mem>>)
    %slice3A_117 = vector.extract_strided_slice %mul3A_8 {offsets = [7], sizes = [1], strides = [1]} : vector<16xi32> to vector<1xi32>
    %squeeze3A_118 = vector.extract %slice3A_117[0] : i32 from vector<1xi32>
    %multiple_of3A_119 = tpu.assume_multiple %squeeze3A_118, 128 : i32
    %dma_start3A_120 = arith.constant 7 : i32
    %dma_start3A_121 = arith.constant 0 : i32
    %dma_start3A_122 = arith.constant 0 : i32
    %dma_start3A_123 = tpu.memref_slice %arg6[%dma_start3A_120, %dma_start3A_121, %dma_start3A_122] : memref<16x16x128xf32, #tpu.memory_space<vmem>> -> memref<1x16x128xf32, #tpu.memory_space<vmem>>
    %dma_start3A_124 = tpu.memref_squeeze %dma_start3A_123 : memref<1x16x128xf32, #tpu.memory_space<vmem>> -> memref<16x128xf32, #tpu.memory_space<vmem>>
    %dma_start3A_125 = arith.constant 0 : i32
    %dma_start3A_126 = tpu.memref_slice %arg3[%dma_start3A_125, %multiple_of3A_119] : memref<16x1000000xf32, #tpu.memory_space<hbm>> -> memref<16x128xf32, #tpu.memory_space<hbm>>
    %dma_start3A_127 = arith.constant 0 : i32
    %dma_start3A_128 = arith.constant 0 : i32
    %dma_start3A_129 = tpu.memref_slice %arg6[%dma_start3A_120, %dma_start3A_127, %dma_start3A_128] : memref<16x16x128xf32, #tpu.memory_space<vmem>> -> memref<1x16x128xf32, #tpu.memory_space<vmem>>
    %dma_start3A_130 = tpu.memref_squeeze %dma_start3A_129 : memref<1x16x128xf32, #tpu.memory_space<vmem>> -> memref<16x128xf32, #tpu.memory_space<vmem>>
    %dma_start3A_131 = arith.constant 0 : i32
    %dma_start3A_132 = tpu.memref_slice %arg3[%dma_start3A_131, %multiple_of3A_119] : memref<16x1000000xf32, #tpu.memory_space<hbm>> -> memref<16x128xf32, #tpu.memory_space<hbm>>
    tpu.enqueue_dma source(%dma_start3A_132 : memref<16x128xf32, #tpu.memory_space<hbm>>) target(%dma_start3A_130 : memref<16x128xf32, #tpu.memory_space<vmem>>) target_semaphore(%arg9 : memref<!tpu.dma_semaphore, #tpu.memory_space<semaphore_mem>>)
    %slice3A_133 = vector.extract_strided_slice %mul3A_8 {offsets = [8], sizes = [1], strides = [1]} : vector<16xi32> to vector<1xi32>
    %squeeze3A_134 = vector.extract %slice3A_133[0] : i32 from vector<1xi32>
    %multiple_of3A_135 = tpu.assume_multiple %squeeze3A_134, 128 : i32
    %dma_start3A_136 = arith.constant 8 : i32
    %dma_start3A_137 = arith.constant 0 : i32
    %dma_start3A_138 = arith.constant 0 : i32
    %dma_start3A_139 = tpu.memref_slice %arg6[%dma_start3A_136, %dma_start3A_137, %dma_start3A_138] : memref<16x16x128xf32, #tpu.memory_space<vmem>> -> memref<1x16x128xf32, #tpu.memory_space<vmem>>
    %dma_start3A_140 = tpu.memref_squeeze %dma_start3A_139 : memref<1x16x128xf32, #tpu.memory_space<vmem>> -> memref<16x128xf32, #tpu.memory_space<vmem>>
    %dma_start3A_141 = arith.constant 0 : i32
    %dma_start3A_142 = tpu.memref_slice %arg3[%dma_start3A_141, %multiple_of3A_135] : memref<16x1000000xf32, #tpu.memory_space<hbm>> -> memref<16x128xf32, #tpu.memory_space<hbm>>
    %dma_start3A_143 = arith.constant 0 : i32
    %dma_start3A_144 = arith.constant 0 : i32
    %dma_start3A_145 = tpu.memref_slice %arg6[%dma_start3A_136, %dma_start3A_143, %dma_start3A_144] : memref<16x16x128xf32, #tpu.memory_space<vmem>> -> memref<1x16x128xf32, #tpu.memory_space<vmem>>
    %dma_start3A_146 = tpu.memref_squeeze %dma_start3A_145 : memref<1x16x128xf32, #tpu.memory_space<vmem>> -> memref<16x128xf32, #tpu.memory_space<vmem>>
    %dma_start3A_147 = arith.constant 0 : i32
    %dma_start3A_148 = tpu.memref_slice %arg3[%dma_start3A_147, %multiple_of3A_135] : memref<16x1000000xf32, #tpu.memory_space<hbm>> -> memref<16x128xf32, #tpu.memory_space<hbm>>
    tpu.enqueue_dma source(%dma_start3A_148 : memref<16x128xf32, #tpu.memory_space<hbm>>) target(%dma_start3A_146 : memref<16x128xf32, #tpu.memory_space<vmem>>) target_semaphore(%arg9 : memref<!tpu.dma_semaphore, #tpu.memory_space<semaphore_mem>>)
    %slice3A_149 = vector.extract_strided_slice %mul3A_8 {offsets = [9], sizes = [1], strides = [1]} : vector<16xi32> to vector<1xi32>
    %squeeze3A_150 = vector.extract %slice3A_149[0] : i32 from vector<1xi32>
    %multiple_of3A_151 = tpu.assume_multiple %squeeze3A_150, 128 : i32
    %dma_start3A_152 = arith.constant 9 : i32
    %dma_start3A_153 = arith.constant 0 : i32
    %dma_start3A_154 = arith.constant 0 : i32
    %dma_start3A_155 = tpu.memref_slice %arg6[%dma_start3A_152, %dma_start3A_153, %dma_start3A_154] : memref<16x16x128xf32, #tpu.memory_space<vmem>> -> memref<1x16x128xf32, #tpu.memory_space<vmem>>
    %dma_start3A_156 = tpu.memref_squeeze %dma_start3A_155 : memref<1x16x128xf32, #tpu.memory_space<vmem>> -> memref<16x128xf32, #tpu.memory_space<vmem>>
    %dma_start3A_157 = arith.constant 0 : i32
    %dma_start3A_158 = tpu.memref_slice %arg3[%dma_start3A_157, %multiple_of3A_151] : memref<16x1000000xf32, #tpu.memory_space<hbm>> -> memref<16x128xf32, #tpu.memory_space<hbm>>
    %dma_start3A_159 = arith.constant 0 : i32
    %dma_start3A_160 = arith.constant 0 : i32
    %dma_start3A_161 = tpu.memref_slice %arg6[%dma_start3A_152, %dma_start3A_159, %dma_start3A_160] : memref<16x16x128xf32, #tpu.memory_space<vmem>> -> memref<1x16x128xf32, #tpu.memory_space<vmem>>
    %dma_start3A_162 = tpu.memref_squeeze %dma_start3A_161 : memref<1x16x128xf32, #tpu.memory_space<vmem>> -> memref<16x128xf32, #tpu.memory_space<vmem>>
    %dma_start3A_163 = arith.constant 0 : i32
    %dma_start3A_164 = tpu.memref_slice %arg3[%dma_start3A_163, %multiple_of3A_151] : memref<16x1000000xf32, #tpu.memory_space<hbm>> -> memref<16x128xf32, #tpu.memory_space<hbm>>
    tpu.enqueue_dma source(%dma_start3A_164 : memref<16x128xf32, #tpu.memory_space<hbm>>) target(%dma_start3A_162 : memref<16x128xf32, #tpu.memory_space<vmem>>) target_semaphore(%arg9 : memref<!tpu.dma_semaphore, #tpu.memory_space<semaphore_mem>>)
    %slice3A_165 = vector.extract_strided_slice %mul3A_8 {offsets = [10], sizes = [1], strides = [1]} : vector<16xi32> to vector<1xi32>
    %squeeze3A_166 = vector.extract %slice3A_165[0] : i32 from vector<1xi32>
    %multiple_of3A_167 = tpu.assume_multiple %squeeze3A_166, 128 : i32
    %dma_start3A_168 = arith.constant 10 : i32
    %dma_start3A_169 = arith.constant 0 : i32
    %dma_start3A_170 = arith.constant 0 : i32
    %dma_start3A_171 = tpu.memref_slice %arg6[%dma_start3A_168, %dma_start3A_169, %dma_start3A_170] : memref<16x16x128xf32, #tpu.memory_space<vmem>> -> memref<1x16x128xf32, #tpu.memory_space<vmem>>
    %dma_start3A_172 = tpu.memref_squeeze %dma_start3A_171 : memref<1x16x128xf32, #tpu.memory_space<vmem>> -> memref<16x128xf32, #tpu.memory_space<vmem>>
    %dma_start3A_173 = arith.constant 0 : i32
    %dma_start3A_174 = tpu.memref_slice %arg3[%dma_start3A_173, %multiple_of3A_167] : memref<16x1000000xf32, #tpu.memory_space<hbm>> -> memref<16x128xf32, #tpu.memory_space<hbm>>
    %dma_start3A_175 = arith.constant 0 : i32
    %dma_start3A_176 = arith.constant 0 : i32
    %dma_start3A_177 = tpu.memref_slice %arg6[%dma_start3A_168, %dma_start3A_175, %dma_start3A_176] : memref<16x16x128xf32, #tpu.memory_space<vmem>> -> memref<1x16x128xf32, #tpu.memory_space<vmem>>
    %dma_start3A_178 = tpu.memref_squeeze %dma_start3A_177 : memref<1x16x128xf32, #tpu.memory_space<vmem>> -> memref<16x128xf32, #tpu.memory_space<vmem>>
    %dma_start3A_179 = arith.constant 0 : i32
    %dma_start3A_180 = tpu.memref_slice %arg3[%dma_start3A_179, %multiple_of3A_167] : memref<16x1000000xf32, #tpu.memory_space<hbm>> -> memref<16x128xf32, #tpu.memory_space<hbm>>
    tpu.enqueue_dma source(%dma_start3A_180 : memref<16x128xf32, #tpu.memory_space<hbm>>) target(%dma_start3A_178 : memref<16x128xf32, #tpu.memory_space<vmem>>) target_semaphore(%arg9 : memref<!tpu.dma_semaphore, #tpu.memory_space<semaphore_mem>>)
    %slice3A_181 = vector.extract_strided_slice %mul3A_8 {offsets = [11], sizes = [1], strides = [1]} : vector<16xi32> to vector<1xi32>
    %squeeze3A_182 = vector.extract %slice3A_181[0] : i32 from vector<1xi32>
    %multiple_of3A_183 = tpu.assume_multiple %squeeze3A_182, 128 : i32
    %dma_start3A_184 = arith.constant 11 : i32
    %dma_start3A_185 = arith.constant 0 : i32
    %dma_start3A_186 = arith.constant 0 : i32
    %dma_start3A_187 = tpu.memref_slice %arg6[%dma_start3A_184, %dma_start3A_185, %dma_start3A_186] : memref<16x16x128xf32, #tpu.memory_space<vmem>> -> memref<1x16x128xf32, #tpu.memory_space<vmem>>
    %dma_start3A_188 = tpu.memref_squeeze %dma_start3A_187 : memref<1x16x128xf32, #tpu.memory_space<vmem>> -> memref<16x128xf32, #tpu.memory_space<vmem>>
    %dma_start3A_189 = arith.constant 0 : i32
    %dma_start3A_190 = tpu.memref_slice %arg3[%dma_start3A_189, %multiple_of3A_183] : memref<16x1000000xf32, #tpu.memory_space<hbm>> -> memref<16x128xf32, #tpu.memory_space<hbm>>
    %dma_start3A_191 = arith.constant 0 : i32
    %dma_start3A_192 = arith.constant 0 : i32
    %dma_start3A_193 = tpu.memref_slice %arg6[%dma_start3A_184, %dma_start3A_191, %dma_start3A_192] : memref<16x16x128xf32, #tpu.memory_space<vmem>> -> memref<1x16x128xf32, #tpu.memory_space<vmem>>
    %dma_start3A_194 = tpu.memref_squeeze %dma_start3A_193 : memref<1x16x128xf32, #tpu.memory_space<vmem>> -> memref<16x128xf32, #tpu.memory_space<vmem>>
    %dma_start3A_195 = arith.constant 0 : i32
    %dma_start3A_196 = tpu.memref_slice %arg3[%dma_start3A_195, %multiple_of3A_183] : memref<16x1000000xf32, #tpu.memory_space<hbm>> -> memref<16x128xf32, #tpu.memory_space<hbm>>
    tpu.enqueue_dma source(%dma_start3A_196 : memref<16x128xf32, #tpu.memory_space<hbm>>) target(%dma_start3A_194 : memref<16x128xf32, #tpu.memory_space<vmem>>) target_semaphore(%arg9 : memref<!tpu.dma_semaphore, #tpu.memory_space<semaphore_mem>>)
    %slice3A_197 = vector.extract_strided_slice %mul3A_8 {offsets = [12], sizes = [1], strides = [1]} : vector<16xi32> to vector<1xi32>
    %squeeze3A_198 = vector.extract %slice3A_197[0] : i32 from vector<1xi32>
    %multiple_of3A_199 = tpu.assume_multiple %squeeze3A_198, 128 : i32
    %dma_start3A_200 = arith.constant 12 : i32
    %dma_start3A_201 = arith.constant 0 : i32
    %dma_start3A_202 = arith.constant 0 : i32
    %dma_start3A_203 = tpu.memref_slice %arg6[%dma_start3A_200, %dma_start3A_201, %dma_start3A_202] : memref<16x16x128xf32, #tpu.memory_space<vmem>> -> memref<1x16x128xf32, #tpu.memory_space<vmem>>
    %dma_start3A_204 = tpu.memref_squeeze %dma_start3A_203 : memref<1x16x128xf32, #tpu.memory_space<vmem>> -> memref<16x128xf32, #tpu.memory_space<vmem>>
    %dma_start3A_205 = arith.constant 0 : i32
    %dma_start3A_206 = tpu.memref_slice %arg3[%dma_start3A_205, %multiple_of3A_199] : memref<16x1000000xf32, #tpu.memory_space<hbm>> -> memref<16x128xf32, #tpu.memory_space<hbm>>
    %dma_start3A_207 = arith.constant 0 : i32
    %dma_start3A_208 = arith.constant 0 : i32
    %dma_start3A_209 = tpu.memref_slice %arg6[%dma_start3A_200, %dma_start3A_207, %dma_start3A_208] : memref<16x16x128xf32, #tpu.memory_space<vmem>> -> memref<1x16x128xf32, #tpu.memory_space<vmem>>
    %dma_start3A_210 = tpu.memref_squeeze %dma_start3A_209 : memref<1x16x128xf32, #tpu.memory_space<vmem>> -> memref<16x128xf32, #tpu.memory_space<vmem>>
    %dma_start3A_211 = arith.constant 0 : i32
    %dma_start3A_212 = tpu.memref_slice %arg3[%dma_start3A_211, %multiple_of3A_199] : memref<16x1000000xf32, #tpu.memory_space<hbm>> -> memref<16x128xf32, #tpu.memory_space<hbm>>
    tpu.enqueue_dma source(%dma_start3A_212 : memref<16x128xf32, #tpu.memory_space<hbm>>) target(%dma_start3A_210 : memref<16x128xf32, #tpu.memory_space<vmem>>) target_semaphore(%arg9 : memref<!tpu.dma_semaphore, #tpu.memory_space<semaphore_mem>>)
    %slice3A_213 = vector.extract_strided_slice %mul3A_8 {offsets = [13], sizes = [1], strides = [1]} : vector<16xi32> to vector<1xi32>
    %squeeze3A_214 = vector.extract %slice3A_213[0] : i32 from vector<1xi32>
    %multiple_of3A_215 = tpu.assume_multiple %squeeze3A_214, 128 : i32
    %dma_start3A_216 = arith.constant 13 : i32
    %dma_start3A_217 = arith.constant 0 : i32
    %dma_start3A_218 = arith.constant 0 : i32
    %dma_start3A_219 = tpu.memref_slice %arg6[%dma_start3A_216, %dma_start3A_217, %dma_start3A_218] : memref<16x16x128xf32, #tpu.memory_space<vmem>> -> memref<1x16x128xf32, #tpu.memory_space<vmem>>
    %dma_start3A_220 = tpu.memref_squeeze %dma_start3A_219 : memref<1x16x128xf32, #tpu.memory_space<vmem>> -> memref<16x128xf32, #tpu.memory_space<vmem>>
    %dma_start3A_221 = arith.constant 0 : i32
    %dma_start3A_222 = tpu.memref_slice %arg3[%dma_start3A_221, %multiple_of3A_215] : memref<16x1000000xf32, #tpu.memory_space<hbm>> -> memref<16x128xf32, #tpu.memory_space<hbm>>
    %dma_start3A_223 = arith.constant 0 : i32
    %dma_start3A_224 = arith.constant 0 : i32
    %dma_start3A_225 = tpu.memref_slice %arg6[%dma_start3A_216, %dma_start3A_223, %dma_start3A_224] : memref<16x16x128xf32, #tpu.memory_space<vmem>> -> memref<1x16x128xf32, #tpu.memory_space<vmem>>
    %dma_start3A_226 = tpu.memref_squeeze %dma_start3A_225 : memref<1x16x128xf32, #tpu.memory_space<vmem>> -> memref<16x128xf32, #tpu.memory_space<vmem>>
    %dma_start3A_227 = arith.constant 0 : i32
    %dma_start3A_228 = tpu.memref_slice %arg3[%dma_start3A_227, %multiple_of3A_215] : memref<16x1000000xf32, #tpu.memory_space<hbm>> -> memref<16x128xf32, #tpu.memory_space<hbm>>
    tpu.enqueue_dma source(%dma_start3A_228 : memref<16x128xf32, #tpu.memory_space<hbm>>) target(%dma_start3A_226 : memref<16x128xf32, #tpu.memory_space<vmem>>) target_semaphore(%arg9 : memref<!tpu.dma_semaphore, #tpu.memory_space<semaphore_mem>>)
    %slice3A_229 = vector.extract_strided_slice %mul3A_8 {offsets = [14], sizes = [1], strides = [1]} : vector<16xi32> to vector<1xi32>
    %squeeze3A_230 = vector.extract %slice3A_229[0] : i32 from vector<1xi32>
    %multiple_of3A_231 = tpu.assume_multiple %squeeze3A_230, 128 : i32
    %dma_start3A_232 = arith.constant 14 : i32
    %dma_start3A_233 = arith.constant 0 : i32
    %dma_start3A_234 = arith.constant 0 : i32
    %dma_start3A_235 = tpu.memref_slice %arg6[%dma_start3A_232, %dma_start3A_233, %dma_start3A_234] : memref<16x16x128xf32, #tpu.memory_space<vmem>> -> memref<1x16x128xf32, #tpu.memory_space<vmem>>
    %dma_start3A_236 = tpu.memref_squeeze %dma_start3A_235 : memref<1x16x128xf32, #tpu.memory_space<vmem>> -> memref<16x128xf32, #tpu.memory_space<vmem>>
    %dma_start3A_237 = arith.constant 0 : i32
    %dma_start3A_238 = tpu.memref_slice %arg3[%dma_start3A_237, %multiple_of3A_231] : memref<16x1000000xf32, #tpu.memory_space<hbm>> -> memref<16x128xf32, #tpu.memory_space<hbm>>
    %dma_start3A_239 = arith.constant 0 : i32
    %dma_start3A_240 = arith.constant 0 : i32
    %dma_start3A_241 = tpu.memref_slice %arg6[%dma_start3A_232, %dma_start3A_239, %dma_start3A_240] : memref<16x16x128xf32, #tpu.memory_space<vmem>> -> memref<1x16x128xf32, #tpu.memory_space<vmem>>
    %dma_start3A_242 = tpu.memref_squeeze %dma_start3A_241 : memref<1x16x128xf32, #tpu.memory_space<vmem>> -> memref<16x128xf32, #tpu.memory_space<vmem>>
    %dma_start3A_243 = arith.constant 0 : i32
    %dma_start3A_244 = tpu.memref_slice %arg3[%dma_start3A_243, %multiple_of3A_231] : memref<16x1000000xf32, #tpu.memory_space<hbm>> -> memref<16x128xf32, #tpu.memory_space<hbm>>
    tpu.enqueue_dma source(%dma_start3A_244 : memref<16x128xf32, #tpu.memory_space<hbm>>) target(%dma_start3A_242 : memref<16x128xf32, #tpu.memory_space<vmem>>) target_semaphore(%arg9 : memref<!tpu.dma_semaphore, #tpu.memory_space<semaphore_mem>>)
    %slice3A_245 = vector.extract_strided_slice %mul3A_8 {offsets = [15], sizes = [1], strides = [1]} : vector<16xi32> to vector<1xi32>
    %squeeze3A_246 = vector.extract %slice3A_245[0] : i32 from vector<1xi32>
    %multiple_of3A_247 = tpu.assume_multiple %squeeze3A_246, 128 : i32
    %dma_start3A_248 = arith.constant 15 : i32
    %dma_start3A_249 = arith.constant 0 : i32
    %dma_start3A_250 = arith.constant 0 : i32
    %dma_start3A_251 = tpu.memref_slice %arg6[%dma_start3A_248, %dma_start3A_249, %dma_start3A_250] : memref<16x16x128xf32, #tpu.memory_space<vmem>> -> memref<1x16x128xf32, #tpu.memory_space<vmem>>
    %dma_start3A_252 = tpu.memref_squeeze %dma_start3A_251 : memref<1x16x128xf32, #tpu.memory_space<vmem>> -> memref<16x128xf32, #tpu.memory_space<vmem>>
    %dma_start3A_253 = arith.constant 0 : i32
    %dma_start3A_254 = tpu.memref_slice %arg3[%dma_start3A_253, %multiple_of3A_247] : memref<16x1000000xf32, #tpu.memory_space<hbm>> -> memref<16x128xf32, #tpu.memory_space<hbm>>
    %dma_start3A_255 = arith.constant 0 : i32
    %dma_start3A_256 = arith.constant 0 : i32
    %dma_start3A_257 = tpu.memref_slice %arg6[%dma_start3A_248, %dma_start3A_255, %dma_start3A_256] : memref<16x16x128xf32, #tpu.memory_space<vmem>> -> memref<1x16x128xf32, #tpu.memory_space<vmem>>
    %dma_start3A_258 = tpu.memref_squeeze %dma_start3A_257 : memref<1x16x128xf32, #tpu.memory_space<vmem>> -> memref<16x128xf32, #tpu.memory_space<vmem>>
    %dma_start3A_259 = arith.constant 0 : i32
    %dma_start3A_260 = tpu.memref_slice %arg3[%dma_start3A_259, %multiple_of3A_247] : memref<16x1000000xf32, #tpu.memory_space<hbm>> -> memref<16x128xf32, #tpu.memory_space<hbm>>
    tpu.enqueue_dma source(%dma_start3A_260 : memref<16x128xf32, #tpu.memory_space<hbm>>) target(%dma_start3A_258 : memref<16x128xf32, #tpu.memory_space<vmem>>) target_semaphore(%arg9 : memref<!tpu.dma_semaphore, #tpu.memory_space<semaphore_mem>>)
    %scan3A = arith.constant 0 : i32
    %scan3A_261 = arith.constant 0 : i32
    %scan3A_262 = arith.constant 16 : i32
    %scan3A_263 = arith.addi %scan3A_261, %scan3A_262 : i32
    %scan3A_264 = arith.constant 1 : i32
    scf.for %scan3A_266 = %scan3A_261 to %scan3A_263 step %scan3A_264  : i32 {
      %mul3A_267 = arith.constant 2 : i32
      %mul3A_268 = arith.muli %scan3A_266, %mul3A_267 : i32
      %add3A_269 = arith.constant 1 : i32
      %add3A_270 = arith.addi %mul3A_268, %add3A_269 : i32
      %mul3A_271 = arith.constant 16 : i32
      %mul3A_272 = arith.muli %add3A_270, %mul3A_271 : i32
      %get3A_273 = arith.index_cast %mul3A_272 : i32 to index
      %get3A_274 = tpu.vector_load %arg5[%get3A_273] {strides = array<i32>} : memref<512xi32, #tpu.memory_space<vmem>>, vector<16xi32>,
      %shift_right_arithmetic3A_275 = arith.constant 7 : i32
      %shift_right_arithmetic3A_276 = vector.broadcast %shift_right_arithmetic3A_275 : i32 to vector<16xi32>
      %shift_right_arithmetic3A_277 = arith.shrsi %get3A_274, %shift_right_arithmetic3A_276 : vector<16xi32>
      %mul3A_278 = arith.constant 128 : i32
      %mul3A_279 = vector.broadcast %mul3A_278 : i32 to vector<16xi32>
      %mul3A_280 = arith.muli %shift_right_arithmetic3A_277, %mul3A_279 : vector<16xi32>
      %slice3A_281 = vector.extract_strided_slice %mul3A_280 {offsets = [0], sizes = [1], strides = [1]} : vector<16xi32> to vector<1xi32>
      %squeeze3A_282 = vector.extract %slice3A_281[0] : i32 from vector<1xi32>
      %multiple_of3A_283 = tpu.assume_multiple %squeeze3A_282, 128 : i32
      %dma_start3A_284 = arith.constant 0 : i32
      %dma_start3A_285 = arith.constant 0 : i32
      %dma_start3A_286 = arith.constant 0 : i32
      %dma_start3A_287 = tpu.memref_slice %arg7[%dma_start3A_284, %dma_start3A_285, %dma_start3A_286] : memref<16x16x128xf32, #tpu.memory_space<vmem>> -> memref<1x16x128xf32, #tpu.memory_space<vmem>>
      %dma_start3A_288 = tpu.memref_squeeze %dma_start3A_287 : memref<1x16x128xf32, #tpu.memory_space<vmem>> -> memref<16x128xf32, #tpu.memory_space<vmem>>
      %dma_start3A_289 = arith.constant 0 : i32
      %dma_start3A_290 = tpu.memref_slice %arg3[%dma_start3A_289, %multiple_of3A_283] : memref<16x1000000xf32, #tpu.memory_space<hbm>> -> memref<16x128xf32, #tpu.memory_space<hbm>>
      %dma_start3A_291 = arith.constant 0 : i32
      %dma_start3A_292 = arith.constant 0 : i32
      %dma_start3A_293 = tpu.memref_slice %arg7[%dma_start3A_284, %dma_start3A_291, %dma_start3A_292] : memref<16x16x128xf32, #tpu.memory_space<vmem>> -> memref<1x16x128xf32, #tpu.memory_space<vmem>>
      %dma_start3A_294 = tpu.memref_squeeze %dma_start3A_293 : memref<1x16x128xf32, #tpu.memory_space<vmem>> -> memref<16x128xf32, #tpu.memory_space<vmem>>
      %dma_start3A_295 = arith.constant 0 : i32
      %dma_start3A_296 = tpu.memref_slice %arg3[%dma_start3A_295, %multiple_of3A_283] : memref<16x1000000xf32, #tpu.memory_space<hbm>> -> memref<16x128xf32, #tpu.memory_space<hbm>>
      tpu.enqueue_dma source(%dma_start3A_296 : memref<16x128xf32, #tpu.memory_space<hbm>>) target(%dma_start3A_294 : memref<16x128xf32, #tpu.memory_space<vmem>>) target_semaphore(%arg10 : memref<!tpu.dma_semaphore, #tpu.memory_space<semaphore_mem>>)
      %slice3A_297 = vector.extract_strided_slice %mul3A_280 {offsets = [1], sizes = [1], strides = [1]} : vector<16xi32> to vector<1xi32>
      %squeeze3A_298 = vector.extract %slice3A_297[0] : i32 from vector<1xi32>
      %multiple_of3A_299 = tpu.assume_multiple %squeeze3A_298, 128 : i32
      %dma_start3A_300 = arith.constant 1 : i32
      %dma_start3A_301 = arith.constant 0 : i32
      %dma_start3A_302 = arith.constant 0 : i32
      %dma_start3A_303 = tpu.memref_slice %arg7[%dma_start3A_300, %dma_start3A_301, %dma_start3A_302] : memref<16x16x128xf32, #tpu.memory_space<vmem>> -> memref<1x16x128xf32, #tpu.memory_space<vmem>>
      %dma_start3A_304 = tpu.memref_squeeze %dma_start3A_303 : memref<1x16x128xf32, #tpu.memory_space<vmem>> -> memref<16x128xf32, #tpu.memory_space<vmem>>
      %dma_start3A_305 = arith.constant 0 : i32
      %dma_start3A_306 = tpu.memref_slice %arg3[%dma_start3A_305, %multiple_of3A_299] : memref<16x1000000xf32, #tpu.memory_space<hbm>> -> memref<16x128xf32, #tpu.memory_space<hbm>>
      %dma_start3A_307 = arith.constant 0 : i32
      %dma_start3A_308 = arith.constant 0 : i32
      %dma_start3A_309 = tpu.memref_slice %arg7[%dma_start3A_300, %dma_start3A_307, %dma_start3A_308] : memref<16x16x128xf32, #tpu.memory_space<vmem>> -> memref<1x16x128xf32, #tpu.memory_space<vmem>>
      %dma_start3A_310 = tpu.memref_squeeze %dma_start3A_309 : memref<1x16x128xf32, #tpu.memory_space<vmem>> -> memref<16x128xf32, #tpu.memory_space<vmem>>
      %dma_start3A_311 = arith.constant 0 : i32
      %dma_start3A_312 = tpu.memref_slice %arg3[%dma_start3A_311, %multiple_of3A_299] : memref<16x1000000xf32, #tpu.memory_space<hbm>> -> memref<16x128xf32, #tpu.memory_space<hbm>>
      tpu.enqueue_dma source(%dma_start3A_312 : memref<16x128xf32, #tpu.memory_space<hbm>>) target(%dma_start3A_310 : memref<16x128xf32, #tpu.memory_space<vmem>>) target_semaphore(%arg10 : memref<!tpu.dma_semaphore, #tpu.memory_space<semaphore_mem>>)
      %slice3A_313 = vector.extract_strided_slice %mul3A_280 {offsets = [2], sizes = [1], strides = [1]} : vector<16xi32> to vector<1xi32>
      %squeeze3A_314 = vector.extract %slice3A_313[0] : i32 from vector<1xi32>
      %multiple_of3A_315 = tpu.assume_multiple %squeeze3A_314, 128 : i32
      %dma_start3A_316 = arith.constant 2 : i32
      %dma_start3A_317 = arith.constant 0 : i32
      %dma_start3A_318 = arith.constant 0 : i32
      %dma_start3A_319 = tpu.memref_slice %arg7[%dma_start3A_316, %dma_start3A_317, %dma_start3A_318] : memref<16x16x128xf32, #tpu.memory_space<vmem>> -> memref<1x16x128xf32, #tpu.memory_space<vmem>>
      %dma_start3A_320 = tpu.memref_squeeze %dma_start3A_319 : memref<1x16x128xf32, #tpu.memory_space<vmem>> -> memref<16x128xf32, #tpu.memory_space<vmem>>
      %dma_start3A_321 = arith.constant 0 : i32
      %dma_start3A_322 = tpu.memref_slice %arg3[%dma_start3A_321, %multiple_of3A_315] : memref<16x1000000xf32, #tpu.memory_space<hbm>> -> memref<16x128xf32, #tpu.memory_space<hbm>>
      %dma_start3A_323 = arith.constant 0 : i32
      %dma_start3A_324 = arith.constant 0 : i32
      %dma_start3A_325 = tpu.memref_slice %arg7[%dma_start3A_316, %dma_start3A_323, %dma_start3A_324] : memref<16x16x128xf32, #tpu.memory_space<vmem>> -> memref<1x16x128xf32, #tpu.memory_space<vmem>>
      %dma_start3A_326 = tpu.memref_squeeze %dma_start3A_325 : memref<1x16x128xf32, #tpu.memory_space<vmem>> -> memref<16x128xf32, #tpu.memory_space<vmem>>
      %dma_start3A_327 = arith.constant 0 : i32
      %dma_start3A_328 = tpu.memref_slice %arg3[%dma_start3A_327, %multiple_of3A_315] : memref<16x1000000xf32, #tpu.memory_space<hbm>> -> memref<16x128xf32, #tpu.memory_space<hbm>>
      tpu.enqueue_dma source(%dma_start3A_328 : memref<16x128xf32, #tpu.memory_space<hbm>>) target(%dma_start3A_326 : memref<16x128xf32, #tpu.memory_space<vmem>>) target_semaphore(%arg10 : memref<!tpu.dma_semaphore, #tpu.memory_space<semaphore_mem>>)
      %slice3A_329 = vector.extract_strided_slice %mul3A_280 {offsets = [3], sizes = [1], strides = [1]} : vector<16xi32> to vector<1xi32>
      %squeeze3A_330 = vector.extract %slice3A_329[0] : i32 from vector<1xi32>
      %multiple_of3A_331 = tpu.assume_multiple %squeeze3A_330, 128 : i32
      %dma_start3A_332 = arith.constant 3 : i32
      %dma_start3A_333 = arith.constant 0 : i32
      %dma_start3A_334 = arith.constant 0 : i32
      %dma_start3A_335 = tpu.memref_slice %arg7[%dma_start3A_332, %dma_start3A_333, %dma_start3A_334] : memref<16x16x128xf32, #tpu.memory_space<vmem>> -> memref<1x16x128xf32, #tpu.memory_space<vmem>>
      %dma_start3A_336 = tpu.memref_squeeze %dma_start3A_335 : memref<1x16x128xf32, #tpu.memory_space<vmem>> -> memref<16x128xf32, #tpu.memory_space<vmem>>
      %dma_start3A_337 = arith.constant 0 : i32
      %dma_start3A_338 = tpu.memref_slice %arg3[%dma_start3A_337, %multiple_of3A_331] : memref<16x1000000xf32, #tpu.memory_space<hbm>> -> memref<16x128xf32, #tpu.memory_space<hbm>>
      %dma_start3A_339 = arith.constant 0 : i32
      %dma_start3A_340 = arith.constant 0 : i32
      %dma_start3A_341 = tpu.memref_slice %arg7[%dma_start3A_332, %dma_start3A_339, %dma_start3A_340] : memref<16x16x128xf32, #tpu.memory_space<vmem>> -> memref<1x16x128xf32, #tpu.memory_space<vmem>>
      %dma_start3A_342 = tpu.memref_squeeze %dma_start3A_341 : memref<1x16x128xf32, #tpu.memory_space<vmem>> -> memref<16x128xf32, #tpu.memory_space<vmem>>
      %dma_start3A_343 = arith.constant 0 : i32
      %dma_start3A_344 = tpu.memref_slice %arg3[%dma_start3A_343, %multiple_of3A_331] : memref<16x1000000xf32, #tpu.memory_space<hbm>> -> memref<16x128xf32, #tpu.memory_space<hbm>>
      tpu.enqueue_dma source(%dma_start3A_344 : memref<16x128xf32, #tpu.memory_space<hbm>>) target(%dma_start3A_342 : memref<16x128xf32, #tpu.memory_space<vmem>>) target_semaphore(%arg10 : memref<!tpu.dma_semaphore, #tpu.memory_space<semaphore_mem>>)
      %slice3A_345 = vector.extract_strided_slice %mul3A_280 {offsets = [4], sizes = [1], strides = [1]} : vector<16xi32> to vector<1xi32>
      %squeeze3A_346 = vector.extract %slice3A_345[0] : i32 from vector<1xi32>
      %multiple_of3A_347 = tpu.assume_multiple %squeeze3A_346, 128 : i32
      %dma_start3A_348 = arith.constant 4 : i32
      %dma_start3A_349 = arith.constant 0 : i32
      %dma_start3A_350 = arith.constant 0 : i32
      %dma_start3A_351 = tpu.memref_slice %arg7[%dma_start3A_348, %dma_start3A_349, %dma_start3A_350] : memref<16x16x128xf32, #tpu.memory_space<vmem>> -> memref<1x16x128xf32, #tpu.memory_space<vmem>>
      %dma_start3A_352 = tpu.memref_squeeze %dma_start3A_351 : memref<1x16x128xf32, #tpu.memory_space<vmem>> -> memref<16x128xf32, #tpu.memory_space<vmem>>
      %dma_start3A_353 = arith.constant 0 : i32
      %dma_start3A_354 = tpu.memref_slice %arg3[%dma_start3A_353, %multiple_of3A_347] : memref<16x1000000xf32, #tpu.memory_space<hbm>> -> memref<16x128xf32, #tpu.memory_space<hbm>>
      %dma_start3A_355 = arith.constant 0 : i32
      %dma_start3A_356 = arith.constant 0 : i32
      %dma_start3A_357 = tpu.memref_slice %arg7[%dma_start3A_348, %dma_start3A_355, %dma_start3A_356] : memref<16x16x128xf32, #tpu.memory_space<vmem>> -> memref<1x16x128xf32, #tpu.memory_space<vmem>>
      %dma_start3A_358 = tpu.memref_squeeze %dma_start3A_357 : memref<1x16x128xf32, #tpu.memory_space<vmem>> -> memref<16x128xf32, #tpu.memory_space<vmem>>
      %dma_start3A_359 = arith.constant 0 : i32
      %dma_start3A_360 = tpu.memref_slice %arg3[%dma_start3A_359, %multiple_of3A_347] : memref<16x1000000xf32, #tpu.memory_space<hbm>> -> memref<16x128xf32, #tpu.memory_space<hbm>>
      tpu.enqueue_dma source(%dma_start3A_360 : memref<16x128xf32, #tpu.memory_space<hbm>>) target(%dma_start3A_358 : memref<16x128xf32, #tpu.memory_space<vmem>>) target_semaphore(%arg10 : memref<!tpu.dma_semaphore, #tpu.memory_space<semaphore_mem>>)
      %slice3A_361 = vector.extract_strided_slice %mul3A_280 {offsets = [5], sizes = [1], strides = [1]} : vector<16xi32> to vector<1xi32>
      %squeeze3A_362 = vector.extract %slice3A_361[0] : i32 from vector<1xi32>
      %multiple_of3A_363 = tpu.assume_multiple %squeeze3A_362, 128 : i32
      %dma_start3A_364 = arith.constant 5 : i32
      %dma_start3A_365 = arith.constant 0 : i32
      %dma_start3A_366 = arith.constant 0 : i32
      %dma_start3A_367 = tpu.memref_slice %arg7[%dma_start3A_364, %dma_start3A_365, %dma_start3A_366] : memref<16x16x128xf32, #tpu.memory_space<vmem>> -> memref<1x16x128xf32, #tpu.memory_space<vmem>>
      %dma_start3A_368 = tpu.memref_squeeze %dma_start3A_367 : memref<1x16x128xf32, #tpu.memory_space<vmem>> -> memref<16x128xf32, #tpu.memory_space<vmem>>
      %dma_start3A_369 = arith.constant 0 : i32
      %dma_start3A_370 = tpu.memref_slice %arg3[%dma_start3A_369, %multiple_of3A_363] : memref<16x1000000xf32, #tpu.memory_space<hbm>> -> memref<16x128xf32, #tpu.memory_space<hbm>>
      %dma_start3A_371 = arith.constant 0 : i32
      %dma_start3A_372 = arith.constant 0 : i32
      %dma_start3A_373 = tpu.memref_slice %arg7[%dma_start3A_364, %dma_start3A_371, %dma_start3A_372] : memref<16x16x128xf32, #tpu.memory_space<vmem>> -> memref<1x16x128xf32, #tpu.memory_space<vmem>>
      %dma_start3A_374 = tpu.memref_squeeze %dma_start3A_373 : memref<1x16x128xf32, #tpu.memory_space<vmem>> -> memref<16x128xf32, #tpu.memory_space<vmem>>
      %dma_start3A_375 = arith.constant 0 : i32
      %dma_start3A_376 = tpu.memref_slice %arg3[%dma_start3A_375, %multiple_of3A_363] : memref<16x1000000xf32, #tpu.memory_space<hbm>> -> memref<16x128xf32, #tpu.memory_space<hbm>>
      tpu.enqueue_dma source(%dma_start3A_376 : memref<16x128xf32, #tpu.memory_space<hbm>>) target(%dma_start3A_374 : memref<16x128xf32, #tpu.memory_space<vmem>>) target_semaphore(%arg10 : memref<!tpu.dma_semaphore, #tpu.memory_space<semaphore_mem>>)
      %slice3A_377 = vector.extract_strided_slice %mul3A_280 {offsets = [6], sizes = [1], strides = [1]} : vector<16xi32> to vector<1xi32>
      %squeeze3A_378 = vector.extract %slice3A_377[0] : i32 from vector<1xi32>
      %multiple_of3A_379 = tpu.assume_multiple %squeeze3A_378, 128 : i32
      %dma_start3A_380 = arith.constant 6 : i32
      %dma_start3A_381 = arith.constant 0 : i32
      %dma_start3A_382 = arith.constant 0 : i32
      %dma_start3A_383 = tpu.memref_slice %arg7[%dma_start3A_380, %dma_start3A_381, %dma_start3A_382] : memref<16x16x128xf32, #tpu.memory_space<vmem>> -> memref<1x16x128xf32, #tpu.memory_space<vmem>>
      %dma_start3A_384 = tpu.memref_squeeze %dma_start3A_383 : memref<1x16x128xf32, #tpu.memory_space<vmem>> -> memref<16x128xf32, #tpu.memory_space<vmem>>
      %dma_start3A_385 = arith.constant 0 : i32
      %dma_start3A_386 = tpu.memref_slice %arg3[%dma_start3A_385, %multiple_of3A_379] : memref<16x1000000xf32, #tpu.memory_space<hbm>> -> memref<16x128xf32, #tpu.memory_space<hbm>>
      %dma_start3A_387 = arith.constant 0 : i32
      %dma_start3A_388 = arith.constant 0 : i32
      %dma_start3A_389 = tpu.memref_slice %arg7[%dma_start3A_380, %dma_start3A_387, %dma_start3A_388] : memref<16x16x128xf32, #tpu.memory_space<vmem>> -> memref<1x16x128xf32, #tpu.memory_space<vmem>>
      %dma_start3A_390 = tpu.memref_squeeze %dma_start3A_389 : memref<1x16x128xf32, #tpu.memory_space<vmem>> -> memref<16x128xf32, #tpu.memory_space<vmem>>
      %dma_start3A_391 = arith.constant 0 : i32
      %dma_start3A_392 = tpu.memref_slice %arg3[%dma_start3A_391, %multiple_of3A_379] : memref<16x1000000xf32, #tpu.memory_space<hbm>> -> memref<16x128xf32, #tpu.memory_space<hbm>>
      tpu.enqueue_dma source(%dma_start3A_392 : memref<16x128xf32, #tpu.memory_space<hbm>>) target(%dma_start3A_390 : memref<16x128xf32, #tpu.memory_space<vmem>>) target_semaphore(%arg10 : memref<!tpu.dma_semaphore, #tpu.memory_space<semaphore_mem>>)
      %slice3A_393 = vector.extract_strided_slice %mul3A_280 {offsets = [7], sizes = [1], strides = [1]} : vector<16xi32> to vector<1xi32>
      %squeeze3A_394 = vector.extract %slice3A_393[0] : i32 from vector<1xi32>
      %multiple_of3A_395 = tpu.assume_multiple %squeeze3A_394, 128 : i32
      %dma_start3A_396 = arith.constant 7 : i32
      %dma_start3A_397 = arith.constant 0 : i32
      %dma_start3A_398 = arith.constant 0 : i32
      %dma_start3A_399 = tpu.memref_slice %arg7[%dma_start3A_396, %dma_start3A_397, %dma_start3A_398] : memref<16x16x128xf32, #tpu.memory_space<vmem>> -> memref<1x16x128xf32, #tpu.memory_space<vmem>>
      %dma_start3A_400 = tpu.memref_squeeze %dma_start3A_399 : memref<1x16x128xf32, #tpu.memory_space<vmem>> -> memref<16x128xf32, #tpu.memory_space<vmem>>
      %dma_start3A_401 = arith.constant 0 : i32
      %dma_start3A_402 = tpu.memref_slice %arg3[%dma_start3A_401, %multiple_of3A_395] : memref<16x1000000xf32, #tpu.memory_space<hbm>> -> memref<16x128xf32, #tpu.memory_space<hbm>>
      %dma_start3A_403 = arith.constant 0 : i32
      %dma_start3A_404 = arith.constant 0 : i32
      %dma_start3A_405 = tpu.memref_slice %arg7[%dma_start3A_396, %dma_start3A_403, %dma_start3A_404] : memref<16x16x128xf32, #tpu.memory_space<vmem>> -> memref<1x16x128xf32, #tpu.memory_space<vmem>>
      %dma_start3A_406 = tpu.memref_squeeze %dma_start3A_405 : memref<1x16x128xf32, #tpu.memory_space<vmem>> -> memref<16x128xf32, #tpu.memory_space<vmem>>
      %dma_start3A_407 = arith.constant 0 : i32
      %dma_start3A_408 = tpu.memref_slice %arg3[%dma_start3A_407, %multiple_of3A_395] : memref<16x1000000xf32, #tpu.memory_space<hbm>> -> memref<16x128xf32, #tpu.memory_space<hbm>>
      tpu.enqueue_dma source(%dma_start3A_408 : memref<16x128xf32, #tpu.memory_space<hbm>>) target(%dma_start3A_406 : memref<16x128xf32, #tpu.memory_space<vmem>>) target_semaphore(%arg10 : memref<!tpu.dma_semaphore, #tpu.memory_space<semaphore_mem>>)
      %slice3A_409 = vector.extract_strided_slice %mul3A_280 {offsets = [8], sizes = [1], strides = [1]} : vector<16xi32> to vector<1xi32>
      %squeeze3A_410 = vector.extract %slice3A_409[0] : i32 from vector<1xi32>
      %multiple_of3A_411 = tpu.assume_multiple %squeeze3A_410, 128 : i32
      %dma_start3A_412 = arith.constant 8 : i32
      %dma_start3A_413 = arith.constant 0 : i32
      %dma_start3A_414 = arith.constant 0 : i32
      %dma_start3A_415 = tpu.memref_slice %arg7[%dma_start3A_412, %dma_start3A_413, %dma_start3A_414] : memref<16x16x128xf32, #tpu.memory_space<vmem>> -> memref<1x16x128xf32, #tpu.memory_space<vmem>>
      %dma_start3A_416 = tpu.memref_squeeze %dma_start3A_415 : memref<1x16x128xf32, #tpu.memory_space<vmem>> -> memref<16x128xf32, #tpu.memory_space<vmem>>
      %dma_start3A_417 = arith.constant 0 : i32
      %dma_start3A_418 = tpu.memref_slice %arg3[%dma_start3A_417, %multiple_of3A_411] : memref<16x1000000xf32, #tpu.memory_space<hbm>> -> memref<16x128xf32, #tpu.memory_space<hbm>>
      %dma_start3A_419 = arith.constant 0 : i32
      %dma_start3A_420 = arith.constant 0 : i32
      %dma_start3A_421 = tpu.memref_slice %arg7[%dma_start3A_412, %dma_start3A_419, %dma_start3A_420] : memref<16x16x128xf32, #tpu.memory_space<vmem>> -> memref<1x16x128xf32, #tpu.memory_space<vmem>>
      %dma_start3A_422 = tpu.memref_squeeze %dma_start3A_421 : memref<1x16x128xf32, #tpu.memory_space<vmem>> -> memref<16x128xf32, #tpu.memory_space<vmem>>
      %dma_start3A_423 = arith.constant 0 : i32
      %dma_start3A_424 = tpu.memref_slice %arg3[%dma_start3A_423, %multiple_of3A_411] : memref<16x1000000xf32, #tpu.memory_space<hbm>> -> memref<16x128xf32, #tpu.memory_space<hbm>>
      tpu.enqueue_dma source(%dma_start3A_424 : memref<16x128xf32, #tpu.memory_space<hbm>>) target(%dma_start3A_422 : memref<16x128xf32, #tpu.memory_space<vmem>>) target_semaphore(%arg10 : memref<!tpu.dma_semaphore, #tpu.memory_space<semaphore_mem>>)
      %slice3A_425 = vector.extract_strided_slice %mul3A_280 {offsets = [9], sizes = [1], strides = [1]} : vector<16xi32> to vector<1xi32>
      %squeeze3A_426 = vector.extract %slice3A_425[0] : i32 from vector<1xi32>
      %multiple_of3A_427 = tpu.assume_multiple %squeeze3A_426, 128 : i32
      %dma_start3A_428 = arith.constant 9 : i32
      %dma_start3A_429 = arith.constant 0 : i32
      %dma_start3A_430 = arith.constant 0 : i32
      %dma_start3A_431 = tpu.memref_slice %arg7[%dma_start3A_428, %dma_start3A_429, %dma_start3A_430] : memref<16x16x128xf32, #tpu.memory_space<vmem>> -> memref<1x16x128xf32, #tpu.memory_space<vmem>>
      %dma_start3A_432 = tpu.memref_squeeze %dma_start3A_431 : memref<1x16x128xf32, #tpu.memory_space<vmem>> -> memref<16x128xf32, #tpu.memory_space<vmem>>
      %dma_start3A_433 = arith.constant 0 : i32
      %dma_start3A_434 = tpu.memref_slice %arg3[%dma_start3A_433, %multiple_of3A_427] : memref<16x1000000xf32, #tpu.memory_space<hbm>> -> memref<16x128xf32, #tpu.memory_space<hbm>>
      %dma_start3A_435 = arith.constant 0 : i32
      %dma_start3A_436 = arith.constant 0 : i32
      %dma_start3A_437 = tpu.memref_slice %arg7[%dma_start3A_428, %dma_start3A_435, %dma_start3A_436] : memref<16x16x128xf32, #tpu.memory_space<vmem>> -> memref<1x16x128xf32, #tpu.memory_space<vmem>>
      %dma_start3A_438 = tpu.memref_squeeze %dma_start3A_437 : memref<1x16x128xf32, #tpu.memory_space<vmem>> -> memref<16x128xf32, #tpu.memory_space<vmem>>
      %dma_start3A_439 = arith.constant 0 : i32
      %dma_start3A_440 = tpu.memref_slice %arg3[%dma_start3A_439, %multiple_of3A_427] : memref<16x1000000xf32, #tpu.memory_space<hbm>> -> memref<16x128xf32, #tpu.memory_space<hbm>>
      tpu.enqueue_dma source(%dma_start3A_440 : memref<16x128xf32, #tpu.memory_space<hbm>>) target(%dma_start3A_438 : memref<16x128xf32, #tpu.memory_space<vmem>>) target_semaphore(%arg10 : memref<!tpu.dma_semaphore, #tpu.memory_space<semaphore_mem>>)
      %slice3A_441 = vector.extract_strided_slice %mul3A_280 {offsets = [10], sizes = [1], strides = [1]} : vector<16xi32> to vector<1xi32>
      %squeeze3A_442 = vector.extract %slice3A_441[0] : i32 from vector<1xi32>
      %multiple_of3A_443 = tpu.assume_multiple %squeeze3A_442, 128 : i32
      %dma_start3A_444 = arith.constant 10 : i32
      %dma_start3A_445 = arith.constant 0 : i32
      %dma_start3A_446 = arith.constant 0 : i32
      %dma_start3A_447 = tpu.memref_slice %arg7[%dma_start3A_444, %dma_start3A_445, %dma_start3A_446] : memref<16x16x128xf32, #tpu.memory_space<vmem>> -> memref<1x16x128xf32, #tpu.memory_space<vmem>>
      %dma_start3A_448 = tpu.memref_squeeze %dma_start3A_447 : memref<1x16x128xf32, #tpu.memory_space<vmem>> -> memref<16x128xf32, #tpu.memory_space<vmem>>
      %dma_start3A_449 = arith.constant 0 : i32
      %dma_start3A_450 = tpu.memref_slice %arg3[%dma_start3A_449, %multiple_of3A_443] : memref<16x1000000xf32, #tpu.memory_space<hbm>> -> memref<16x128xf32, #tpu.memory_space<hbm>>
      %dma_start3A_451 = arith.constant 0 : i32
      %dma_start3A_452 = arith.constant 0 : i32
      %dma_start3A_453 = tpu.memref_slice %arg7[%dma_start3A_444, %dma_start3A_451, %dma_start3A_452] : memref<16x16x128xf32, #tpu.memory_space<vmem>> -> memref<1x16x128xf32, #tpu.memory_space<vmem>>
      %dma_start3A_454 = tpu.memref_squeeze %dma_start3A_453 : memref<1x16x128xf32, #tpu.memory_space<vmem>> -> memref<16x128xf32, #tpu.memory_space<vmem>>
      %dma_start3A_455 = arith.constant 0 : i32
      %dma_start3A_456 = tpu.memref_slice %arg3[%dma_start3A_455, %multiple_of3A_443] : memref<16x1000000xf32, #tpu.memory_space<hbm>> -> memref<16x128xf32, #tpu.memory_space<hbm>>
      tpu.enqueue_dma source(%dma_start3A_456 : memref<16x128xf32, #tpu.memory_space<hbm>>) target(%dma_start3A_454 : memref<16x128xf32, #tpu.memory_space<vmem>>) target_semaphore(%arg10 : memref<!tpu.dma_semaphore, #tpu.memory_space<semaphore_mem>>)
      %slice3A_457 = vector.extract_strided_slice %mul3A_280 {offsets = [11], sizes = [1], strides = [1]} : vector<16xi32> to vector<1xi32>
      %squeeze3A_458 = vector.extract %slice3A_457[0] : i32 from vector<1xi32>
      %multiple_of3A_459 = tpu.assume_multiple %squeeze3A_458, 128 : i32
      %dma_start3A_460 = arith.constant 11 : i32
      %dma_start3A_461 = arith.constant 0 : i32
      %dma_start3A_462 = arith.constant 0 : i32
      %dma_start3A_463 = tpu.memref_slice %arg7[%dma_start3A_460, %dma_start3A_461, %dma_start3A_462] : memref<16x16x128xf32, #tpu.memory_space<vmem>> -> memref<1x16x128xf32, #tpu.memory_space<vmem>>
      %dma_start3A_464 = tpu.memref_squeeze %dma_start3A_463 : memref<1x16x128xf32, #tpu.memory_space<vmem>> -> memref<16x128xf32, #tpu.memory_space<vmem>>
      %dma_start3A_465 = arith.constant 0 : i32
      %dma_start3A_466 = tpu.memref_slice %arg3[%dma_start3A_465, %multiple_of3A_459] : memref<16x1000000xf32, #tpu.memory_space<hbm>> -> memref<16x128xf32, #tpu.memory_space<hbm>>
      %dma_start3A_467 = arith.constant 0 : i32
      %dma_start3A_468 = arith.constant 0 : i32
      %dma_start3A_469 = tpu.memref_slice %arg7[%dma_start3A_460, %dma_start3A_467, %dma_start3A_468] : memref<16x16x128xf32, #tpu.memory_space<vmem>> -> memref<1x16x128xf32, #tpu.memory_space<vmem>>
      %dma_start3A_470 = tpu.memref_squeeze %dma_start3A_469 : memref<1x16x128xf32, #tpu.memory_space<vmem>> -> memref<16x128xf32, #tpu.memory_space<vmem>>
      %dma_start3A_471 = arith.constant 0 : i32
      %dma_start3A_472 = tpu.memref_slice %arg3[%dma_start3A_471, %multiple_of3A_459] : memref<16x1000000xf32, #tpu.memory_space<hbm>> -> memref<16x128xf32, #tpu.memory_space<hbm>>
      tpu.enqueue_dma source(%dma_start3A_472 : memref<16x128xf32, #tpu.memory_space<hbm>>) target(%dma_start3A_470 : memref<16x128xf32, #tpu.memory_space<vmem>>) target_semaphore(%arg10 : memref<!tpu.dma_semaphore, #tpu.memory_space<semaphore_mem>>)
      %slice3A_473 = vector.extract_strided_slice %mul3A_280 {offsets = [12], sizes = [1], strides = [1]} : vector<16xi32> to vector<1xi32>
      %squeeze3A_474 = vector.extract %slice3A_473[0] : i32 from vector<1xi32>
      %multiple_of3A_475 = tpu.assume_multiple %squeeze3A_474, 128 : i32
      %dma_start3A_476 = arith.constant 12 : i32
      %dma_start3A_477 = arith.constant 0 : i32
      %dma_start3A_478 = arith.constant 0 : i32
      %dma_start3A_479 = tpu.memref_slice %arg7[%dma_start3A_476, %dma_start3A_477, %dma_start3A_478] : memref<16x16x128xf32, #tpu.memory_space<vmem>> -> memref<1x16x128xf32, #tpu.memory_space<vmem>>
      %dma_start3A_480 = tpu.memref_squeeze %dma_start3A_479 : memref<1x16x128xf32, #tpu.memory_space<vmem>> -> memref<16x128xf32, #tpu.memory_space<vmem>>
      %dma_start3A_481 = arith.constant 0 : i32
      %dma_start3A_482 = tpu.memref_slice %arg3[%dma_start3A_481, %multiple_of3A_475] : memref<16x1000000xf32, #tpu.memory_space<hbm>> -> memref<16x128xf32, #tpu.memory_space<hbm>>
      %dma_start3A_483 = arith.constant 0 : i32
      %dma_start3A_484 = arith.constant 0 : i32
      %dma_start3A_485 = tpu.memref_slice %arg7[%dma_start3A_476, %dma_start3A_483, %dma_start3A_484] : memref<16x16x128xf32, #tpu.memory_space<vmem>> -> memref<1x16x128xf32, #tpu.memory_space<vmem>>
      %dma_start3A_486 = tpu.memref_squeeze %dma_start3A_485 : memref<1x16x128xf32, #tpu.memory_space<vmem>> -> memref<16x128xf32, #tpu.memory_space<vmem>>
      %dma_start3A_487 = arith.constant 0 : i32
      %dma_start3A_488 = tpu.memref_slice %arg3[%dma_start3A_487, %multiple_of3A_475] : memref<16x1000000xf32, #tpu.memory_space<hbm>> -> memref<16x128xf32, #tpu.memory_space<hbm>>
      tpu.enqueue_dma source(%dma_start3A_488 : memref<16x128xf32, #tpu.memory_space<hbm>>) target(%dma_start3A_486 : memref<16x128xf32, #tpu.memory_space<vmem>>) target_semaphore(%arg10 : memref<!tpu.dma_semaphore, #tpu.memory_space<semaphore_mem>>)
      %slice3A_489 = vector.extract_strided_slice %mul3A_280 {offsets = [13], sizes = [1], strides = [1]} : vector<16xi32> to vector<1xi32>
      %squeeze3A_490 = vector.extract %slice3A_489[0] : i32 from vector<1xi32>
      %multiple_of3A_491 = tpu.assume_multiple %squeeze3A_490, 128 : i32
      %dma_start3A_492 = arith.constant 13 : i32
      %dma_start3A_493 = arith.constant 0 : i32
      %dma_start3A_494 = arith.constant 0 : i32
      %dma_start3A_495 = tpu.memref_slice %arg7[%dma_start3A_492, %dma_start3A_493, %dma_start3A_494] : memref<16x16x128xf32, #tpu.memory_space<vmem>> -> memref<1x16x128xf32, #tpu.memory_space<vmem>>
      %dma_start3A_496 = tpu.memref_squeeze %dma_start3A_495 : memref<1x16x128xf32, #tpu.memory_space<vmem>> -> memref<16x128xf32, #tpu.memory_space<vmem>>
      %dma_start3A_497 = arith.constant 0 : i32
      %dma_start3A_498 = tpu.memref_slice %arg3[%dma_start3A_497, %multiple_of3A_491] : memref<16x1000000xf32, #tpu.memory_space<hbm>> -> memref<16x128xf32, #tpu.memory_space<hbm>>
      %dma_start3A_499 = arith.constant 0 : i32
      %dma_start3A_500 = arith.constant 0 : i32
      %dma_start3A_501 = tpu.memref_slice %arg7[%dma_start3A_492, %dma_start3A_499, %dma_start3A_500] : memref<16x16x128xf32, #tpu.memory_space<vmem>> -> memref<1x16x128xf32, #tpu.memory_space<vmem>>
      %dma_start3A_502 = tpu.memref_squeeze %dma_start3A_501 : memref<1x16x128xf32, #tpu.memory_space<vmem>> -> memref<16x128xf32, #tpu.memory_space<vmem>>
      %dma_start3A_503 = arith.constant 0 : i32
      %dma_start3A_504 = tpu.memref_slice %arg3[%dma_start3A_503, %multiple_of3A_491] : memref<16x1000000xf32, #tpu.memory_space<hbm>> -> memref<16x128xf32, #tpu.memory_space<hbm>>
      tpu.enqueue_dma source(%dma_start3A_504 : memref<16x128xf32, #tpu.memory_space<hbm>>) target(%dma_start3A_502 : memref<16x128xf32, #tpu.memory_space<vmem>>) target_semaphore(%arg10 : memref<!tpu.dma_semaphore, #tpu.memory_space<semaphore_mem>>)
      %slice3A_505 = vector.extract_strided_slice %mul3A_280 {offsets = [14], sizes = [1], strides = [1]} : vector<16xi32> to vector<1xi32>
      %squeeze3A_506 = vector.extract %slice3A_505[0] : i32 from vector<1xi32>
      %multiple_of3A_507 = tpu.assume_multiple %squeeze3A_506, 128 : i32
      %dma_start3A_508 = arith.constant 14 : i32
      %dma_start3A_509 = arith.constant 0 : i32
      %dma_start3A_510 = arith.constant 0 : i32
      %dma_start3A_511 = tpu.memref_slice %arg7[%dma_start3A_508, %dma_start3A_509, %dma_start3A_510] : memref<16x16x128xf32, #tpu.memory_space<vmem>> -> memref<1x16x128xf32, #tpu.memory_space<vmem>>
      %dma_start3A_512 = tpu.memref_squeeze %dma_start3A_511 : memref<1x16x128xf32, #tpu.memory_space<vmem>> -> memref<16x128xf32, #tpu.memory_space<vmem>>
      %dma_start3A_513 = arith.constant 0 : i32
      %dma_start3A_514 = tpu.memref_slice %arg3[%dma_start3A_513, %multiple_of3A_507] : memref<16x1000000xf32, #tpu.memory_space<hbm>> -> memref<16x128xf32, #tpu.memory_space<hbm>>
      %dma_start3A_515 = arith.constant 0 : i32
      %dma_start3A_516 = arith.constant 0 : i32
      %dma_start3A_517 = tpu.memref_slice %arg7[%dma_start3A_508, %dma_start3A_515, %dma_start3A_516] : memref<16x16x128xf32, #tpu.memory_space<vmem>> -> memref<1x16x128xf32, #tpu.memory_space<vmem>>
      %dma_start3A_518 = tpu.memref_squeeze %dma_start3A_517 : memref<1x16x128xf32, #tpu.memory_space<vmem>> -> memref<16x128xf32, #tpu.memory_space<vmem>>
      %dma_start3A_519 = arith.constant 0 : i32
      %dma_start3A_520 = tpu.memref_slice %arg3[%dma_start3A_519, %multiple_of3A_507] : memref<16x1000000xf32, #tpu.memory_space<hbm>> -> memref<16x128xf32, #tpu.memory_space<hbm>>
      tpu.enqueue_dma source(%dma_start3A_520 : memref<16x128xf32, #tpu.memory_space<hbm>>) target(%dma_start3A_518 : memref<16x128xf32, #tpu.memory_space<vmem>>) target_semaphore(%arg10 : memref<!tpu.dma_semaphore, #tpu.memory_space<semaphore_mem>>)
      %slice3A_521 = vector.extract_strided_slice %mul3A_280 {offsets = [15], sizes = [1], strides = [1]} : vector<16xi32> to vector<1xi32>
      %squeeze3A_522 = vector.extract %slice3A_521[0] : i32 from vector<1xi32>
      %multiple_of3A_523 = tpu.assume_multiple %squeeze3A_522, 128 : i32
      %dma_start3A_524 = arith.constant 15 : i32
      %dma_start3A_525 = arith.constant 0 : i32
      %dma_start3A_526 = arith.constant 0 : i32
      %dma_start3A_527 = tpu.memref_slice %arg7[%dma_start3A_524, %dma_start3A_525, %dma_start3A_526] : memref<16x16x128xf32, #tpu.memory_space<vmem>> -> memref<1x16x128xf32, #tpu.memory_space<vmem>>
      %dma_start3A_528 = tpu.memref_squeeze %dma_start3A_527 : memref<1x16x128xf32, #tpu.memory_space<vmem>> -> memref<16x128xf32, #tpu.memory_space<vmem>>
      %dma_start3A_529 = arith.constant 0 : i32
      %dma_start3A_530 = tpu.memref_slice %arg3[%dma_start3A_529, %multiple_of3A_523] : memref<16x1000000xf32, #tpu.memory_space<hbm>> -> memref<16x128xf32, #tpu.memory_space<hbm>>
      %dma_start3A_531 = arith.constant 0 : i32
      %dma_start3A_532 = arith.constant 0 : i32
      %dma_start3A_533 = tpu.memref_slice %arg7[%dma_start3A_524, %dma_start3A_531, %dma_start3A_532] : memref<16x16x128xf32, #tpu.memory_space<vmem>> -> memref<1x16x128xf32, #tpu.memory_space<vmem>>
      %dma_start3A_534 = tpu.memref_squeeze %dma_start3A_533 : memref<1x16x128xf32, #tpu.memory_space<vmem>> -> memref<16x128xf32, #tpu.memory_space<vmem>>
      %dma_start3A_535 = arith.constant 0 : i32
      %dma_start3A_536 = tpu.memref_slice %arg3[%dma_start3A_535, %multiple_of3A_523] : memref<16x1000000xf32, #tpu.memory_space<hbm>> -> memref<16x128xf32, #tpu.memory_space<hbm>>
      tpu.enqueue_dma source(%dma_start3A_536 : memref<16x128xf32, #tpu.memory_space<hbm>>) target(%dma_start3A_534 : memref<16x128xf32, #tpu.memory_space<vmem>>) target_semaphore(%arg10 : memref<!tpu.dma_semaphore, #tpu.memory_space<semaphore_mem>>)
      %dma_wait3A = arith.constant 0 : i32
      %dma_wait3A_537 = arith.constant 0 : i32
      %dma_wait3A_538 = arith.constant 0 : i32
      %dma_wait3A_539 = tpu.memref_slice %arg6[%dma_wait3A, %dma_wait3A_537, %dma_wait3A_538] : memref<16x16x128xf32, #tpu.memory_space<vmem>> -> memref<1x16x128xf32, #tpu.memory_space<vmem>>
      %dma_wait3A_540 = tpu.memref_squeeze %dma_wait3A_539 : memref<1x16x128xf32, #tpu.memory_space<vmem>> -> memref<16x128xf32, #tpu.memory_space<vmem>>
      %dma_wait3A_541 = arith.constant 0 : i32
      %dma_wait3A_542 = arith.constant 0 : i32
      %dma_wait3A_543 = tpu.memref_slice %arg3[%dma_wait3A_541, %dma_wait3A_542] : memref<16x1000000xf32, #tpu.memory_space<hbm>> -> memref<16x128xf32, #tpu.memory_space<hbm>>
      %dma_wait3A_544 = arith.constant 0 : i32
      %dma_wait3A_545 = arith.constant 0 : i32
      %dma_wait3A_546 = tpu.memref_slice %arg6[%dma_wait3A, %dma_wait3A_544, %dma_wait3A_545] : memref<16x16x128xf32, #tpu.memory_space<vmem>> -> memref<1x16x128xf32, #tpu.memory_space<vmem>>
      %dma_wait3A_547 = tpu.memref_squeeze %dma_wait3A_546 : memref<1x16x128xf32, #tpu.memory_space<vmem>> -> memref<16x128xf32, #tpu.memory_space<vmem>>
      %dma_wait3A_548 = arith.constant 0 : i32
      %dma_wait3A_549 = arith.constant 0 : i32
      %dma_wait3A_550 = tpu.memref_slice %arg3[%dma_wait3A_548, %dma_wait3A_549] : memref<16x1000000xf32, #tpu.memory_space<hbm>> -> memref<16x128xf32, #tpu.memory_space<hbm>>
      tpu.wait_dma2 semaphore(%arg9 : memref<!tpu.dma_semaphore, #tpu.memory_space<semaphore_mem>>) src(%dma_wait3A_550 : memref<16x128xf32, #tpu.memory_space<hbm>>) dst(%dma_wait3A_547 : memref<16x128xf32, #tpu.memory_space<vmem>>)
      %dma_wait3A_551 = arith.constant 0 : i32
      %dma_wait3A_552 = arith.constant 0 : i32
      %dma_wait3A_553 = arith.constant 0 : i32
      %dma_wait3A_554 = tpu.memref_slice %arg6[%dma_wait3A_551, %dma_wait3A_552, %dma_wait3A_553] : memref<16x16x128xf32, #tpu.memory_space<vmem>> -> memref<1x16x128xf32, #tpu.memory_space<vmem>>
      %dma_wait3A_555 = tpu.memref_squeeze %dma_wait3A_554 : memref<1x16x128xf32, #tpu.memory_space<vmem>> -> memref<16x128xf32, #tpu.memory_space<vmem>>
      %dma_wait3A_556 = arith.constant 0 : i32
      %dma_wait3A_557 = arith.constant 0 : i32
      %dma_wait3A_558 = tpu.memref_slice %arg3[%dma_wait3A_556, %dma_wait3A_557] : memref<16x1000000xf32, #tpu.memory_space<hbm>> -> memref<16x128xf32, #tpu.memory_space<hbm>>
      %dma_wait3A_559 = arith.constant 0 : i32
      %dma_wait3A_560 = arith.constant 0 : i32
      %dma_wait3A_561 = tpu.memref_slice %arg6[%dma_wait3A_551, %dma_wait3A_559, %dma_wait3A_560] : memref<16x16x128xf32, #tpu.memory_space<vmem>> -> memref<1x16x128xf32, #tpu.memory_space<vmem>>
      %dma_wait3A_562 = tpu.memref_squeeze %dma_wait3A_561 : memref<1x16x128xf32, #tpu.memory_space<vmem>> -> memref<16x128xf32, #tpu.memory_space<vmem>>
      %dma_wait3A_563 = arith.constant 0 : i32
      %dma_wait3A_564 = arith.constant 0 : i32
      %dma_wait3A_565 = tpu.memref_slice %arg3[%dma_wait3A_563, %dma_wait3A_564] : memref<16x1000000xf32, #tpu.memory_space<hbm>> -> memref<16x128xf32, #tpu.memory_space<hbm>>
      tpu.wait_dma2 semaphore(%arg9 : memref<!tpu.dma_semaphore, #tpu.memory_space<semaphore_mem>>) src(%dma_wait3A_565 : memref<16x128xf32, #tpu.memory_space<hbm>>) dst(%dma_wait3A_562 : memref<16x128xf32, #tpu.memory_space<vmem>>)
      %dma_wait3A_566 = arith.constant 0 : i32
      %dma_wait3A_567 = arith.constant 0 : i32
      %dma_wait3A_568 = arith.constant 0 : i32
      %dma_wait3A_569 = tpu.memref_slice %arg6[%dma_wait3A_566, %dma_wait3A_567, %dma_wait3A_568] : memref<16x16x128xf32, #tpu.memory_space<vmem>> -> memref<1x16x128xf32, #tpu.memory_space<vmem>>
      %dma_wait3A_570 = tpu.memref_squeeze %dma_wait3A_569 : memref<1x16x128xf32, #tpu.memory_space<vmem>> -> memref<16x128xf32, #tpu.memory_space<vmem>>
      %dma_wait3A_571 = arith.constant 0 : i32
      %dma_wait3A_572 = arith.constant 0 : i32
      %dma_wait3A_573 = tpu.memref_slice %arg3[%dma_wait3A_571, %dma_wait3A_572] : memref<16x1000000xf32, #tpu.memory_space<hbm>> -> memref<16x128xf32, #tpu.memory_space<hbm>>
      %dma_wait3A_574 = arith.constant 0 : i32
      %dma_wait3A_575 = arith.constant 0 : i32
      %dma_wait3A_576 = tpu.memref_slice %arg6[%dma_wait3A_566, %dma_wait3A_574, %dma_wait3A_575] : memref<16x16x128xf32, #tpu.memory_space<vmem>> -> memref<1x16x128xf32, #tpu.memory_space<vmem>>
      %dma_wait3A_577 = tpu.memref_squeeze %dma_wait3A_576 : memref<1x16x128xf32, #tpu.memory_space<vmem>> -> memref<16x128xf32, #tpu.memory_space<vmem>>
      %dma_wait3A_578 = arith.constant 0 : i32
      %dma_wait3A_579 = arith.constant 0 : i32
      %dma_wait3A_580 = tpu.memref_slice %arg3[%dma_wait3A_578, %dma_wait3A_579] : memref<16x1000000xf32, #tpu.memory_space<hbm>> -> memref<16x128xf32, #tpu.memory_space<hbm>>
      tpu.wait_dma2 semaphore(%arg9 : memref<!tpu.dma_semaphore, #tpu.memory_space<semaphore_mem>>) src(%dma_wait3A_580 : memref<16x128xf32, #tpu.memory_space<hbm>>) dst(%dma_wait3A_577 : memref<16x128xf32, #tpu.memory_space<vmem>>)
      %dma_wait3A_581 = arith.constant 0 : i32
      %dma_wait3A_582 = arith.constant 0 : i32
      %dma_wait3A_583 = arith.constant 0 : i32
      %dma_wait3A_584 = tpu.memref_slice %arg6[%dma_wait3A_581, %dma_wait3A_582, %dma_wait3A_583] : memref<16x16x128xf32, #tpu.memory_space<vmem>> -> memref<1x16x128xf32, #tpu.memory_space<vmem>>
      %dma_wait3A_585 = tpu.memref_squeeze %dma_wait3A_584 : memref<1x16x128xf32, #tpu.memory_space<vmem>> -> memref<16x128xf32, #tpu.memory_space<vmem>>
      %dma_wait3A_586 = arith.constant 0 : i32
      %dma_wait3A_587 = arith.constant 0 : i32
      %dma_wait3A_588 = tpu.memref_slice %arg3[%dma_wait3A_586, %dma_wait3A_587] : memref<16x1000000xf32, #tpu.memory_space<hbm>> -> memref<16x128xf32, #tpu.memory_space<hbm>>
      %dma_wait3A_589 = arith.constant 0 : i32
      %dma_wait3A_590 = arith.constant 0 : i32
      %dma_wait3A_591 = tpu.memref_slice %arg6[%dma_wait3A_581, %dma_wait3A_589, %dma_wait3A_590] : memref<16x16x128xf32, #tpu.memory_space<vmem>> -> memref<1x16x128xf32, #tpu.memory_space<vmem>>
      %dma_wait3A_592 = tpu.memref_squeeze %dma_wait3A_591 : memref<1x16x128xf32, #tpu.memory_space<vmem>> -> memref<16x128xf32, #tpu.memory_space<vmem>>
      %dma_wait3A_593 = arith.constant 0 : i32
      %dma_wait3A_594 = arith.constant 0 : i32
      %dma_wait3A_595 = tpu.memref_slice %arg3[%dma_wait3A_593, %dma_wait3A_594] : memref<16x1000000xf32, #tpu.memory_space<hbm>> -> memref<16x128xf32, #tpu.memory_space<hbm>>
      tpu.wait_dma2 semaphore(%arg9 : memref<!tpu.dma_semaphore, #tpu.memory_space<semaphore_mem>>) src(%dma_wait3A_595 : memref<16x128xf32, #tpu.memory_space<hbm>>) dst(%dma_wait3A_592 : memref<16x128xf32, #tpu.memory_space<vmem>>)
      %dma_wait3A_596 = arith.constant 0 : i32
      %dma_wait3A_597 = arith.constant 0 : i32
      %dma_wait3A_598 = arith.constant 0 : i32
      %dma_wait3A_599 = tpu.memref_slice %arg6[%dma_wait3A_596, %dma_wait3A_597, %dma_wait3A_598] : memref<16x16x128xf32, #tpu.memory_space<vmem>> -> memref<1x16x128xf32, #tpu.memory_space<vmem>>
      %dma_wait3A_600 = tpu.memref_squeeze %dma_wait3A_599 : memref<1x16x128xf32, #tpu.memory_space<vmem>> -> memref<16x128xf32, #tpu.memory_space<vmem>>
      %dma_wait3A_601 = arith.constant 0 : i32
      %dma_wait3A_602 = arith.constant 0 : i32
      %dma_wait3A_603 = tpu.memref_slice %arg3[%dma_wait3A_601, %dma_wait3A_602] : memref<16x1000000xf32, #tpu.memory_space<hbm>> -> memref<16x128xf32, #tpu.memory_space<hbm>>
      %dma_wait3A_604 = arith.constant 0 : i32
      %dma_wait3A_605 = arith.constant 0 : i32
      %dma_wait3A_606 = tpu.memref_slice %arg6[%dma_wait3A_596, %dma_wait3A_604, %dma_wait3A_605] : memref<16x16x128xf32, #tpu.memory_space<vmem>> -> memref<1x16x128xf32, #tpu.memory_space<vmem>>
      %dma_wait3A_607 = tpu.memref_squeeze %dma_wait3A_606 : memref<1x16x128xf32, #tpu.memory_space<vmem>> -> memref<16x128xf32, #tpu.memory_space<vmem>>
      %dma_wait3A_608 = arith.constant 0 : i32
      %dma_wait3A_609 = arith.constant 0 : i32
      %dma_wait3A_610 = tpu.memref_slice %arg3[%dma_wait3A_608, %dma_wait3A_609] : memref<16x1000000xf32, #tpu.memory_space<hbm>> -> memref<16x128xf32, #tpu.memory_space<hbm>>
      tpu.wait_dma2 semaphore(%arg9 : memref<!tpu.dma_semaphore, #tpu.memory_space<semaphore_mem>>) src(%dma_wait3A_610 : memref<16x128xf32, #tpu.memory_space<hbm>>) dst(%dma_wait3A_607 : memref<16x128xf32, #tpu.memory_space<vmem>>)
      %dma_wait3A_611 = arith.constant 0 : i32
      %dma_wait3A_612 = arith.constant 0 : i32
      %dma_wait3A_613 = arith.constant 0 : i32
      %dma_wait3A_614 = tpu.memref_slice %arg6[%dma_wait3A_611, %dma_wait3A_612, %dma_wait3A_613] : memref<16x16x128xf32, #tpu.memory_space<vmem>> -> memref<1x16x128xf32, #tpu.memory_space<vmem>>
      %dma_wait3A_615 = tpu.memref_squeeze %dma_wait3A_614 : memref<1x16x128xf32, #tpu.memory_space<vmem>> -> memref<16x128xf32, #tpu.memory_space<vmem>>
      %dma_wait3A_616 = arith.constant 0 : i32
      %dma_wait3A_617 = arith.constant 0 : i32
      %dma_wait3A_618 = tpu.memref_slice %arg3[%dma_wait3A_616, %dma_wait3A_617] : memref<16x1000000xf32, #tpu.memory_space<hbm>> -> memref<16x128xf32, #tpu.memory_space<hbm>>
      %dma_wait3A_619 = arith.constant 0 : i32
      %dma_wait3A_620 = arith.constant 0 : i32
      %dma_wait3A_621 = tpu.memref_slice %arg6[%dma_wait3A_611, %dma_wait3A_619, %dma_wait3A_620] : memref<16x16x128xf32, #tpu.memory_space<vmem>> -> memref<1x16x128xf32, #tpu.memory_space<vmem>>
      %dma_wait3A_622 = tpu.memref_squeeze %dma_wait3A_621 : memref<1x16x128xf32, #tpu.memory_space<vmem>> -> memref<16x128xf32, #tpu.memory_space<vmem>>
      %dma_wait3A_623 = arith.constant 0 : i32
      %dma_wait3A_624 = arith.constant 0 : i32
      %dma_wait3A_625 = tpu.memref_slice %arg3[%dma_wait3A_623, %dma_wait3A_624] : memref<16x1000000xf32, #tpu.memory_space<hbm>> -> memref<16x128xf32, #tpu.memory_space<hbm>>
      tpu.wait_dma2 semaphore(%arg9 : memref<!tpu.dma_semaphore, #tpu.memory_space<semaphore_mem>>) src(%dma_wait3A_625 : memref<16x128xf32, #tpu.memory_space<hbm>>) dst(%dma_wait3A_622 : memref<16x128xf32, #tpu.memory_space<vmem>>)
      %dma_wait3A_626 = arith.constant 0 : i32
      %dma_wait3A_627 = arith.constant 0 : i32
      %dma_wait3A_628 = arith.constant 0 : i32
      %dma_wait3A_629 = tpu.memref_slice %arg6[%dma_wait3A_626, %dma_wait3A_627, %dma_wait3A_628] : memref<16x16x128xf32, #tpu.memory_space<vmem>> -> memref<1x16x128xf32, #tpu.memory_space<vmem>>
      %dma_wait3A_630 = tpu.memref_squeeze %dma_wait3A_629 : memref<1x16x128xf32, #tpu.memory_space<vmem>> -> memref<16x128xf32, #tpu.memory_space<vmem>>
      %dma_wait3A_631 = arith.constant 0 : i32
      %dma_wait3A_632 = arith.constant 0 : i32
      %dma_wait3A_633 = tpu.memref_slice %arg3[%dma_wait3A_631, %dma_wait3A_632] : memref<16x1000000xf32, #tpu.memory_space<hbm>> -> memref<16x128xf32, #tpu.memory_space<hbm>>
      %dma_wait3A_634 = arith.constant 0 : i32
      %dma_wait3A_635 = arith.constant 0 : i32
      %dma_wait3A_636 = tpu.memref_slice %arg6[%dma_wait3A_626, %dma_wait3A_634, %dma_wait3A_635] : memref<16x16x128xf32, #tpu.memory_space<vmem>> -> memref<1x16x128xf32, #tpu.memory_space<vmem>>
      %dma_wait3A_637 = tpu.memref_squeeze %dma_wait3A_636 : memref<1x16x128xf32, #tpu.memory_space<vmem>> -> memref<16x128xf32, #tpu.memory_space<vmem>>
      %dma_wait3A_638 = arith.constant 0 : i32
      %dma_wait3A_639 = arith.constant 0 : i32
      %dma_wait3A_640 = tpu.memref_slice %arg3[%dma_wait3A_638, %dma_wait3A_639] : memref<16x1000000xf32, #tpu.memory_space<hbm>> -> memref<16x128xf32, #tpu.memory_space<hbm>>
      tpu.wait_dma2 semaphore(%arg9 : memref<!tpu.dma_semaphore, #tpu.memory_space<semaphore_mem>>) src(%dma_wait3A_640 : memref<16x128xf32, #tpu.memory_space<hbm>>) dst(%dma_wait3A_637 : memref<16x128xf32, #tpu.memory_space<vmem>>)
      %dma_wait3A_641 = arith.constant 0 : i32
      %dma_wait3A_642 = arith.constant 0 : i32
      %dma_wait3A_643 = arith.constant 0 : i32
      %dma_wait3A_644 = tpu.memref_slice %arg6[%dma_wait3A_641, %dma_wait3A_642, %dma_wait3A_643] : memref<16x16x128xf32, #tpu.memory_space<vmem>> -> memref<1x16x128xf32, #tpu.memory_space<vmem>>
      %dma_wait3A_645 = tpu.memref_squeeze %dma_wait3A_644 : memref<1x16x128xf32, #tpu.memory_space<vmem>> -> memref<16x128xf32, #tpu.memory_space<vmem>>
      %dma_wait3A_646 = arith.constant 0 : i32
      %dma_wait3A_647 = arith.constant 0 : i32
      %dma_wait3A_648 = tpu.memref_slice %arg3[%dma_wait3A_646, %dma_wait3A_647] : memref<16x1000000xf32, #tpu.memory_space<hbm>> -> memref<16x128xf32, #tpu.memory_space<hbm>>
      %dma_wait3A_649 = arith.constant 0 : i32
      %dma_wait3A_650 = arith.constant 0 : i32
      %dma_wait3A_651 = tpu.memref_slice %arg6[%dma_wait3A_641, %dma_wait3A_649, %dma_wait3A_650] : memref<16x16x128xf32, #tpu.memory_space<vmem>> -> memref<1x16x128xf32, #tpu.memory_space<vmem>>
      %dma_wait3A_652 = tpu.memref_squeeze %dma_wait3A_651 : memref<1x16x128xf32, #tpu.memory_space<vmem>> -> memref<16x128xf32, #tpu.memory_space<vmem>>
      %dma_wait3A_653 = arith.constant 0 : i32
      %dma_wait3A_654 = arith.constant 0 : i32
      %dma_wait3A_655 = tpu.memref_slice %arg3[%dma_wait3A_653, %dma_wait3A_654] : memref<16x1000000xf32, #tpu.memory_space<hbm>> -> memref<16x128xf32, #tpu.memory_space<hbm>>
      tpu.wait_dma2 semaphore(%arg9 : memref<!tpu.dma_semaphore, #tpu.memory_space<semaphore_mem>>) src(%dma_wait3A_655 : memref<16x128xf32, #tpu.memory_space<hbm>>) dst(%dma_wait3A_652 : memref<16x128xf32, #tpu.memory_space<vmem>>)
      %dma_wait3A_656 = arith.constant 0 : i32
      %dma_wait3A_657 = arith.constant 0 : i32
      %dma_wait3A_658 = arith.constant 0 : i32
      %dma_wait3A_659 = tpu.memref_slice %arg6[%dma_wait3A_656, %dma_wait3A_657, %dma_wait3A_658] : memref<16x16x128xf32, #tpu.memory_space<vmem>> -> memref<1x16x128xf32, #tpu.memory_space<vmem>>
      %dma_wait3A_660 = tpu.memref_squeeze %dma_wait3A_659 : memref<1x16x128xf32, #tpu.memory_space<vmem>> -> memref<16x128xf32, #tpu.memory_space<vmem>>
      %dma_wait3A_661 = arith.constant 0 : i32
      %dma_wait3A_662 = arith.constant 0 : i32
      %dma_wait3A_663 = tpu.memref_slice %arg3[%dma_wait3A_661, %dma_wait3A_662] : memref<16x1000000xf32, #tpu.memory_space<hbm>> -> memref<16x128xf32, #tpu.memory_space<hbm>>
      %dma_wait3A_664 = arith.constant 0 : i32
      %dma_wait3A_665 = arith.constant 0 : i32
      %dma_wait3A_666 = tpu.memref_slice %arg6[%dma_wait3A_656, %dma_wait3A_664, %dma_wait3A_665] : memref<16x16x128xf32, #tpu.memory_space<vmem>> -> memref<1x16x128xf32, #tpu.memory_space<vmem>>
      %dma_wait3A_667 = tpu.memref_squeeze %dma_wait3A_666 : memref<1x16x128xf32, #tpu.memory_space<vmem>> -> memref<16x128xf32, #tpu.memory_space<vmem>>
      %dma_wait3A_668 = arith.constant 0 : i32
      %dma_wait3A_669 = arith.constant 0 : i32
      %dma_wait3A_670 = tpu.memref_slice %arg3[%dma_wait3A_668, %dma_wait3A_669] : memref<16x1000000xf32, #tpu.memory_space<hbm>> -> memref<16x128xf32, #tpu.memory_space<hbm>>
      tpu.wait_dma2 semaphore(%arg9 : memref<!tpu.dma_semaphore, #tpu.memory_space<semaphore_mem>>) src(%dma_wait3A_670 : memref<16x128xf32, #tpu.memory_space<hbm>>) dst(%dma_wait3A_667 : memref<16x128xf32, #tpu.memory_space<vmem>>)
      %dma_wait3A_671 = arith.constant 0 : i32
      %dma_wait3A_672 = arith.constant 0 : i32
      %dma_wait3A_673 = arith.constant 0 : i32
      %dma_wait3A_674 = tpu.memref_slice %arg6[%dma_wait3A_671, %dma_wait3A_672, %dma_wait3A_673] : memref<16x16x128xf32, #tpu.memory_space<vmem>> -> memref<1x16x128xf32, #tpu.memory_space<vmem>>
      %dma_wait3A_675 = tpu.memref_squeeze %dma_wait3A_674 : memref<1x16x128xf32, #tpu.memory_space<vmem>> -> memref<16x128xf32, #tpu.memory_space<vmem>>
      %dma_wait3A_676 = arith.constant 0 : i32
      %dma_wait3A_677 = arith.constant 0 : i32
      %dma_wait3A_678 = tpu.memref_slice %arg3[%dma_wait3A_676, %dma_wait3A_677] : memref<16x1000000xf32, #tpu.memory_space<hbm>> -> memref<16x128xf32, #tpu.memory_space<hbm>>
      %dma_wait3A_679 = arith.constant 0 : i32
      %dma_wait3A_680 = arith.constant 0 : i32
      %dma_wait3A_681 = tpu.memref_slice %arg6[%dma_wait3A_671, %dma_wait3A_679, %dma_wait3A_680] : memref<16x16x128xf32, #tpu.memory_space<vmem>> -> memref<1x16x128xf32, #tpu.memory_space<vmem>>
      %dma_wait3A_682 = tpu.memref_squeeze %dma_wait3A_681 : memref<1x16x128xf32, #tpu.memory_space<vmem>> -> memref<16x128xf32, #tpu.memory_space<vmem>>
      %dma_wait3A_683 = arith.constant 0 : i32
      %dma_wait3A_684 = arith.constant 0 : i32
      %dma_wait3A_685 = tpu.memref_slice %arg3[%dma_wait3A_683, %dma_wait3A_684] : memref<16x1000000xf32, #tpu.memory_space<hbm>> -> memref<16x128xf32, #tpu.memory_space<hbm>>
      tpu.wait_dma2 semaphore(%arg9 : memref<!tpu.dma_semaphore, #tpu.memory_space<semaphore_mem>>) src(%dma_wait3A_685 : memref<16x128xf32, #tpu.memory_space<hbm>>) dst(%dma_wait3A_682 : memref<16x128xf32, #tpu.memory_space<vmem>>)
      %dma_wait3A_686 = arith.constant 0 : i32
      %dma_wait3A_687 = arith.constant 0 : i32
      %dma_wait3A_688 = arith.constant 0 : i32
      %dma_wait3A_689 = tpu.memref_slice %arg6[%dma_wait3A_686, %dma_wait3A_687, %dma_wait3A_688] : memref<16x16x128xf32, #tpu.memory_space<vmem>> -> memref<1x16x128xf32, #tpu.memory_space<vmem>>
      %dma_wait3A_690 = tpu.memref_squeeze %dma_wait3A_689 : memref<1x16x128xf32, #tpu.memory_space<vmem>> -> memref<16x128xf32, #tpu.memory_space<vmem>>
      %dma_wait3A_691 = arith.constant 0 : i32
      %dma_wait3A_692 = arith.constant 0 : i32
      %dma_wait3A_693 = tpu.memref_slice %arg3[%dma_wait3A_691, %dma_wait3A_692] : memref<16x1000000xf32, #tpu.memory_space<hbm>> -> memref<16x128xf32, #tpu.memory_space<hbm>>
      %dma_wait3A_694 = arith.constant 0 : i32
      %dma_wait3A_695 = arith.constant 0 : i32
      %dma_wait3A_696 = tpu.memref_slice %arg6[%dma_wait3A_686, %dma_wait3A_694, %dma_wait3A_695] : memref<16x16x128xf32, #tpu.memory_space<vmem>> -> memref<1x16x128xf32, #tpu.memory_space<vmem>>
      %dma_wait3A_697 = tpu.memref_squeeze %dma_wait3A_696 : memref<1x16x128xf32, #tpu.memory_space<vmem>> -> memref<16x128xf32, #tpu.memory_space<vmem>>
      %dma_wait3A_698 = arith.constant 0 : i32
      %dma_wait3A_699 = arith.constant 0 : i32
      %dma_wait3A_700 = tpu.memref_slice %arg3[%dma_wait3A_698, %dma_wait3A_699] : memref<16x1000000xf32, #tpu.memory_space<hbm>> -> memref<16x128xf32, #tpu.memory_space<hbm>>
      tpu.wait_dma2 semaphore(%arg9 : memref<!tpu.dma_semaphore, #tpu.memory_space<semaphore_mem>>) src(%dma_wait3A_700 : memref<16x128xf32, #tpu.memory_space<hbm>>) dst(%dma_wait3A_697 : memref<16x128xf32, #tpu.memory_space<vmem>>)
      %dma_wait3A_701 = arith.constant 0 : i32
      %dma_wait3A_702 = arith.constant 0 : i32
      %dma_wait3A_703 = arith.constant 0 : i32
      %dma_wait3A_704 = tpu.memref_slice %arg6[%dma_wait3A_701, %dma_wait3A_702, %dma_wait3A_703] : memref<16x16x128xf32, #tpu.memory_space<vmem>> -> memref<1x16x128xf32, #tpu.memory_space<vmem>>
      %dma_wait3A_705 = tpu.memref_squeeze %dma_wait3A_704 : memref<1x16x128xf32, #tpu.memory_space<vmem>> -> memref<16x128xf32, #tpu.memory_space<vmem>>
      %dma_wait3A_706 = arith.constant 0 : i32
      %dma_wait3A_707 = arith.constant 0 : i32
      %dma_wait3A_708 = tpu.memref_slice %arg3[%dma_wait3A_706, %dma_wait3A_707] : memref<16x1000000xf32, #tpu.memory_space<hbm>> -> memref<16x128xf32, #tpu.memory_space<hbm>>
      %dma_wait3A_709 = arith.constant 0 : i32
      %dma_wait3A_710 = arith.constant 0 : i32
      %dma_wait3A_711 = tpu.memref_slice %arg6[%dma_wait3A_701, %dma_wait3A_709, %dma_wait3A_710] : memref<16x16x128xf32, #tpu.memory_space<vmem>> -> memref<1x16x128xf32, #tpu.memory_space<vmem>>
      %dma_wait3A_712 = tpu.memref_squeeze %dma_wait3A_711 : memref<1x16x128xf32, #tpu.memory_space<vmem>> -> memref<16x128xf32, #tpu.memory_space<vmem>>
      %dma_wait3A_713 = arith.constant 0 : i32
      %dma_wait3A_714 = arith.constant 0 : i32
      %dma_wait3A_715 = tpu.memref_slice %arg3[%dma_wait3A_713, %dma_wait3A_714] : memref<16x1000000xf32, #tpu.memory_space<hbm>> -> memref<16x128xf32, #tpu.memory_space<hbm>>
      tpu.wait_dma2 semaphore(%arg9 : memref<!tpu.dma_semaphore, #tpu.memory_space<semaphore_mem>>) src(%dma_wait3A_715 : memref<16x128xf32, #tpu.memory_space<hbm>>) dst(%dma_wait3A_712 : memref<16x128xf32, #tpu.memory_space<vmem>>)
      %dma_wait3A_716 = arith.constant 0 : i32
      %dma_wait3A_717 = arith.constant 0 : i32
      %dma_wait3A_718 = arith.constant 0 : i32
      %dma_wait3A_719 = tpu.memref_slice %arg6[%dma_wait3A_716, %dma_wait3A_717, %dma_wait3A_718] : memref<16x16x128xf32, #tpu.memory_space<vmem>> -> memref<1x16x128xf32, #tpu.memory_space<vmem>>
      %dma_wait3A_720 = tpu.memref_squeeze %dma_wait3A_719 : memref<1x16x128xf32, #tpu.memory_space<vmem>> -> memref<16x128xf32, #tpu.memory_space<vmem>>
      %dma_wait3A_721 = arith.constant 0 : i32
      %dma_wait3A_722 = arith.constant 0 : i32
      %dma_wait3A_723 = tpu.memref_slice %arg3[%dma_wait3A_721, %dma_wait3A_722] : memref<16x1000000xf32, #tpu.memory_space<hbm>> -> memref<16x128xf32, #tpu.memory_space<hbm>>
      %dma_wait3A_724 = arith.constant 0 : i32
      %dma_wait3A_725 = arith.constant 0 : i32
      %dma_wait3A_726 = tpu.memref_slice %arg6[%dma_wait3A_716, %dma_wait3A_724, %dma_wait3A_725] : memref<16x16x128xf32, #tpu.memory_space<vmem>> -> memref<1x16x128xf32, #tpu.memory_space<vmem>>
      %dma_wait3A_727 = tpu.memref_squeeze %dma_wait3A_726 : memref<1x16x128xf32, #tpu.memory_space<vmem>> -> memref<16x128xf32, #tpu.memory_space<vmem>>
      %dma_wait3A_728 = arith.constant 0 : i32
      %dma_wait3A_729 = arith.constant 0 : i32
      %dma_wait3A_730 = tpu.memref_slice %arg3[%dma_wait3A_728, %dma_wait3A_729] : memref<16x1000000xf32, #tpu.memory_space<hbm>> -> memref<16x128xf32, #tpu.memory_space<hbm>>
      tpu.wait_dma2 semaphore(%arg9 : memref<!tpu.dma_semaphore, #tpu.memory_space<semaphore_mem>>) src(%dma_wait3A_730 : memref<16x128xf32, #tpu.memory_space<hbm>>) dst(%dma_wait3A_727 : memref<16x128xf32, #tpu.memory_space<vmem>>)
      %dma_wait3A_731 = arith.constant 0 : i32
      %dma_wait3A_732 = arith.constant 0 : i32
      %dma_wait3A_733 = arith.constant 0 : i32
      %dma_wait3A_734 = tpu.memref_slice %arg6[%dma_wait3A_731, %dma_wait3A_732, %dma_wait3A_733] : memref<16x16x128xf32, #tpu.memory_space<vmem>> -> memref<1x16x128xf32, #tpu.memory_space<vmem>>
      %dma_wait3A_735 = tpu.memref_squeeze %dma_wait3A_734 : memref<1x16x128xf32, #tpu.memory_space<vmem>> -> memref<16x128xf32, #tpu.memory_space<vmem>>
      %dma_wait3A_736 = arith.constant 0 : i32
      %dma_wait3A_737 = arith.constant 0 : i32
      %dma_wait3A_738 = tpu.memref_slice %arg3[%dma_wait3A_736, %dma_wait3A_737] : memref<16x1000000xf32, #tpu.memory_space<hbm>> -> memref<16x128xf32, #tpu.memory_space<hbm>>
      %dma_wait3A_739 = arith.constant 0 : i32
      %dma_wait3A_740 = arith.constant 0 : i32
      %dma_wait3A_741 = tpu.memref_slice %arg6[%dma_wait3A_731, %dma_wait3A_739, %dma_wait3A_740] : memref<16x16x128xf32, #tpu.memory_space<vmem>> -> memref<1x16x128xf32, #tpu.memory_space<vmem>>
      %dma_wait3A_742 = tpu.memref_squeeze %dma_wait3A_741 : memref<1x16x128xf32, #tpu.memory_space<vmem>> -> memref<16x128xf32, #tpu.memory_space<vmem>>
      %dma_wait3A_743 = arith.constant 0 : i32
      %dma_wait3A_744 = arith.constant 0 : i32
      %dma_wait3A_745 = tpu.memref_slice %arg3[%dma_wait3A_743, %dma_wait3A_744] : memref<16x1000000xf32, #tpu.memory_space<hbm>> -> memref<16x128xf32, #tpu.memory_space<hbm>>
      tpu.wait_dma2 semaphore(%arg9 : memref<!tpu.dma_semaphore, #tpu.memory_space<semaphore_mem>>) src(%dma_wait3A_745 : memref<16x128xf32, #tpu.memory_space<hbm>>) dst(%dma_wait3A_742 : memref<16x128xf32, #tpu.memory_space<vmem>>)
      %dma_wait3A_746 = arith.constant 0 : i32
      %dma_wait3A_747 = arith.constant 0 : i32
      %dma_wait3A_748 = arith.constant 0 : i32
      %dma_wait3A_749 = tpu.memref_slice %arg6[%dma_wait3A_746, %dma_wait3A_747, %dma_wait3A_748] : memref<16x16x128xf32, #tpu.memory_space<vmem>> -> memref<1x16x128xf32, #tpu.memory_space<vmem>>
      %dma_wait3A_750 = tpu.memref_squeeze %dma_wait3A_749 : memref<1x16x128xf32, #tpu.memory_space<vmem>> -> memref<16x128xf32, #tpu.memory_space<vmem>>
      %dma_wait3A_751 = arith.constant 0 : i32
      %dma_wait3A_752 = arith.constant 0 : i32
      %dma_wait3A_753 = tpu.memref_slice %arg3[%dma_wait3A_751, %dma_wait3A_752] : memref<16x1000000xf32, #tpu.memory_space<hbm>> -> memref<16x128xf32, #tpu.memory_space<hbm>>
      %dma_wait3A_754 = arith.constant 0 : i32
      %dma_wait3A_755 = arith.constant 0 : i32
      %dma_wait3A_756 = tpu.memref_slice %arg6[%dma_wait3A_746, %dma_wait3A_754, %dma_wait3A_755] : memref<16x16x128xf32, #tpu.memory_space<vmem>> -> memref<1x16x128xf32, #tpu.memory_space<vmem>>
      %dma_wait3A_757 = tpu.memref_squeeze %dma_wait3A_756 : memref<1x16x128xf32, #tpu.memory_space<vmem>> -> memref<16x128xf32, #tpu.memory_space<vmem>>
      %dma_wait3A_758 = arith.constant 0 : i32
      %dma_wait3A_759 = arith.constant 0 : i32
      %dma_wait3A_760 = tpu.memref_slice %arg3[%dma_wait3A_758, %dma_wait3A_759] : memref<16x1000000xf32, #tpu.memory_space<hbm>> -> memref<16x128xf32, #tpu.memory_space<hbm>>
      tpu.wait_dma2 semaphore(%arg9 : memref<!tpu.dma_semaphore, #tpu.memory_space<semaphore_mem>>) src(%dma_wait3A_760 : memref<16x128xf32, #tpu.memory_space<hbm>>) dst(%dma_wait3A_757 : memref<16x128xf32, #tpu.memory_space<vmem>>)
      %dma_wait3A_761 = arith.constant 0 : i32
      %dma_wait3A_762 = arith.constant 0 : i32
      %dma_wait3A_763 = arith.constant 0 : i32
      %dma_wait3A_764 = tpu.memref_slice %arg6[%dma_wait3A_761, %dma_wait3A_762, %dma_wait3A_763] : memref<16x16x128xf32, #tpu.memory_space<vmem>> -> memref<1x16x128xf32, #tpu.memory_space<vmem>>
      %dma_wait3A_765 = tpu.memref_squeeze %dma_wait3A_764 : memref<1x16x128xf32, #tpu.memory_space<vmem>> -> memref<16x128xf32, #tpu.memory_space<vmem>>
      %dma_wait3A_766 = arith.constant 0 : i32
      %dma_wait3A_767 = arith.constant 0 : i32
      %dma_wait3A_768 = tpu.memref_slice %arg3[%dma_wait3A_766, %dma_wait3A_767] : memref<16x1000000xf32, #tpu.memory_space<hbm>> -> memref<16x128xf32, #tpu.memory_space<hbm>>
      %dma_wait3A_769 = arith.constant 0 : i32
      %dma_wait3A_770 = arith.constant 0 : i32
      %dma_wait3A_771 = tpu.memref_slice %arg6[%dma_wait3A_761, %dma_wait3A_769, %dma_wait3A_770] : memref<16x16x128xf32, #tpu.memory_space<vmem>> -> memref<1x16x128xf32, #tpu.memory_space<vmem>>
      %dma_wait3A_772 = tpu.memref_squeeze %dma_wait3A_771 : memref<1x16x128xf32, #tpu.memory_space<vmem>> -> memref<16x128xf32, #tpu.memory_space<vmem>>
      %dma_wait3A_773 = arith.constant 0 : i32
      %dma_wait3A_774 = arith.constant 0 : i32
      %dma_wait3A_775 = tpu.memref_slice %arg3[%dma_wait3A_773, %dma_wait3A_774] : memref<16x1000000xf32, #tpu.memory_space<hbm>> -> memref<16x128xf32, #tpu.memory_space<hbm>>
      tpu.wait_dma2 semaphore(%arg9 : memref<!tpu.dma_semaphore, #tpu.memory_space<semaphore_mem>>) src(%dma_wait3A_775 : memref<16x128xf32, #tpu.memory_space<hbm>>) dst(%dma_wait3A_772 : memref<16x128xf32, #tpu.memory_space<vmem>>)
      %mul3A_776 = arith.constant 16 : i32
      %mul3A_777 = arith.muli %mul3A_268, %mul3A_776 : i32
      %get3A_778 = arith.index_cast %mul3A_777 : i32 to index
      %get3A_779 = tpu.vector_load %arg5[%get3A_778] {strides = array<i32>} : memref<512xi32, #tpu.memory_space<vmem>>, vector<16xi32>,
      %and3A = arith.constant 127 : i32
      %and3A_780 = vector.broadcast %and3A : i32 to vector<16xi32>
      %and3A_781 = arith.andi %get3A_779, %and3A_780 : vector<16xi32>
      %broadcast_in_dim3A = arith.constant 0 : i32
      %broadcast_in_dim3A_782 = vector.broadcast %broadcast_in_dim3A : i32 to vector<16xi32>
      %gather3A = tpu.vector_load_idx %arg6[%iota3A, %broadcast_in_dim3A_782, %and3A_781] : memref<16x16x128xf32, #tpu.memory_space<vmem>>[vector<16xi32>, vector<16xi32>, vector<16xi32>], vector<16xf32>,
      %exp3A = math.exp %gather3A : vector<16xf32>
      %broadcast_in_dim3A_783 = arith.constant 1 : i32
      %broadcast_in_dim3A_784 = vector.broadcast %broadcast_in_dim3A_783 : i32 to vector<16xi32>
      %gather3A_785 = tpu.vector_load_idx %arg6[%iota3A, %broadcast_in_dim3A_784, %and3A_781] : memref<16x16x128xf32, #tpu.memory_space<vmem>>[vector<16xi32>, vector<16xi32>, vector<16xi32>], vector<16xf32>,
      %exp3A_786 = math.exp %gather3A_785 : vector<16xf32>
      %add3A_787 = arith.addf %exp3A, %exp3A_786 : vector<16xf32>
      %broadcast_in_dim3A_788 = arith.constant 2 : i32
      %broadcast_in_dim3A_789 = vector.broadcast %broadcast_in_dim3A_788 : i32 to vector<16xi32>
      %gather3A_790 = tpu.vector_load_idx %arg6[%iota3A, %broadcast_in_dim3A_789, %and3A_781] : memref<16x16x128xf32, #tpu.memory_space<vmem>>[vector<16xi32>, vector<16xi32>, vector<16xi32>], vector<16xf32>,
      %exp3A_791 = math.exp %gather3A_790 : vector<16xf32>
      %add3A_792 = arith.addf %add3A_787, %exp3A_791 : vector<16xf32>
      %broadcast_in_dim3A_793 = arith.constant 3 : i32
      %broadcast_in_dim3A_794 = vector.broadcast %broadcast_in_dim3A_793 : i32 to vector<16xi32>
      %gather3A_795 = tpu.vector_load_idx %arg6[%iota3A, %broadcast_in_dim3A_794, %and3A_781] : memref<16x16x128xf32, #tpu.memory_space<vmem>>[vector<16xi32>, vector<16xi32>, vector<16xi32>], vector<16xf32>,
      %exp3A_796 = math.exp %gather3A_795 : vector<16xf32>
      %add3A_797 = arith.addf %add3A_792, %exp3A_796 : vector<16xf32>
      %broadcast_in_dim3A_798 = arith.constant 4 : i32
      %broadcast_in_dim3A_799 = vector.broadcast %broadcast_in_dim3A_798 : i32 to vector<16xi32>
      %gather3A_800 = tpu.vector_load_idx %arg6[%iota3A, %broadcast_in_dim3A_799, %and3A_781] : memref<16x16x128xf32, #tpu.memory_space<vmem>>[vector<16xi32>, vector<16xi32>, vector<16xi32>], vector<16xf32>,
      %exp3A_801 = math.exp %gather3A_800 : vector<16xf32>
      %add3A_802 = arith.addf %add3A_797, %exp3A_801 : vector<16xf32>
      %broadcast_in_dim3A_803 = arith.constant 5 : i32
      %broadcast_in_dim3A_804 = vector.broadcast %broadcast_in_dim3A_803 : i32 to vector<16xi32>
      %gather3A_805 = tpu.vector_load_idx %arg6[%iota3A, %broadcast_in_dim3A_804, %and3A_781] : memref<16x16x128xf32, #tpu.memory_space<vmem>>[vector<16xi32>, vector<16xi32>, vector<16xi32>], vector<16xf32>,
      %exp3A_806 = math.exp %gather3A_805 : vector<16xf32>
      %add3A_807 = arith.addf %add3A_802, %exp3A_806 : vector<16xf32>
      %broadcast_in_dim3A_808 = arith.constant 6 : i32
      %broadcast_in_dim3A_809 = vector.broadcast %broadcast_in_dim3A_808 : i32 to vector<16xi32>
      %gather3A_810 = tpu.vector_load_idx %arg6[%iota3A, %broadcast_in_dim3A_809, %and3A_781] : memref<16x16x128xf32, #tpu.memory_space<vmem>>[vector<16xi32>, vector<16xi32>, vector<16xi32>], vector<16xf32>,
      %exp3A_811 = math.exp %gather3A_810 : vector<16xf32>
      %add3A_812 = arith.addf %add3A_807, %exp3A_811 : vector<16xf32>
      %broadcast_in_dim3A_813 = arith.constant 7 : i32
      %broadcast_in_dim3A_814 = vector.broadcast %broadcast_in_dim3A_813 : i32 to vector<16xi32>
      %gather3A_815 = tpu.vector_load_idx %arg6[%iota3A, %broadcast_in_dim3A_814, %and3A_781] : memref<16x16x128xf32, #tpu.memory_space<vmem>>[vector<16xi32>, vector<16xi32>, vector<16xi32>], vector<16xf32>,
      %exp3A_816 = math.exp %gather3A_815 : vector<16xf32>
      %add3A_817 = arith.addf %add3A_812, %exp3A_816 : vector<16xf32>
      %broadcast_in_dim3A_818 = arith.constant 8 : i32
      %broadcast_in_dim3A_819 = vector.broadcast %broadcast_in_dim3A_818 : i32 to vector<16xi32>
      %gather3A_820 = tpu.vector_load_idx %arg6[%iota3A, %broadcast_in_dim3A_819, %and3A_781] : memref<16x16x128xf32, #tpu.memory_space<vmem>>[vector<16xi32>, vector<16xi32>, vector<16xi32>], vector<16xf32>,
      %exp3A_821 = math.exp %gather3A_820 : vector<16xf32>
      %add3A_822 = arith.addf %add3A_817, %exp3A_821 : vector<16xf32>
      %broadcast_in_dim3A_823 = arith.constant 9 : i32
      %broadcast_in_dim3A_824 = vector.broadcast %broadcast_in_dim3A_823 : i32 to vector<16xi32>
      %gather3A_825 = tpu.vector_load_idx %arg6[%iota3A, %broadcast_in_dim3A_824, %and3A_781] : memref<16x16x128xf32, #tpu.memory_space<vmem>>[vector<16xi32>, vector<16xi32>, vector<16xi32>], vector<16xf32>,
      %exp3A_826 = math.exp %gather3A_825 : vector<16xf32>
      %add3A_827 = arith.addf %add3A_822, %exp3A_826 : vector<16xf32>
      %broadcast_in_dim3A_828 = arith.constant 10 : i32
      %broadcast_in_dim3A_829 = vector.broadcast %broadcast_in_dim3A_828 : i32 to vector<16xi32>
      %gather3A_830 = tpu.vector_load_idx %arg6[%iota3A, %broadcast_in_dim3A_829, %and3A_781] : memref<16x16x128xf32, #tpu.memory_space<vmem>>[vector<16xi32>, vector<16xi32>, vector<16xi32>], vector<16xf32>,
      %exp3A_831 = math.exp %gather3A_830 : vector<16xf32>
      %add3A_832 = arith.addf %add3A_827, %exp3A_831 : vector<16xf32>
      %broadcast_in_dim3A_833 = arith.constant 11 : i32
      %broadcast_in_dim3A_834 = vector.broadcast %broadcast_in_dim3A_833 : i32 to vector<16xi32>
      %gather3A_835 = tpu.vector_load_idx %arg6[%iota3A, %broadcast_in_dim3A_834, %and3A_781] : memref<16x16x128xf32, #tpu.memory_space<vmem>>[vector<16xi32>, vector<16xi32>, vector<16xi32>], vector<16xf32>,
      %exp3A_836 = math.exp %gather3A_835 : vector<16xf32>
      %add3A_837 = arith.addf %add3A_832, %exp3A_836 : vector<16xf32>
      %broadcast_in_dim3A_838 = arith.constant 12 : i32
      %broadcast_in_dim3A_839 = vector.broadcast %broadcast_in_dim3A_838 : i32 to vector<16xi32>
      %gather3A_840 = tpu.vector_load_idx %arg6[%iota3A, %broadcast_in_dim3A_839, %and3A_781] : memref<16x16x128xf32, #tpu.memory_space<vmem>>[vector<16xi32>, vector<16xi32>, vector<16xi32>], vector<16xf32>,
      %exp3A_841 = math.exp %gather3A_840 : vector<16xf32>
      %add3A_842 = arith.addf %add3A_837, %exp3A_841 : vector<16xf32>
      %broadcast_in_dim3A_843 = arith.constant 13 : i32
      %broadcast_in_dim3A_844 = vector.broadcast %broadcast_in_dim3A_843 : i32 to vector<16xi32>
      %gather3A_845 = tpu.vector_load_idx %arg6[%iota3A, %broadcast_in_dim3A_844, %and3A_781] : memref<16x16x128xf32, #tpu.memory_space<vmem>>[vector<16xi32>, vector<16xi32>, vector<16xi32>], vector<16xf32>,
      %exp3A_846 = math.exp %gather3A_845 : vector<16xf32>
      %add3A_847 = arith.addf %add3A_842, %exp3A_846 : vector<16xf32>
      %broadcast_in_dim3A_848 = arith.constant 14 : i32
      %broadcast_in_dim3A_849 = vector.broadcast %broadcast_in_dim3A_848 : i32 to vector<16xi32>
      %gather3A_850 = tpu.vector_load_idx %arg6[%iota3A, %broadcast_in_dim3A_849, %and3A_781] : memref<16x16x128xf32, #tpu.memory_space<vmem>>[vector<16xi32>, vector<16xi32>, vector<16xi32>], vector<16xf32>,
      %exp3A_851 = math.exp %gather3A_850 : vector<16xf32>
      %add3A_852 = arith.addf %add3A_847, %exp3A_851 : vector<16xf32>
      %broadcast_in_dim3A_853 = arith.constant 15 : i32
      %broadcast_in_dim3A_854 = vector.broadcast %broadcast_in_dim3A_853 : i32 to vector<16xi32>
      %gather3A_855 = tpu.vector_load_idx %arg6[%iota3A, %broadcast_in_dim3A_854, %and3A_781] : memref<16x16x128xf32, #tpu.memory_space<vmem>>[vector<16xi32>, vector<16xi32>, vector<16xi32>], vector<16xf32>,
      %exp3A_856 = math.exp %gather3A_855 : vector<16xf32>
      %add3A_857 = arith.addf %add3A_852, %exp3A_856 : vector<16xf32>
      %div3A = arith.constant 1.000000e+00 : f32
      %div3A_858 = vector.broadcast %div3A : f32 to vector<16xf32>
      %div3A_859 = arith.divf %div3A_858, %add3A_857 : vector<16xf32>
      %mul3A_860 = arith.constant 16 : i32
      %mul3A_861 = arith.muli %mul3A_268, %mul3A_860 : i32
      %add3A_862 = vector.broadcast %mul3A_861 : i32 to vector<16xi32>
      %add3A_863 = arith.addi %add3A_862, %iota3A : vector<16xi32>
      %broadcast_in_dim3A_864 = arith.constant 0 : i32
      %broadcast_in_dim3A_865 = vector.broadcast %broadcast_in_dim3A_864 : i32 to vector<16xi32>
      %mul3A_866 = arith.mulf %exp3A, %div3A_859 : vector<16xf32>
      tpu.vector_store_idx %arg8[%broadcast_in_dim3A_865, %add3A_863], %mul3A_866 : memref<16x512xf32, #tpu.memory_space<vmem>>[vector<16xi32>, vector<16xi32>], vector<16xf32>,
      %broadcast_in_dim3A_867 = arith.constant 1 : i32
      %broadcast_in_dim3A_868 = vector.broadcast %broadcast_in_dim3A_867 : i32 to vector<16xi32>
      %mul3A_869 = arith.mulf %exp3A_786, %div3A_859 : vector<16xf32>
      tpu.vector_store_idx %arg8[%broadcast_in_dim3A_868, %add3A_863], %mul3A_869 : memref<16x512xf32, #tpu.memory_space<vmem>>[vector<16xi32>, vector<16xi32>], vector<16xf32>,
      %broadcast_in_dim3A_870 = arith.constant 2 : i32
      %broadcast_in_dim3A_871 = vector.broadcast %broadcast_in_dim3A_870 : i32 to vector<16xi32>
      %mul3A_872 = arith.mulf %exp3A_791, %div3A_859 : vector<16xf32>
      tpu.vector_store_idx %arg8[%broadcast_in_dim3A_871, %add3A_863], %mul3A_872 : memref<16x512xf32, #tpu.memory_space<vmem>>[vector<16xi32>, vector<16xi32>], vector<16xf32>,
      %broadcast_in_dim3A_873 = arith.constant 3 : i32
      %broadcast_in_dim3A_874 = vector.broadcast %broadcast_in_dim3A_873 : i32 to vector<16xi32>
      %mul3A_875 = arith.mulf %exp3A_796, %div3A_859 : vector<16xf32>
      tpu.vector_store_idx %arg8[%broadcast_in_dim3A_874, %add3A_863], %mul3A_875 : memref<16x512xf32, #tpu.memory_space<vmem>>[vector<16xi32>, vector<16xi32>], vector<16xf32>,
      %broadcast_in_dim3A_876 = arith.constant 4 : i32
      %broadcast_in_dim3A_877 = vector.broadcast %broadcast_in_dim3A_876 : i32 to vector<16xi32>
      %mul3A_878 = arith.mulf %exp3A_801, %div3A_859 : vector<16xf32>
      tpu.vector_store_idx %arg8[%broadcast_in_dim3A_877, %add3A_863], %mul3A_878 : memref<16x512xf32, #tpu.memory_space<vmem>>[vector<16xi32>, vector<16xi32>], vector<16xf32>,
      %broadcast_in_dim3A_879 = arith.constant 5 : i32
      %broadcast_in_dim3A_880 = vector.broadcast %broadcast_in_dim3A_879 : i32 to vector<16xi32>
      %mul3A_881 = arith.mulf %exp3A_806, %div3A_859 : vector<16xf32>
      tpu.vector_store_idx %arg8[%broadcast_in_dim3A_880, %add3A_863], %mul3A_881 : memref<16x512xf32, #tpu.memory_space<vmem>>[vector<16xi32>, vector<16xi32>], vector<16xf32>,
      %broadcast_in_dim3A_882 = arith.constant 6 : i32
      %broadcast_in_dim3A_883 = vector.broadcast %broadcast_in_dim3A_882 : i32 to vector<16xi32>
      %mul3A_884 = arith.mulf %exp3A_811, %div3A_859 : vector<16xf32>
      tpu.vector_store_idx %arg8[%broadcast_in_dim3A_883, %add3A_863], %mul3A_884 : memref<16x512xf32, #tpu.memory_space<vmem>>[vector<16xi32>, vector<16xi32>], vector<16xf32>,
      %broadcast_in_dim3A_885 = arith.constant 7 : i32
      %broadcast_in_dim3A_886 = vector.broadcast %broadcast_in_dim3A_885 : i32 to vector<16xi32>
      %mul3A_887 = arith.mulf %exp3A_816, %div3A_859 : vector<16xf32>
      tpu.vector_store_idx %arg8[%broadcast_in_dim3A_886, %add3A_863], %mul3A_887 : memref<16x512xf32, #tpu.memory_space<vmem>>[vector<16xi32>, vector<16xi32>], vector<16xf32>,
      %broadcast_in_dim3A_888 = arith.constant 8 : i32
      %broadcast_in_dim3A_889 = vector.broadcast %broadcast_in_dim3A_888 : i32 to vector<16xi32>
      %mul3A_890 = arith.mulf %exp3A_821, %div3A_859 : vector<16xf32>
      tpu.vector_store_idx %arg8[%broadcast_in_dim3A_889, %add3A_863], %mul3A_890 : memref<16x512xf32, #tpu.memory_space<vmem>>[vector<16xi32>, vector<16xi32>], vector<16xf32>,
      %broadcast_in_dim3A_891 = arith.constant 9 : i32
      %broadcast_in_dim3A_892 = vector.broadcast %broadcast_in_dim3A_891 : i32 to vector<16xi32>
      %mul3A_893 = arith.mulf %exp3A_826, %div3A_859 : vector<16xf32>
      tpu.vector_store_idx %arg8[%broadcast_in_dim3A_892, %add3A_863], %mul3A_893 : memref<16x512xf32, #tpu.memory_space<vmem>>[vector<16xi32>, vector<16xi32>], vector<16xf32>,
      %broadcast_in_dim3A_894 = arith.constant 10 : i32
      %broadcast_in_dim3A_895 = vector.broadcast %broadcast_in_dim3A_894 : i32 to vector<16xi32>
      %mul3A_896 = arith.mulf %exp3A_831, %div3A_859 : vector<16xf32>
      tpu.vector_store_idx %arg8[%broadcast_in_dim3A_895, %add3A_863], %mul3A_896 : memref<16x512xf32, #tpu.memory_space<vmem>>[vector<16xi32>, vector<16xi32>], vector<16xf32>,
      %broadcast_in_dim3A_897 = arith.constant 11 : i32
      %broadcast_in_dim3A_898 = vector.broadcast %broadcast_in_dim3A_897 : i32 to vector<16xi32>
      %mul3A_899 = arith.mulf %exp3A_836, %div3A_859 : vector<16xf32>
      tpu.vector_store_idx %arg8[%broadcast_in_dim3A_898, %add3A_863], %mul3A_899 : memref<16x512xf32, #tpu.memory_space<vmem>>[vector<16xi32>, vector<16xi32>], vector<16xf32>,
      %broadcast_in_dim3A_900 = arith.constant 12 : i32
      %broadcast_in_dim3A_901 = vector.broadcast %broadcast_in_dim3A_900 : i32 to vector<16xi32>
      %mul3A_902 = arith.mulf %exp3A_841, %div3A_859 : vector<16xf32>
      tpu.vector_store_idx %arg8[%broadcast_in_dim3A_901, %add3A_863], %mul3A_902 : memref<16x512xf32, #tpu.memory_space<vmem>>[vector<16xi32>, vector<16xi32>], vector<16xf32>,
      %broadcast_in_dim3A_903 = arith.constant 13 : i32
      %broadcast_in_dim3A_904 = vector.broadcast %broadcast_in_dim3A_903 : i32 to vector<16xi32>
      %mul3A_905 = arith.mulf %exp3A_846, %div3A_859 : vector<16xf32>
      tpu.vector_store_idx %arg8[%broadcast_in_dim3A_904, %add3A_863], %mul3A_905 : memref<16x512xf32, #tpu.memory_space<vmem>>[vector<16xi32>, vector<16xi32>], vector<16xf32>,
      %broadcast_in_dim3A_906 = arith.constant 14 : i32
      %broadcast_in_dim3A_907 = vector.broadcast %broadcast_in_dim3A_906 : i32 to vector<16xi32>
      %mul3A_908 = arith.mulf %exp3A_851, %div3A_859 : vector<16xf32>
      tpu.vector_store_idx %arg8[%broadcast_in_dim3A_907, %add3A_863], %mul3A_908 : memref<16x512xf32, #tpu.memory_space<vmem>>[vector<16xi32>, vector<16xi32>], vector<16xf32>,
      %broadcast_in_dim3A_909 = arith.constant 15 : i32
      %broadcast_in_dim3A_910 = vector.broadcast %broadcast_in_dim3A_909 : i32 to vector<16xi32>
      %mul3A_911 = arith.mulf %exp3A_856, %div3A_859 : vector<16xf32>
      tpu.vector_store_idx %arg8[%broadcast_in_dim3A_910, %add3A_863], %mul3A_911 : memref<16x512xf32, #tpu.memory_space<vmem>>[vector<16xi32>, vector<16xi32>], vector<16xf32>,
      %add3A_912 = arith.constant 1 : i32
      %add3A_913 = arith.addi %scan3A_266, %add3A_912 : i32
      %lt3A = arith.constant 16 : i32
      %lt3A_914 = arith.cmpi slt, %add3A_913, %lt3A : i32
      %convert_element_type3A = arith.extui %lt3A_914 : i1 to i32
      %cond3A = arith.constant 0 : i32
      %cond3A_915 = arith.cmpi ne, %convert_element_type3A, %cond3A : i32
      scf.if %cond3A_915 {
        %add3A_1299 = arith.constant 2 : i32
        %add3A_1300 = arith.addi %mul3A_268, %add3A_1299 : i32
        %mul3A_1301 = arith.constant 16 : i32
        %mul3A_1302 = arith.muli %add3A_1300, %mul3A_1301 : i32
        %get3A_1303 = arith.index_cast %mul3A_1302 : i32 to index
        %get3A_1304 = tpu.vector_load %arg5[%get3A_1303] {strides = array<i32>} : memref<512xi32, #tpu.memory_space<vmem>>, vector<16xi32>,
        %shift_right_arithmetic3A_1305 = arith.constant 7 : i32
        %shift_right_arithmetic3A_1306 = vector.broadcast %shift_right_arithmetic3A_1305 : i32 to vector<16xi32>
        %shift_right_arithmetic3A_1307 = arith.shrsi %get3A_1304, %shift_right_arithmetic3A_1306 : vector<16xi32>
        %mul3A_1308 = arith.constant 128 : i32
        %mul3A_1309 = vector.broadcast %mul3A_1308 : i32 to vector<16xi32>
        %mul3A_1310 = arith.muli %shift_right_arithmetic3A_1307, %mul3A_1309 : vector<16xi32>
        %slice3A_1311 = vector.extract_strided_slice %mul3A_1310 {offsets = [0], sizes = [1], strides = [1]} : vector<16xi32> to vector<1xi32>
        %squeeze3A_1312 = vector.extract %slice3A_1311[0] : i32 from vector<1xi32>
        %multiple_of3A_1313 = tpu.assume_multiple %squeeze3A_1312, 128 : i32
        %dma_start3A_1314 = arith.constant 0 : i32
        %dma_start3A_1315 = arith.constant 0 : i32
        %dma_start3A_1316 = arith.constant 0 : i32
        %dma_start3A_1317 = tpu.memref_slice %arg6[%dma_start3A_1314, %dma_start3A_1315, %dma_start3A_1316] : memref<16x16x128xf32, #tpu.memory_space<vmem>> -> memref<1x16x128xf32, #tpu.memory_space<vmem>>
        %dma_start3A_1318 = tpu.memref_squeeze %dma_start3A_1317 : memref<1x16x128xf32, #tpu.memory_space<vmem>> -> memref<16x128xf32, #tpu.memory_space<vmem>>
        %dma_start3A_1319 = arith.constant 0 : i32
        %dma_start3A_1320 = tpu.memref_slice %arg3[%dma_start3A_1319, %multiple_of3A_1313] : memref<16x1000000xf32, #tpu.memory_space<hbm>> -> memref<16x128xf32, #tpu.memory_space<hbm>>
        %dma_start3A_1321 = arith.constant 0 : i32
        %dma_start3A_1322 = arith.constant 0 : i32
        %dma_start3A_1323 = tpu.memref_slice %arg6[%dma_start3A_1314, %dma_start3A_1321, %dma_start3A_1322] : memref<16x16x128xf32, #tpu.memory_space<vmem>> -> memref<1x16x128xf32, #tpu.memory_space<vmem>>
        %dma_start3A_1324 = tpu.memref_squeeze %dma_start3A_1323 : memref<1x16x128xf32, #tpu.memory_space<vmem>> -> memref<16x128xf32, #tpu.memory_space<vmem>>
        %dma_start3A_1325 = arith.constant 0 : i32
        %dma_start3A_1326 = tpu.memref_slice %arg3[%dma_start3A_1325, %multiple_of3A_1313] : memref<16x1000000xf32, #tpu.memory_space<hbm>> -> memref<16x128xf32, #tpu.memory_space<hbm>>
        tpu.enqueue_dma source(%dma_start3A_1326 : memref<16x128xf32, #tpu.memory_space<hbm>>) target(%dma_start3A_1324 : memref<16x128xf32, #tpu.memory_space<vmem>>) target_semaphore(%arg9 : memref<!tpu.dma_semaphore, #tpu.memory_space<semaphore_mem>>)
        %slice3A_1327 = vector.extract_strided_slice %mul3A_1310 {offsets = [1], sizes = [1], strides = [1]} : vector<16xi32> to vector<1xi32>
        %squeeze3A_1328 = vector.extract %slice3A_1327[0] : i32 from vector<1xi32>
        %multiple_of3A_1329 = tpu.assume_multiple %squeeze3A_1328, 128 : i32
        %dma_start3A_1330 = arith.constant 1 : i32
        %dma_start3A_1331 = arith.constant 0 : i32
        %dma_start3A_1332 = arith.constant 0 : i32
        %dma_start3A_1333 = tpu.memref_slice %arg6[%dma_start3A_1330, %dma_start3A_1331, %dma_start3A_1332] : memref<16x16x128xf32, #tpu.memory_space<vmem>> -> memref<1x16x128xf32, #tpu.memory_space<vmem>>
        %dma_start3A_1334 = tpu.memref_squeeze %dma_start3A_1333 : memref<1x16x128xf32, #tpu.memory_space<vmem>> -> memref<16x128xf32, #tpu.memory_space<vmem>>
        %dma_start3A_1335 = arith.constant 0 : i32
        %dma_start3A_1336 = tpu.memref_slice %arg3[%dma_start3A_1335, %multiple_of3A_1329] : memref<16x1000000xf32, #tpu.memory_space<hbm>> -> memref<16x128xf32, #tpu.memory_space<hbm>>
        %dma_start3A_1337 = arith.constant 0 : i32
        %dma_start3A_1338 = arith.constant 0 : i32
        %dma_start3A_1339 = tpu.memref_slice %arg6[%dma_start3A_1330, %dma_start3A_1337, %dma_start3A_1338] : memref<16x16x128xf32, #tpu.memory_space<vmem>> -> memref<1x16x128xf32, #tpu.memory_space<vmem>>
        %dma_start3A_1340 = tpu.memref_squeeze %dma_start3A_1339 : memref<1x16x128xf32, #tpu.memory_space<vmem>> -> memref<16x128xf32, #tpu.memory_space<vmem>>
        %dma_start3A_1341 = arith.constant 0 : i32
        %dma_start3A_1342 = tpu.memref_slice %arg3[%dma_start3A_1341, %multiple_of3A_1329] : memref<16x1000000xf32, #tpu.memory_space<hbm>> -> memref<16x128xf32, #tpu.memory_space<hbm>>
        tpu.enqueue_dma source(%dma_start3A_1342 : memref<16x128xf32, #tpu.memory_space<hbm>>) target(%dma_start3A_1340 : memref<16x128xf32, #tpu.memory_space<vmem>>) target_semaphore(%arg9 : memref<!tpu.dma_semaphore, #tpu.memory_space<semaphore_mem>>)
        %slice3A_1343 = vector.extract_strided_slice %mul3A_1310 {offsets = [2], sizes = [1], strides = [1]} : vector<16xi32> to vector<1xi32>
        %squeeze3A_1344 = vector.extract %slice3A_1343[0] : i32 from vector<1xi32>
        %multiple_of3A_1345 = tpu.assume_multiple %squeeze3A_1344, 128 : i32
        %dma_start3A_1346 = arith.constant 2 : i32
        %dma_start3A_1347 = arith.constant 0 : i32
        %dma_start3A_1348 = arith.constant 0 : i32
        %dma_start3A_1349 = tpu.memref_slice %arg6[%dma_start3A_1346, %dma_start3A_1347, %dma_start3A_1348] : memref<16x16x128xf32, #tpu.memory_space<vmem>> -> memref<1x16x128xf32, #tpu.memory_space<vmem>>
        %dma_start3A_1350 = tpu.memref_squeeze %dma_start3A_1349 : memref<1x16x128xf32, #tpu.memory_space<vmem>> -> memref<16x128xf32, #tpu.memory_space<vmem>>
        %dma_start3A_1351 = arith.constant 0 : i32
        %dma_start3A_1352 = tpu.memref_slice %arg3[%dma_start3A_1351, %multiple_of3A_1345] : memref<16x1000000xf32, #tpu.memory_space<hbm>> -> memref<16x128xf32, #tpu.memory_space<hbm>>
        %dma_start3A_1353 = arith.constant 0 : i32
        %dma_start3A_1354 = arith.constant 0 : i32
        %dma_start3A_1355 = tpu.memref_slice %arg6[%dma_start3A_1346, %dma_start3A_1353, %dma_start3A_1354] : memref<16x16x128xf32, #tpu.memory_space<vmem>> -> memref<1x16x128xf32, #tpu.memory_space<vmem>>
        %dma_start3A_1356 = tpu.memref_squeeze %dma_start3A_1355 : memref<1x16x128xf32, #tpu.memory_space<vmem>> -> memref<16x128xf32, #tpu.memory_space<vmem>>
        %dma_start3A_1357 = arith.constant 0 : i32
        %dma_start3A_1358 = tpu.memref_slice %arg3[%dma_start3A_1357, %multiple_of3A_1345] : memref<16x1000000xf32, #tpu.memory_space<hbm>> -> memref<16x128xf32, #tpu.memory_space<hbm>>
        tpu.enqueue_dma source(%dma_start3A_1358 : memref<16x128xf32, #tpu.memory_space<hbm>>) target(%dma_start3A_1356 : memref<16x128xf32, #tpu.memory_space<vmem>>) target_semaphore(%arg9 : memref<!tpu.dma_semaphore, #tpu.memory_space<semaphore_mem>>)
        %slice3A_1359 = vector.extract_strided_slice %mul3A_1310 {offsets = [3], sizes = [1], strides = [1]} : vector<16xi32> to vector<1xi32>
        %squeeze3A_1360 = vector.extract %slice3A_1359[0] : i32 from vector<1xi32>
        %multiple_of3A_1361 = tpu.assume_multiple %squeeze3A_1360, 128 : i32
        %dma_start3A_1362 = arith.constant 3 : i32
        %dma_start3A_1363 = arith.constant 0 : i32
        %dma_start3A_1364 = arith.constant 0 : i32
        %dma_start3A_1365 = tpu.memref_slice %arg6[%dma_start3A_1362, %dma_start3A_1363, %dma_start3A_1364] : memref<16x16x128xf32, #tpu.memory_space<vmem>> -> memref<1x16x128xf32, #tpu.memory_space<vmem>>
        %dma_start3A_1366 = tpu.memref_squeeze %dma_start3A_1365 : memref<1x16x128xf32, #tpu.memory_space<vmem>> -> memref<16x128xf32, #tpu.memory_space<vmem>>
        %dma_start3A_1367 = arith.constant 0 : i32
        %dma_start3A_1368 = tpu.memref_slice %arg3[%dma_start3A_1367, %multiple_of3A_1361] : memref<16x1000000xf32, #tpu.memory_space<hbm>> -> memref<16x128xf32, #tpu.memory_space<hbm>>
        %dma_start3A_1369 = arith.constant 0 : i32
        %dma_start3A_1370 = arith.constant 0 : i32
        %dma_start3A_1371 = tpu.memref_slice %arg6[%dma_start3A_1362, %dma_start3A_1369, %dma_start3A_1370] : memref<16x16x128xf32, #tpu.memory_space<vmem>> -> memref<1x16x128xf32, #tpu.memory_space<vmem>>
        %dma_start3A_1372 = tpu.memref_squeeze %dma_start3A_1371 : memref<1x16x128xf32, #tpu.memory_space<vmem>> -> memref<16x128xf32, #tpu.memory_space<vmem>>
        %dma_start3A_1373 = arith.constant 0 : i32
        %dma_start3A_1374 = tpu.memref_slice %arg3[%dma_start3A_1373, %multiple_of3A_1361] : memref<16x1000000xf32, #tpu.memory_space<hbm>> -> memref<16x128xf32, #tpu.memory_space<hbm>>
        tpu.enqueue_dma source(%dma_start3A_1374 : memref<16x128xf32, #tpu.memory_space<hbm>>) target(%dma_start3A_1372 : memref<16x128xf32, #tpu.memory_space<vmem>>) target_semaphore(%arg9 : memref<!tpu.dma_semaphore, #tpu.memory_space<semaphore_mem>>)
        %slice3A_1375 = vector.extract_strided_slice %mul3A_1310 {offsets = [4], sizes = [1], strides = [1]} : vector<16xi32> to vector<1xi32>
        %squeeze3A_1376 = vector.extract %slice3A_1375[0] : i32 from vector<1xi32>
        %multiple_of3A_1377 = tpu.assume_multiple %squeeze3A_1376, 128 : i32
        %dma_start3A_1378 = arith.constant 4 : i32
        %dma_start3A_1379 = arith.constant 0 : i32
        %dma_start3A_1380 = arith.constant 0 : i32
        %dma_start3A_1381 = tpu.memref_slice %arg6[%dma_start3A_1378, %dma_start3A_1379, %dma_start3A_1380] : memref<16x16x128xf32, #tpu.memory_space<vmem>> -> memref<1x16x128xf32, #tpu.memory_space<vmem>>
        %dma_start3A_1382 = tpu.memref_squeeze %dma_start3A_1381 : memref<1x16x128xf32, #tpu.memory_space<vmem>> -> memref<16x128xf32, #tpu.memory_space<vmem>>
        %dma_start3A_1383 = arith.constant 0 : i32
        %dma_start3A_1384 = tpu.memref_slice %arg3[%dma_start3A_1383, %multiple_of3A_1377] : memref<16x1000000xf32, #tpu.memory_space<hbm>> -> memref<16x128xf32, #tpu.memory_space<hbm>>
        %dma_start3A_1385 = arith.constant 0 : i32
        %dma_start3A_1386 = arith.constant 0 : i32
        %dma_start3A_1387 = tpu.memref_slice %arg6[%dma_start3A_1378, %dma_start3A_1385, %dma_start3A_1386] : memref<16x16x128xf32, #tpu.memory_space<vmem>> -> memref<1x16x128xf32, #tpu.memory_space<vmem>>
        %dma_start3A_1388 = tpu.memref_squeeze %dma_start3A_1387 : memref<1x16x128xf32, #tpu.memory_space<vmem>> -> memref<16x128xf32, #tpu.memory_space<vmem>>
        %dma_start3A_1389 = arith.constant 0 : i32
        %dma_start3A_1390 = tpu.memref_slice %arg3[%dma_start3A_1389, %multiple_of3A_1377] : memref<16x1000000xf32, #tpu.memory_space<hbm>> -> memref<16x128xf32, #tpu.memory_space<hbm>>
        tpu.enqueue_dma source(%dma_start3A_1390 : memref<16x128xf32, #tpu.memory_space<hbm>>) target(%dma_start3A_1388 : memref<16x128xf32, #tpu.memory_space<vmem>>) target_semaphore(%arg9 : memref<!tpu.dma_semaphore, #tpu.memory_space<semaphore_mem>>)
        %slice3A_1391 = vector.extract_strided_slice %mul3A_1310 {offsets = [5], sizes = [1], strides = [1]} : vector<16xi32> to vector<1xi32>
        %squeeze3A_1392 = vector.extract %slice3A_1391[0] : i32 from vector<1xi32>
        %multiple_of3A_1393 = tpu.assume_multiple %squeeze3A_1392, 128 : i32
        %dma_start3A_1394 = arith.constant 5 : i32
        %dma_start3A_1395 = arith.constant 0 : i32
        %dma_start3A_1396 = arith.constant 0 : i32
        %dma_start3A_1397 = tpu.memref_slice %arg6[%dma_start3A_1394, %dma_start3A_1395, %dma_start3A_1396] : memref<16x16x128xf32, #tpu.memory_space<vmem>> -> memref<1x16x128xf32, #tpu.memory_space<vmem>>
        %dma_start3A_1398 = tpu.memref_squeeze %dma_start3A_1397 : memref<1x16x128xf32, #tpu.memory_space<vmem>> -> memref<16x128xf32, #tpu.memory_space<vmem>>
        %dma_start3A_1399 = arith.constant 0 : i32
        %dma_start3A_1400 = tpu.memref_slice %arg3[%dma_start3A_1399, %multiple_of3A_1393] : memref<16x1000000xf32, #tpu.memory_space<hbm>> -> memref<16x128xf32, #tpu.memory_space<hbm>>
        %dma_start3A_1401 = arith.constant 0 : i32
        %dma_start3A_1402 = arith.constant 0 : i32
        %dma_start3A_1403 = tpu.memref_slice %arg6[%dma_start3A_1394, %dma_start3A_1401, %dma_start3A_1402] : memref<16x16x128xf32, #tpu.memory_space<vmem>> -> memref<1x16x128xf32, #tpu.memory_space<vmem>>
        %dma_start3A_1404 = tpu.memref_squeeze %dma_start3A_1403 : memref<1x16x128xf32, #tpu.memory_space<vmem>> -> memref<16x128xf32, #tpu.memory_space<vmem>>
        %dma_start3A_1405 = arith.constant 0 : i32
        %dma_start3A_1406 = tpu.memref_slice %arg3[%dma_start3A_1405, %multiple_of3A_1393] : memref<16x1000000xf32, #tpu.memory_space<hbm>> -> memref<16x128xf32, #tpu.memory_space<hbm>>
        tpu.enqueue_dma source(%dma_start3A_1406 : memref<16x128xf32, #tpu.memory_space<hbm>>) target(%dma_start3A_1404 : memref<16x128xf32, #tpu.memory_space<vmem>>) target_semaphore(%arg9 : memref<!tpu.dma_semaphore, #tpu.memory_space<semaphore_mem>>)
        %slice3A_1407 = vector.extract_strided_slice %mul3A_1310 {offsets = [6], sizes = [1], strides = [1]} : vector<16xi32> to vector<1xi32>
        %squeeze3A_1408 = vector.extract %slice3A_1407[0] : i32 from vector<1xi32>
        %multiple_of3A_1409 = tpu.assume_multiple %squeeze3A_1408, 128 : i32
        %dma_start3A_1410 = arith.constant 6 : i32
        %dma_start3A_1411 = arith.constant 0 : i32
        %dma_start3A_1412 = arith.constant 0 : i32
        %dma_start3A_1413 = tpu.memref_slice %arg6[%dma_start3A_1410, %dma_start3A_1411, %dma_start3A_1412] : memref<16x16x128xf32, #tpu.memory_space<vmem>> -> memref<1x16x128xf32, #tpu.memory_space<vmem>>
        %dma_start3A_1414 = tpu.memref_squeeze %dma_start3A_1413 : memref<1x16x128xf32, #tpu.memory_space<vmem>> -> memref<16x128xf32, #tpu.memory_space<vmem>>
        %dma_start3A_1415 = arith.constant 0 : i32
        %dma_start3A_1416 = tpu.memref_slice %arg3[%dma_start3A_1415, %multiple_of3A_1409] : memref<16x1000000xf32, #tpu.memory_space<hbm>> -> memref<16x128xf32, #tpu.memory_space<hbm>>
        %dma_start3A_1417 = arith.constant 0 : i32
        %dma_start3A_1418 = arith.constant 0 : i32
        %dma_start3A_1419 = tpu.memref_slice %arg6[%dma_start3A_1410, %dma_start3A_1417, %dma_start3A_1418] : memref<16x16x128xf32, #tpu.memory_space<vmem>> -> memref<1x16x128xf32, #tpu.memory_space<vmem>>
        %dma_start3A_1420 = tpu.memref_squeeze %dma_start3A_1419 : memref<1x16x128xf32, #tpu.memory_space<vmem>> -> memref<16x128xf32, #tpu.memory_space<vmem>>
        %dma_start3A_1421 = arith.constant 0 : i32
        %dma_start3A_1422 = tpu.memref_slice %arg3[%dma_start3A_1421, %multiple_of3A_1409] : memref<16x1000000xf32, #tpu.memory_space<hbm>> -> memref<16x128xf32, #tpu.memory_space<hbm>>
        tpu.enqueue_dma source(%dma_start3A_1422 : memref<16x128xf32, #tpu.memory_space<hbm>>) target(%dma_start3A_1420 : memref<16x128xf32, #tpu.memory_space<vmem>>) target_semaphore(%arg9 : memref<!tpu.dma_semaphore, #tpu.memory_space<semaphore_mem>>)
        %slice3A_1423 = vector.extract_strided_slice %mul3A_1310 {offsets = [7], sizes = [1], strides = [1]} : vector<16xi32> to vector<1xi32>
        %squeeze3A_1424 = vector.extract %slice3A_1423[0] : i32 from vector<1xi32>
        %multiple_of3A_1425 = tpu.assume_multiple %squeeze3A_1424, 128 : i32
        %dma_start3A_1426 = arith.constant 7 : i32
        %dma_start3A_1427 = arith.constant 0 : i32
        %dma_start3A_1428 = arith.constant 0 : i32
        %dma_start3A_1429 = tpu.memref_slice %arg6[%dma_start3A_1426, %dma_start3A_1427, %dma_start3A_1428] : memref<16x16x128xf32, #tpu.memory_space<vmem>> -> memref<1x16x128xf32, #tpu.memory_space<vmem>>
        %dma_start3A_1430 = tpu.memref_squeeze %dma_start3A_1429 : memref<1x16x128xf32, #tpu.memory_space<vmem>> -> memref<16x128xf32, #tpu.memory_space<vmem>>
        %dma_start3A_1431 = arith.constant 0 : i32
        %dma_start3A_1432 = tpu.memref_slice %arg3[%dma_start3A_1431, %multiple_of3A_1425] : memref<16x1000000xf32, #tpu.memory_space<hbm>> -> memref<16x128xf32, #tpu.memory_space<hbm>>
        %dma_start3A_1433 = arith.constant 0 : i32
        %dma_start3A_1434 = arith.constant 0 : i32
        %dma_start3A_1435 = tpu.memref_slice %arg6[%dma_start3A_1426, %dma_start3A_1433, %dma_start3A_1434] : memref<16x16x128xf32, #tpu.memory_space<vmem>> -> memref<1x16x128xf32, #tpu.memory_space<vmem>>
        %dma_start3A_1436 = tpu.memref_squeeze %dma_start3A_1435 : memref<1x16x128xf32, #tpu.memory_space<vmem>> -> memref<16x128xf32, #tpu.memory_space<vmem>>
        %dma_start3A_1437 = arith.constant 0 : i32
        %dma_start3A_1438 = tpu.memref_slice %arg3[%dma_start3A_1437, %multiple_of3A_1425] : memref<16x1000000xf32, #tpu.memory_space<hbm>> -> memref<16x128xf32, #tpu.memory_space<hbm>>
        tpu.enqueue_dma source(%dma_start3A_1438 : memref<16x128xf32, #tpu.memory_space<hbm>>) target(%dma_start3A_1436 : memref<16x128xf32, #tpu.memory_space<vmem>>) target_semaphore(%arg9 : memref<!tpu.dma_semaphore, #tpu.memory_space<semaphore_mem>>)
        %slice3A_1439 = vector.extract_strided_slice %mul3A_1310 {offsets = [8], sizes = [1], strides = [1]} : vector<16xi32> to vector<1xi32>
        %squeeze3A_1440 = vector.extract %slice3A_1439[0] : i32 from vector<1xi32>
        %multiple_of3A_1441 = tpu.assume_multiple %squeeze3A_1440, 128 : i32
        %dma_start3A_1442 = arith.constant 8 : i32
        %dma_start3A_1443 = arith.constant 0 : i32
        %dma_start3A_1444 = arith.constant 0 : i32
        %dma_start3A_1445 = tpu.memref_slice %arg6[%dma_start3A_1442, %dma_start3A_1443, %dma_start3A_1444] : memref<16x16x128xf32, #tpu.memory_space<vmem>> -> memref<1x16x128xf32, #tpu.memory_space<vmem>>
        %dma_start3A_1446 = tpu.memref_squeeze %dma_start3A_1445 : memref<1x16x128xf32, #tpu.memory_space<vmem>> -> memref<16x128xf32, #tpu.memory_space<vmem>>
        %dma_start3A_1447 = arith.constant 0 : i32
        %dma_start3A_1448 = tpu.memref_slice %arg3[%dma_start3A_1447, %multiple_of3A_1441] : memref<16x1000000xf32, #tpu.memory_space<hbm>> -> memref<16x128xf32, #tpu.memory_space<hbm>>
        %dma_start3A_1449 = arith.constant 0 : i32
        %dma_start3A_1450 = arith.constant 0 : i32
        %dma_start3A_1451 = tpu.memref_slice %arg6[%dma_start3A_1442, %dma_start3A_1449, %dma_start3A_1450] : memref<16x16x128xf32, #tpu.memory_space<vmem>> -> memref<1x16x128xf32, #tpu.memory_space<vmem>>
        %dma_start3A_1452 = tpu.memref_squeeze %dma_start3A_1451 : memref<1x16x128xf32, #tpu.memory_space<vmem>> -> memref<16x128xf32, #tpu.memory_space<vmem>>
        %dma_start3A_1453 = arith.constant 0 : i32
        %dma_start3A_1454 = tpu.memref_slice %arg3[%dma_start3A_1453, %multiple_of3A_1441] : memref<16x1000000xf32, #tpu.memory_space<hbm>> -> memref<16x128xf32, #tpu.memory_space<hbm>>
        tpu.enqueue_dma source(%dma_start3A_1454 : memref<16x128xf32, #tpu.memory_space<hbm>>) target(%dma_start3A_1452 : memref<16x128xf32, #tpu.memory_space<vmem>>) target_semaphore(%arg9 : memref<!tpu.dma_semaphore, #tpu.memory_space<semaphore_mem>>)
        %slice3A_1455 = vector.extract_strided_slice %mul3A_1310 {offsets = [9], sizes = [1], strides = [1]} : vector<16xi32> to vector<1xi32>
        %squeeze3A_1456 = vector.extract %slice3A_1455[0] : i32 from vector<1xi32>
        %multiple_of3A_1457 = tpu.assume_multiple %squeeze3A_1456, 128 : i32
        %dma_start3A_1458 = arith.constant 9 : i32
        %dma_start3A_1459 = arith.constant 0 : i32
        %dma_start3A_1460 = arith.constant 0 : i32
        %dma_start3A_1461 = tpu.memref_slice %arg6[%dma_start3A_1458, %dma_start3A_1459, %dma_start3A_1460] : memref<16x16x128xf32, #tpu.memory_space<vmem>> -> memref<1x16x128xf32, #tpu.memory_space<vmem>>
        %dma_start3A_1462 = tpu.memref_squeeze %dma_start3A_1461 : memref<1x16x128xf32, #tpu.memory_space<vmem>> -> memref<16x128xf32, #tpu.memory_space<vmem>>
        %dma_start3A_1463 = arith.constant 0 : i32
        %dma_start3A_1464 = tpu.memref_slice %arg3[%dma_start3A_1463, %multiple_of3A_1457] : memref<16x1000000xf32, #tpu.memory_space<hbm>> -> memref<16x128xf32, #tpu.memory_space<hbm>>
        %dma_start3A_1465 = arith.constant 0 : i32
        %dma_start3A_1466 = arith.constant 0 : i32
        %dma_start3A_1467 = tpu.memref_slice %arg6[%dma_start3A_1458, %dma_start3A_1465, %dma_start3A_1466] : memref<16x16x128xf32, #tpu.memory_space<vmem>> -> memref<1x16x128xf32, #tpu.memory_space<vmem>>
        %dma_start3A_1468 = tpu.memref_squeeze %dma_start3A_1467 : memref<1x16x128xf32, #tpu.memory_space<vmem>> -> memref<16x128xf32, #tpu.memory_space<vmem>>
        %dma_start3A_1469 = arith.constant 0 : i32
        %dma_start3A_1470 = tpu.memref_slice %arg3[%dma_start3A_1469, %multiple_of3A_1457] : memref<16x1000000xf32, #tpu.memory_space<hbm>> -> memref<16x128xf32, #tpu.memory_space<hbm>>
        tpu.enqueue_dma source(%dma_start3A_1470 : memref<16x128xf32, #tpu.memory_space<hbm>>) target(%dma_start3A_1468 : memref<16x128xf32, #tpu.memory_space<vmem>>) target_semaphore(%arg9 : memref<!tpu.dma_semaphore, #tpu.memory_space<semaphore_mem>>)
        %slice3A_1471 = vector.extract_strided_slice %mul3A_1310 {offsets = [10], sizes = [1], strides = [1]} : vector<16xi32> to vector<1xi32>
        %squeeze3A_1472 = vector.extract %slice3A_1471[0] : i32 from vector<1xi32>
        %multiple_of3A_1473 = tpu.assume_multiple %squeeze3A_1472, 128 : i32
        %dma_start3A_1474 = arith.constant 10 : i32
        %dma_start3A_1475 = arith.constant 0 : i32
        %dma_start3A_1476 = arith.constant 0 : i32
        %dma_start3A_1477 = tpu.memref_slice %arg6[%dma_start3A_1474, %dma_start3A_1475, %dma_start3A_1476] : memref<16x16x128xf32, #tpu.memory_space<vmem>> -> memref<1x16x128xf32, #tpu.memory_space<vmem>>
        %dma_start3A_1478 = tpu.memref_squeeze %dma_start3A_1477 : memref<1x16x128xf32, #tpu.memory_space<vmem>> -> memref<16x128xf32, #tpu.memory_space<vmem>>
        %dma_start3A_1479 = arith.constant 0 : i32
        %dma_start3A_1480 = tpu.memref_slice %arg3[%dma_start3A_1479, %multiple_of3A_1473] : memref<16x1000000xf32, #tpu.memory_space<hbm>> -> memref<16x128xf32, #tpu.memory_space<hbm>>
        %dma_start3A_1481 = arith.constant 0 : i32
        %dma_start3A_1482 = arith.constant 0 : i32
        %dma_start3A_1483 = tpu.memref_slice %arg6[%dma_start3A_1474, %dma_start3A_1481, %dma_start3A_1482] : memref<16x16x128xf32, #tpu.memory_space<vmem>> -> memref<1x16x128xf32, #tpu.memory_space<vmem>>
        %dma_start3A_1484 = tpu.memref_squeeze %dma_start3A_1483 : memref<1x16x128xf32, #tpu.memory_space<vmem>> -> memref<16x128xf32, #tpu.memory_space<vmem>>
        %dma_start3A_1485 = arith.constant 0 : i32
        %dma_start3A_1486 = tpu.memref_slice %arg3[%dma_start3A_1485, %multiple_of3A_1473] : memref<16x1000000xf32, #tpu.memory_space<hbm>> -> memref<16x128xf32, #tpu.memory_space<hbm>>
        tpu.enqueue_dma source(%dma_start3A_1486 : memref<16x128xf32, #tpu.memory_space<hbm>>) target(%dma_start3A_1484 : memref<16x128xf32, #tpu.memory_space<vmem>>) target_semaphore(%arg9 : memref<!tpu.dma_semaphore, #tpu.memory_space<semaphore_mem>>)
        %slice3A_1487 = vector.extract_strided_slice %mul3A_1310 {offsets = [11], sizes = [1], strides = [1]} : vector<16xi32> to vector<1xi32>
        %squeeze3A_1488 = vector.extract %slice3A_1487[0] : i32 from vector<1xi32>
        %multiple_of3A_1489 = tpu.assume_multiple %squeeze3A_1488, 128 : i32
        %dma_start3A_1490 = arith.constant 11 : i32
        %dma_start3A_1491 = arith.constant 0 : i32
        %dma_start3A_1492 = arith.constant 0 : i32
        %dma_start3A_1493 = tpu.memref_slice %arg6[%dma_start3A_1490, %dma_start3A_1491, %dma_start3A_1492] : memref<16x16x128xf32, #tpu.memory_space<vmem>> -> memref<1x16x128xf32, #tpu.memory_space<vmem>>
        %dma_start3A_1494 = tpu.memref_squeeze %dma_start3A_1493 : memref<1x16x128xf32, #tpu.memory_space<vmem>> -> memref<16x128xf32, #tpu.memory_space<vmem>>
        %dma_start3A_1495 = arith.constant 0 : i32
        %dma_start3A_1496 = tpu.memref_slice %arg3[%dma_start3A_1495, %multiple_of3A_1489] : memref<16x1000000xf32, #tpu.memory_space<hbm>> -> memref<16x128xf32, #tpu.memory_space<hbm>>
        %dma_start3A_1497 = arith.constant 0 : i32
        %dma_start3A_1498 = arith.constant 0 : i32
        %dma_start3A_1499 = tpu.memref_slice %arg6[%dma_start3A_1490, %dma_start3A_1497, %dma_start3A_1498] : memref<16x16x128xf32, #tpu.memory_space<vmem>> -> memref<1x16x128xf32, #tpu.memory_space<vmem>>
        %dma_start3A_1500 = tpu.memref_squeeze %dma_start3A_1499 : memref<1x16x128xf32, #tpu.memory_space<vmem>> -> memref<16x128xf32, #tpu.memory_space<vmem>>
        %dma_start3A_1501 = arith.constant 0 : i32
        %dma_start3A_1502 = tpu.memref_slice %arg3[%dma_start3A_1501, %multiple_of3A_1489] : memref<16x1000000xf32, #tpu.memory_space<hbm>> -> memref<16x128xf32, #tpu.memory_space<hbm>>
        tpu.enqueue_dma source(%dma_start3A_1502 : memref<16x128xf32, #tpu.memory_space<hbm>>) target(%dma_start3A_1500 : memref<16x128xf32, #tpu.memory_space<vmem>>) target_semaphore(%arg9 : memref<!tpu.dma_semaphore, #tpu.memory_space<semaphore_mem>>)
        %slice3A_1503 = vector.extract_strided_slice %mul3A_1310 {offsets = [12], sizes = [1], strides = [1]} : vector<16xi32> to vector<1xi32>
        %squeeze3A_1504 = vector.extract %slice3A_1503[0] : i32 from vector<1xi32>
        %multiple_of3A_1505 = tpu.assume_multiple %squeeze3A_1504, 128 : i32
        %dma_start3A_1506 = arith.constant 12 : i32
        %dma_start3A_1507 = arith.constant 0 : i32
        %dma_start3A_1508 = arith.constant 0 : i32
        %dma_start3A_1509 = tpu.memref_slice %arg6[%dma_start3A_1506, %dma_start3A_1507, %dma_start3A_1508] : memref<16x16x128xf32, #tpu.memory_space<vmem>> -> memref<1x16x128xf32, #tpu.memory_space<vmem>>
        %dma_start3A_1510 = tpu.memref_squeeze %dma_start3A_1509 : memref<1x16x128xf32, #tpu.memory_space<vmem>> -> memref<16x128xf32, #tpu.memory_space<vmem>>
        %dma_start3A_1511 = arith.constant 0 : i32
        %dma_start3A_1512 = tpu.memref_slice %arg3[%dma_start3A_1511, %multiple_of3A_1505] : memref<16x1000000xf32, #tpu.memory_space<hbm>> -> memref<16x128xf32, #tpu.memory_space<hbm>>
        %dma_start3A_1513 = arith.constant 0 : i32
        %dma_start3A_1514 = arith.constant 0 : i32
        %dma_start3A_1515 = tpu.memref_slice %arg6[%dma_start3A_1506, %dma_start3A_1513, %dma_start3A_1514] : memref<16x16x128xf32, #tpu.memory_space<vmem>> -> memref<1x16x128xf32, #tpu.memory_space<vmem>>
        %dma_start3A_1516 = tpu.memref_squeeze %dma_start3A_1515 : memref<1x16x128xf32, #tpu.memory_space<vmem>> -> memref<16x128xf32, #tpu.memory_space<vmem>>
        %dma_start3A_1517 = arith.constant 0 : i32
        %dma_start3A_1518 = tpu.memref_slice %arg3[%dma_start3A_1517, %multiple_of3A_1505] : memref<16x1000000xf32, #tpu.memory_space<hbm>> -> memref<16x128xf32, #tpu.memory_space<hbm>>
        tpu.enqueue_dma source(%dma_start3A_1518 : memref<16x128xf32, #tpu.memory_space<hbm>>) target(%dma_start3A_1516 : memref<16x128xf32, #tpu.memory_space<vmem>>) target_semaphore(%arg9 : memref<!tpu.dma_semaphore, #tpu.memory_space<semaphore_mem>>)
        %slice3A_1519 = vector.extract_strided_slice %mul3A_1310 {offsets = [13], sizes = [1], strides = [1]} : vector<16xi32> to vector<1xi32>
        %squeeze3A_1520 = vector.extract %slice3A_1519[0] : i32 from vector<1xi32>
        %multiple_of3A_1521 = tpu.assume_multiple %squeeze3A_1520, 128 : i32
        %dma_start3A_1522 = arith.constant 13 : i32
        %dma_start3A_1523 = arith.constant 0 : i32
        %dma_start3A_1524 = arith.constant 0 : i32
        %dma_start3A_1525 = tpu.memref_slice %arg6[%dma_start3A_1522, %dma_start3A_1523, %dma_start3A_1524] : memref<16x16x128xf32, #tpu.memory_space<vmem>> -> memref<1x16x128xf32, #tpu.memory_space<vmem>>
        %dma_start3A_1526 = tpu.memref_squeeze %dma_start3A_1525 : memref<1x16x128xf32, #tpu.memory_space<vmem>> -> memref<16x128xf32, #tpu.memory_space<vmem>>
        %dma_start3A_1527 = arith.constant 0 : i32
        %dma_start3A_1528 = tpu.memref_slice %arg3[%dma_start3A_1527, %multiple_of3A_1521] : memref<16x1000000xf32, #tpu.memory_space<hbm>> -> memref<16x128xf32, #tpu.memory_space<hbm>>
        %dma_start3A_1529 = arith.constant 0 : i32
        %dma_start3A_1530 = arith.constant 0 : i32
        %dma_start3A_1531 = tpu.memref_slice %arg6[%dma_start3A_1522, %dma_start3A_1529, %dma_start3A_1530] : memref<16x16x128xf32, #tpu.memory_space<vmem>> -> memref<1x16x128xf32, #tpu.memory_space<vmem>>
        %dma_start3A_1532 = tpu.memref_squeeze %dma_start3A_1531 : memref<1x16x128xf32, #tpu.memory_space<vmem>> -> memref<16x128xf32, #tpu.memory_space<vmem>>
        %dma_start3A_1533 = arith.constant 0 : i32
        %dma_start3A_1534 = tpu.memref_slice %arg3[%dma_start3A_1533, %multiple_of3A_1521] : memref<16x1000000xf32, #tpu.memory_space<hbm>> -> memref<16x128xf32, #tpu.memory_space<hbm>>
        tpu.enqueue_dma source(%dma_start3A_1534 : memref<16x128xf32, #tpu.memory_space<hbm>>) target(%dma_start3A_1532 : memref<16x128xf32, #tpu.memory_space<vmem>>) target_semaphore(%arg9 : memref<!tpu.dma_semaphore, #tpu.memory_space<semaphore_mem>>)
        %slice3A_1535 = vector.extract_strided_slice %mul3A_1310 {offsets = [14], sizes = [1], strides = [1]} : vector<16xi32> to vector<1xi32>
        %squeeze3A_1536 = vector.extract %slice3A_1535[0] : i32 from vector<1xi32>
        %multiple_of3A_1537 = tpu.assume_multiple %squeeze3A_1536, 128 : i32
        %dma_start3A_1538 = arith.constant 14 : i32
        %dma_start3A_1539 = arith.constant 0 : i32
        %dma_start3A_1540 = arith.constant 0 : i32
        %dma_start3A_1541 = tpu.memref_slice %arg6[%dma_start3A_1538, %dma_start3A_1539, %dma_start3A_1540] : memref<16x16x128xf32, #tpu.memory_space<vmem>> -> memref<1x16x128xf32, #tpu.memory_space<vmem>>
        %dma_start3A_1542 = tpu.memref_squeeze %dma_start3A_1541 : memref<1x16x128xf32, #tpu.memory_space<vmem>> -> memref<16x128xf32, #tpu.memory_space<vmem>>
        %dma_start3A_1543 = arith.constant 0 : i32
        %dma_start3A_1544 = tpu.memref_slice %arg3[%dma_start3A_1543, %multiple_of3A_1537] : memref<16x1000000xf32, #tpu.memory_space<hbm>> -> memref<16x128xf32, #tpu.memory_space<hbm>>
        %dma_start3A_1545 = arith.constant 0 : i32
        %dma_start3A_1546 = arith.constant 0 : i32
        %dma_start3A_1547 = tpu.memref_slice %arg6[%dma_start3A_1538, %dma_start3A_1545, %dma_start3A_1546] : memref<16x16x128xf32, #tpu.memory_space<vmem>> -> memref<1x16x128xf32, #tpu.memory_space<vmem>>
        %dma_start3A_1548 = tpu.memref_squeeze %dma_start3A_1547 : memref<1x16x128xf32, #tpu.memory_space<vmem>> -> memref<16x128xf32, #tpu.memory_space<vmem>>
        %dma_start3A_1549 = arith.constant 0 : i32
        %dma_start3A_1550 = tpu.memref_slice %arg3[%dma_start3A_1549, %multiple_of3A_1537] : memref<16x1000000xf32, #tpu.memory_space<hbm>> -> memref<16x128xf32, #tpu.memory_space<hbm>>
        tpu.enqueue_dma source(%dma_start3A_1550 : memref<16x128xf32, #tpu.memory_space<hbm>>) target(%dma_start3A_1548 : memref<16x128xf32, #tpu.memory_space<vmem>>) target_semaphore(%arg9 : memref<!tpu.dma_semaphore, #tpu.memory_space<semaphore_mem>>)
        %slice3A_1551 = vector.extract_strided_slice %mul3A_1310 {offsets = [15], sizes = [1], strides = [1]} : vector<16xi32> to vector<1xi32>
        %squeeze3A_1552 = vector.extract %slice3A_1551[0] : i32 from vector<1xi32>
        %multiple_of3A_1553 = tpu.assume_multiple %squeeze3A_1552, 128 : i32
        %dma_start3A_1554 = arith.constant 15 : i32
        %dma_start3A_1555 = arith.constant 0 : i32
        %dma_start3A_1556 = arith.constant 0 : i32
        %dma_start3A_1557 = tpu.memref_slice %arg6[%dma_start3A_1554, %dma_start3A_1555, %dma_start3A_1556] : memref<16x16x128xf32, #tpu.memory_space<vmem>> -> memref<1x16x128xf32, #tpu.memory_space<vmem>>
        %dma_start3A_1558 = tpu.memref_squeeze %dma_start3A_1557 : memref<1x16x128xf32, #tpu.memory_space<vmem>> -> memref<16x128xf32, #tpu.memory_space<vmem>>
        %dma_start3A_1559 = arith.constant 0 : i32
        %dma_start3A_1560 = tpu.memref_slice %arg3[%dma_start3A_1559, %multiple_of3A_1553] : memref<16x1000000xf32, #tpu.memory_space<hbm>> -> memref<16x128xf32, #tpu.memory_space<hbm>>
        %dma_start3A_1561 = arith.constant 0 : i32
        %dma_start3A_1562 = arith.constant 0 : i32
        %dma_start3A_1563 = tpu.memref_slice %arg6[%dma_start3A_1554, %dma_start3A_1561, %dma_start3A_1562] : memref<16x16x128xf32, #tpu.memory_space<vmem>> -> memref<1x16x128xf32, #tpu.memory_space<vmem>>
        %dma_start3A_1564 = tpu.memref_squeeze %dma_start3A_1563 : memref<1x16x128xf32, #tpu.memory_space<vmem>> -> memref<16x128xf32, #tpu.memory_space<vmem>>
        %dma_start3A_1565 = arith.constant 0 : i32
        %dma_start3A_1566 = tpu.memref_slice %arg3[%dma_start3A_1565, %multiple_of3A_1553] : memref<16x1000000xf32, #tpu.memory_space<hbm>> -> memref<16x128xf32, #tpu.memory_space<hbm>>
        tpu.enqueue_dma source(%dma_start3A_1566 : memref<16x128xf32, #tpu.memory_space<hbm>>) target(%dma_start3A_1564 : memref<16x128xf32, #tpu.memory_space<vmem>>) target_semaphore(%arg9 : memref<!tpu.dma_semaphore, #tpu.memory_space<semaphore_mem>>)
      } else {
      }
      %dma_wait3A_916 = arith.constant 0 : i32
      %dma_wait3A_917 = arith.constant 0 : i32
      %dma_wait3A_918 = arith.constant 0 : i32
      %dma_wait3A_919 = tpu.memref_slice %arg7[%dma_wait3A_916, %dma_wait3A_917, %dma_wait3A_918] : memref<16x16x128xf32, #tpu.memory_space<vmem>> -> memref<1x16x128xf32, #tpu.memory_space<vmem>>
      %dma_wait3A_920 = tpu.memref_squeeze %dma_wait3A_919 : memref<1x16x128xf32, #tpu.memory_space<vmem>> -> memref<16x128xf32, #tpu.memory_space<vmem>>
      %dma_wait3A_921 = arith.constant 0 : i32
      %dma_wait3A_922 = arith.constant 0 : i32
      %dma_wait3A_923 = tpu.memref_slice %arg3[%dma_wait3A_921, %dma_wait3A_922] : memref<16x1000000xf32, #tpu.memory_space<hbm>> -> memref<16x128xf32, #tpu.memory_space<hbm>>
      %dma_wait3A_924 = arith.constant 0 : i32
      %dma_wait3A_925 = arith.constant 0 : i32
      %dma_wait3A_926 = tpu.memref_slice %arg7[%dma_wait3A_916, %dma_wait3A_924, %dma_wait3A_925] : memref<16x16x128xf32, #tpu.memory_space<vmem>> -> memref<1x16x128xf32, #tpu.memory_space<vmem>>
      %dma_wait3A_927 = tpu.memref_squeeze %dma_wait3A_926 : memref<1x16x128xf32, #tpu.memory_space<vmem>> -> memref<16x128xf32, #tpu.memory_space<vmem>>
      %dma_wait3A_928 = arith.constant 0 : i32
      %dma_wait3A_929 = arith.constant 0 : i32
      %dma_wait3A_930 = tpu.memref_slice %arg3[%dma_wait3A_928, %dma_wait3A_929] : memref<16x1000000xf32, #tpu.memory_space<hbm>> -> memref<16x128xf32, #tpu.memory_space<hbm>>
      tpu.wait_dma2 semaphore(%arg10 : memref<!tpu.dma_semaphore, #tpu.memory_space<semaphore_mem>>) src(%dma_wait3A_930 : memref<16x128xf32, #tpu.memory_space<hbm>>) dst(%dma_wait3A_927 : memref<16x128xf32, #tpu.memory_space<vmem>>)
      %dma_wait3A_931 = arith.constant 0 : i32
      %dma_wait3A_932 = arith.constant 0 : i32
      %dma_wait3A_933 = arith.constant 0 : i32
      %dma_wait3A_934 = tpu.memref_slice %arg7[%dma_wait3A_931, %dma_wait3A_932, %dma_wait3A_933] : memref<16x16x128xf32, #tpu.memory_space<vmem>> -> memref<1x16x128xf32, #tpu.memory_space<vmem>>
      %dma_wait3A_935 = tpu.memref_squeeze %dma_wait3A_934 : memref<1x16x128xf32, #tpu.memory_space<vmem>> -> memref<16x128xf32, #tpu.memory_space<vmem>>
      %dma_wait3A_936 = arith.constant 0 : i32
      %dma_wait3A_937 = arith.constant 0 : i32
      %dma_wait3A_938 = tpu.memref_slice %arg3[%dma_wait3A_936, %dma_wait3A_937] : memref<16x1000000xf32, #tpu.memory_space<hbm>> -> memref<16x128xf32, #tpu.memory_space<hbm>>
      %dma_wait3A_939 = arith.constant 0 : i32
      %dma_wait3A_940 = arith.constant 0 : i32
      %dma_wait3A_941 = tpu.memref_slice %arg7[%dma_wait3A_931, %dma_wait3A_939, %dma_wait3A_940] : memref<16x16x128xf32, #tpu.memory_space<vmem>> -> memref<1x16x128xf32, #tpu.memory_space<vmem>>
      %dma_wait3A_942 = tpu.memref_squeeze %dma_wait3A_941 : memref<1x16x128xf32, #tpu.memory_space<vmem>> -> memref<16x128xf32, #tpu.memory_space<vmem>>
      %dma_wait3A_943 = arith.constant 0 : i32
      %dma_wait3A_944 = arith.constant 0 : i32
      %dma_wait3A_945 = tpu.memref_slice %arg3[%dma_wait3A_943, %dma_wait3A_944] : memref<16x1000000xf32, #tpu.memory_space<hbm>> -> memref<16x128xf32, #tpu.memory_space<hbm>>
      tpu.wait_dma2 semaphore(%arg10 : memref<!tpu.dma_semaphore, #tpu.memory_space<semaphore_mem>>) src(%dma_wait3A_945 : memref<16x128xf32, #tpu.memory_space<hbm>>) dst(%dma_wait3A_942 : memref<16x128xf32, #tpu.memory_space<vmem>>)
      %dma_wait3A_946 = arith.constant 0 : i32
      %dma_wait3A_947 = arith.constant 0 : i32
      %dma_wait3A_948 = arith.constant 0 : i32
      %dma_wait3A_949 = tpu.memref_slice %arg7[%dma_wait3A_946, %dma_wait3A_947, %dma_wait3A_948] : memref<16x16x128xf32, #tpu.memory_space<vmem>> -> memref<1x16x128xf32, #tpu.memory_space<vmem>>
      %dma_wait3A_950 = tpu.memref_squeeze %dma_wait3A_949 : memref<1x16x128xf32, #tpu.memory_space<vmem>> -> memref<16x128xf32, #tpu.memory_space<vmem>>
      %dma_wait3A_951 = arith.constant 0 : i32
      %dma_wait3A_952 = arith.constant 0 : i32
      %dma_wait3A_953 = tpu.memref_slice %arg3[%dma_wait3A_951, %dma_wait3A_952] : memref<16x1000000xf32, #tpu.memory_space<hbm>> -> memref<16x128xf32, #tpu.memory_space<hbm>>
      %dma_wait3A_954 = arith.constant 0 : i32
      %dma_wait3A_955 = arith.constant 0 : i32
      %dma_wait3A_956 = tpu.memref_slice %arg7[%dma_wait3A_946, %dma_wait3A_954, %dma_wait3A_955] : memref<16x16x128xf32, #tpu.memory_space<vmem>> -> memref<1x16x128xf32, #tpu.memory_space<vmem>>
      %dma_wait3A_957 = tpu.memref_squeeze %dma_wait3A_956 : memref<1x16x128xf32, #tpu.memory_space<vmem>> -> memref<16x128xf32, #tpu.memory_space<vmem>>
      %dma_wait3A_958 = arith.constant 0 : i32
      %dma_wait3A_959 = arith.constant 0 : i32
      %dma_wait3A_960 = tpu.memref_slice %arg3[%dma_wait3A_958, %dma_wait3A_959] : memref<16x1000000xf32, #tpu.memory_space<hbm>> -> memref<16x128xf32, #tpu.memory_space<hbm>>
      tpu.wait_dma2 semaphore(%arg10 : memref<!tpu.dma_semaphore, #tpu.memory_space<semaphore_mem>>) src(%dma_wait3A_960 : memref<16x128xf32, #tpu.memory_space<hbm>>) dst(%dma_wait3A_957 : memref<16x128xf32, #tpu.memory_space<vmem>>)
      %dma_wait3A_961 = arith.constant 0 : i32
      %dma_wait3A_962 = arith.constant 0 : i32
      %dma_wait3A_963 = arith.constant 0 : i32
      %dma_wait3A_964 = tpu.memref_slice %arg7[%dma_wait3A_961, %dma_wait3A_962, %dma_wait3A_963] : memref<16x16x128xf32, #tpu.memory_space<vmem>> -> memref<1x16x128xf32, #tpu.memory_space<vmem>>
      %dma_wait3A_965 = tpu.memref_squeeze %dma_wait3A_964 : memref<1x16x128xf32, #tpu.memory_space<vmem>> -> memref<16x128xf32, #tpu.memory_space<vmem>>
      %dma_wait3A_966 = arith.constant 0 : i32
      %dma_wait3A_967 = arith.constant 0 : i32
      %dma_wait3A_968 = tpu.memref_slice %arg3[%dma_wait3A_966, %dma_wait3A_967] : memref<16x1000000xf32, #tpu.memory_space<hbm>> -> memref<16x128xf32, #tpu.memory_space<hbm>>
      %dma_wait3A_969 = arith.constant 0 : i32
      %dma_wait3A_970 = arith.constant 0 : i32
      %dma_wait3A_971 = tpu.memref_slice %arg7[%dma_wait3A_961, %dma_wait3A_969, %dma_wait3A_970] : memref<16x16x128xf32, #tpu.memory_space<vmem>> -> memref<1x16x128xf32, #tpu.memory_space<vmem>>
      %dma_wait3A_972 = tpu.memref_squeeze %dma_wait3A_971 : memref<1x16x128xf32, #tpu.memory_space<vmem>> -> memref<16x128xf32, #tpu.memory_space<vmem>>
      %dma_wait3A_973 = arith.constant 0 : i32
      %dma_wait3A_974 = arith.constant 0 : i32
      %dma_wait3A_975 = tpu.memref_slice %arg3[%dma_wait3A_973, %dma_wait3A_974] : memref<16x1000000xf32, #tpu.memory_space<hbm>> -> memref<16x128xf32, #tpu.memory_space<hbm>>
      tpu.wait_dma2 semaphore(%arg10 : memref<!tpu.dma_semaphore, #tpu.memory_space<semaphore_mem>>) src(%dma_wait3A_975 : memref<16x128xf32, #tpu.memory_space<hbm>>) dst(%dma_wait3A_972 : memref<16x128xf32, #tpu.memory_space<vmem>>)
      %dma_wait3A_976 = arith.constant 0 : i32
      %dma_wait3A_977 = arith.constant 0 : i32
      %dma_wait3A_978 = arith.constant 0 : i32
      %dma_wait3A_979 = tpu.memref_slice %arg7[%dma_wait3A_976, %dma_wait3A_977, %dma_wait3A_978] : memref<16x16x128xf32, #tpu.memory_space<vmem>> -> memref<1x16x128xf32, #tpu.memory_space<vmem>>
      %dma_wait3A_980 = tpu.memref_squeeze %dma_wait3A_979 : memref<1x16x128xf32, #tpu.memory_space<vmem>> -> memref<16x128xf32, #tpu.memory_space<vmem>>
      %dma_wait3A_981 = arith.constant 0 : i32
      %dma_wait3A_982 = arith.constant 0 : i32
      %dma_wait3A_983 = tpu.memref_slice %arg3[%dma_wait3A_981, %dma_wait3A_982] : memref<16x1000000xf32, #tpu.memory_space<hbm>> -> memref<16x128xf32, #tpu.memory_space<hbm>>
      %dma_wait3A_984 = arith.constant 0 : i32
      %dma_wait3A_985 = arith.constant 0 : i32
      %dma_wait3A_986 = tpu.memref_slice %arg7[%dma_wait3A_976, %dma_wait3A_984, %dma_wait3A_985] : memref<16x16x128xf32, #tpu.memory_space<vmem>> -> memref<1x16x128xf32, #tpu.memory_space<vmem>>
      %dma_wait3A_987 = tpu.memref_squeeze %dma_wait3A_986 : memref<1x16x128xf32, #tpu.memory_space<vmem>> -> memref<16x128xf32, #tpu.memory_space<vmem>>
      %dma_wait3A_988 = arith.constant 0 : i32
      %dma_wait3A_989 = arith.constant 0 : i32
      %dma_wait3A_990 = tpu.memref_slice %arg3[%dma_wait3A_988, %dma_wait3A_989] : memref<16x1000000xf32, #tpu.memory_space<hbm>> -> memref<16x128xf32, #tpu.memory_space<hbm>>
      tpu.wait_dma2 semaphore(%arg10 : memref<!tpu.dma_semaphore, #tpu.memory_space<semaphore_mem>>) src(%dma_wait3A_990 : memref<16x128xf32, #tpu.memory_space<hbm>>) dst(%dma_wait3A_987 : memref<16x128xf32, #tpu.memory_space<vmem>>)
      %dma_wait3A_991 = arith.constant 0 : i32
      %dma_wait3A_992 = arith.constant 0 : i32
      %dma_wait3A_993 = arith.constant 0 : i32
      %dma_wait3A_994 = tpu.memref_slice %arg7[%dma_wait3A_991, %dma_wait3A_992, %dma_wait3A_993] : memref<16x16x128xf32, #tpu.memory_space<vmem>> -> memref<1x16x128xf32, #tpu.memory_space<vmem>>
      %dma_wait3A_995 = tpu.memref_squeeze %dma_wait3A_994 : memref<1x16x128xf32, #tpu.memory_space<vmem>> -> memref<16x128xf32, #tpu.memory_space<vmem>>
      %dma_wait3A_996 = arith.constant 0 : i32
      %dma_wait3A_997 = arith.constant 0 : i32
      %dma_wait3A_998 = tpu.memref_slice %arg3[%dma_wait3A_996, %dma_wait3A_997] : memref<16x1000000xf32, #tpu.memory_space<hbm>> -> memref<16x128xf32, #tpu.memory_space<hbm>>
      %dma_wait3A_999 = arith.constant 0 : i32
      %dma_wait3A_1000 = arith.constant 0 : i32
      %dma_wait3A_1001 = tpu.memref_slice %arg7[%dma_wait3A_991, %dma_wait3A_999, %dma_wait3A_1000] : memref<16x16x128xf32, #tpu.memory_space<vmem>> -> memref<1x16x128xf32, #tpu.memory_space<vmem>>
      %dma_wait3A_1002 = tpu.memref_squeeze %dma_wait3A_1001 : memref<1x16x128xf32, #tpu.memory_space<vmem>> -> memref<16x128xf32, #tpu.memory_space<vmem>>
      %dma_wait3A_1003 = arith.constant 0 : i32
      %dma_wait3A_1004 = arith.constant 0 : i32
      %dma_wait3A_1005 = tpu.memref_slice %arg3[%dma_wait3A_1003, %dma_wait3A_1004] : memref<16x1000000xf32, #tpu.memory_space<hbm>> -> memref<16x128xf32, #tpu.memory_space<hbm>>
      tpu.wait_dma2 semaphore(%arg10 : memref<!tpu.dma_semaphore, #tpu.memory_space<semaphore_mem>>) src(%dma_wait3A_1005 : memref<16x128xf32, #tpu.memory_space<hbm>>) dst(%dma_wait3A_1002 : memref<16x128xf32, #tpu.memory_space<vmem>>)
      %dma_wait3A_1006 = arith.constant 0 : i32
      %dma_wait3A_1007 = arith.constant 0 : i32
      %dma_wait3A_1008 = arith.constant 0 : i32
      %dma_wait3A_1009 = tpu.memref_slice %arg7[%dma_wait3A_1006, %dma_wait3A_1007, %dma_wait3A_1008] : memref<16x16x128xf32, #tpu.memory_space<vmem>> -> memref<1x16x128xf32, #tpu.memory_space<vmem>>
      %dma_wait3A_1010 = tpu.memref_squeeze %dma_wait3A_1009 : memref<1x16x128xf32, #tpu.memory_space<vmem>> -> memref<16x128xf32, #tpu.memory_space<vmem>>
      %dma_wait3A_1011 = arith.constant 0 : i32
      %dma_wait3A_1012 = arith.constant 0 : i32
      %dma_wait3A_1013 = tpu.memref_slice %arg3[%dma_wait3A_1011, %dma_wait3A_1012] : memref<16x1000000xf32, #tpu.memory_space<hbm>> -> memref<16x128xf32, #tpu.memory_space<hbm>>
      %dma_wait3A_1014 = arith.constant 0 : i32
      %dma_wait3A_1015 = arith.constant 0 : i32
      %dma_wait3A_1016 = tpu.memref_slice %arg7[%dma_wait3A_1006, %dma_wait3A_1014, %dma_wait3A_1015] : memref<16x16x128xf32, #tpu.memory_space<vmem>> -> memref<1x16x128xf32, #tpu.memory_space<vmem>>
      %dma_wait3A_1017 = tpu.memref_squeeze %dma_wait3A_1016 : memref<1x16x128xf32, #tpu.memory_space<vmem>> -> memref<16x128xf32, #tpu.memory_space<vmem>>
      %dma_wait3A_1018 = arith.constant 0 : i32
      %dma_wait3A_1019 = arith.constant 0 : i32
      %dma_wait3A_1020 = tpu.memref_slice %arg3[%dma_wait3A_1018, %dma_wait3A_1019] : memref<16x1000000xf32, #tpu.memory_space<hbm>> -> memref<16x128xf32, #tpu.memory_space<hbm>>
      tpu.wait_dma2 semaphore(%arg10 : memref<!tpu.dma_semaphore, #tpu.memory_space<semaphore_mem>>) src(%dma_wait3A_1020 : memref<16x128xf32, #tpu.memory_space<hbm>>) dst(%dma_wait3A_1017 : memref<16x128xf32, #tpu.memory_space<vmem>>)
      %dma_wait3A_1021 = arith.constant 0 : i32
      %dma_wait3A_1022 = arith.constant 0 : i32
      %dma_wait3A_1023 = arith.constant 0 : i32
      %dma_wait3A_1024 = tpu.memref_slice %arg7[%dma_wait3A_1021, %dma_wait3A_1022, %dma_wait3A_1023] : memref<16x16x128xf32, #tpu.memory_space<vmem>> -> memref<1x16x128xf32, #tpu.memory_space<vmem>>
      %dma_wait3A_1025 = tpu.memref_squeeze %dma_wait3A_1024 : memref<1x16x128xf32, #tpu.memory_space<vmem>> -> memref<16x128xf32, #tpu.memory_space<vmem>>
      %dma_wait3A_1026 = arith.constant 0 : i32
      %dma_wait3A_1027 = arith.constant 0 : i32
      %dma_wait3A_1028 = tpu.memref_slice %arg3[%dma_wait3A_1026, %dma_wait3A_1027] : memref<16x1000000xf32, #tpu.memory_space<hbm>> -> memref<16x128xf32, #tpu.memory_space<hbm>>
      %dma_wait3A_1029 = arith.constant 0 : i32
      %dma_wait3A_1030 = arith.constant 0 : i32
      %dma_wait3A_1031 = tpu.memref_slice %arg7[%dma_wait3A_1021, %dma_wait3A_1029, %dma_wait3A_1030] : memref<16x16x128xf32, #tpu.memory_space<vmem>> -> memref<1x16x128xf32, #tpu.memory_space<vmem>>
      %dma_wait3A_1032 = tpu.memref_squeeze %dma_wait3A_1031 : memref<1x16x128xf32, #tpu.memory_space<vmem>> -> memref<16x128xf32, #tpu.memory_space<vmem>>
      %dma_wait3A_1033 = arith.constant 0 : i32
      %dma_wait3A_1034 = arith.constant 0 : i32
      %dma_wait3A_1035 = tpu.memref_slice %arg3[%dma_wait3A_1033, %dma_wait3A_1034] : memref<16x1000000xf32, #tpu.memory_space<hbm>> -> memref<16x128xf32, #tpu.memory_space<hbm>>
      tpu.wait_dma2 semaphore(%arg10 : memref<!tpu.dma_semaphore, #tpu.memory_space<semaphore_mem>>) src(%dma_wait3A_1035 : memref<16x128xf32, #tpu.memory_space<hbm>>) dst(%dma_wait3A_1032 : memref<16x128xf32, #tpu.memory_space<vmem>>)
      %dma_wait3A_1036 = arith.constant 0 : i32
      %dma_wait3A_1037 = arith.constant 0 : i32
      %dma_wait3A_1038 = arith.constant 0 : i32
      %dma_wait3A_1039 = tpu.memref_slice %arg7[%dma_wait3A_1036, %dma_wait3A_1037, %dma_wait3A_1038] : memref<16x16x128xf32, #tpu.memory_space<vmem>> -> memref<1x16x128xf32, #tpu.memory_space<vmem>>
      %dma_wait3A_1040 = tpu.memref_squeeze %dma_wait3A_1039 : memref<1x16x128xf32, #tpu.memory_space<vmem>> -> memref<16x128xf32, #tpu.memory_space<vmem>>
      %dma_wait3A_1041 = arith.constant 0 : i32
      %dma_wait3A_1042 = arith.constant 0 : i32
      %dma_wait3A_1043 = tpu.memref_slice %arg3[%dma_wait3A_1041, %dma_wait3A_1042] : memref<16x1000000xf32, #tpu.memory_space<hbm>> -> memref<16x128xf32, #tpu.memory_space<hbm>>
      %dma_wait3A_1044 = arith.constant 0 : i32
      %dma_wait3A_1045 = arith.constant 0 : i32
      %dma_wait3A_1046 = tpu.memref_slice %arg7[%dma_wait3A_1036, %dma_wait3A_1044, %dma_wait3A_1045] : memref<16x16x128xf32, #tpu.memory_space<vmem>> -> memref<1x16x128xf32, #tpu.memory_space<vmem>>
      %dma_wait3A_1047 = tpu.memref_squeeze %dma_wait3A_1046 : memref<1x16x128xf32, #tpu.memory_space<vmem>> -> memref<16x128xf32, #tpu.memory_space<vmem>>
      %dma_wait3A_1048 = arith.constant 0 : i32
      %dma_wait3A_1049 = arith.constant 0 : i32
      %dma_wait3A_1050 = tpu.memref_slice %arg3[%dma_wait3A_1048, %dma_wait3A_1049] : memref<16x1000000xf32, #tpu.memory_space<hbm>> -> memref<16x128xf32, #tpu.memory_space<hbm>>
      tpu.wait_dma2 semaphore(%arg10 : memref<!tpu.dma_semaphore, #tpu.memory_space<semaphore_mem>>) src(%dma_wait3A_1050 : memref<16x128xf32, #tpu.memory_space<hbm>>) dst(%dma_wait3A_1047 : memref<16x128xf32, #tpu.memory_space<vmem>>)
      %dma_wait3A_1051 = arith.constant 0 : i32
      %dma_wait3A_1052 = arith.constant 0 : i32
      %dma_wait3A_1053 = arith.constant 0 : i32
      %dma_wait3A_1054 = tpu.memref_slice %arg7[%dma_wait3A_1051, %dma_wait3A_1052, %dma_wait3A_1053] : memref<16x16x128xf32, #tpu.memory_space<vmem>> -> memref<1x16x128xf32, #tpu.memory_space<vmem>>
      %dma_wait3A_1055 = tpu.memref_squeeze %dma_wait3A_1054 : memref<1x16x128xf32, #tpu.memory_space<vmem>> -> memref<16x128xf32, #tpu.memory_space<vmem>>
      %dma_wait3A_1056 = arith.constant 0 : i32
      %dma_wait3A_1057 = arith.constant 0 : i32
      %dma_wait3A_1058 = tpu.memref_slice %arg3[%dma_wait3A_1056, %dma_wait3A_1057] : memref<16x1000000xf32, #tpu.memory_space<hbm>> -> memref<16x128xf32, #tpu.memory_space<hbm>>
      %dma_wait3A_1059 = arith.constant 0 : i32
      %dma_wait3A_1060 = arith.constant 0 : i32
      %dma_wait3A_1061 = tpu.memref_slice %arg7[%dma_wait3A_1051, %dma_wait3A_1059, %dma_wait3A_1060] : memref<16x16x128xf32, #tpu.memory_space<vmem>> -> memref<1x16x128xf32, #tpu.memory_space<vmem>>
      %dma_wait3A_1062 = tpu.memref_squeeze %dma_wait3A_1061 : memref<1x16x128xf32, #tpu.memory_space<vmem>> -> memref<16x128xf32, #tpu.memory_space<vmem>>
      %dma_wait3A_1063 = arith.constant 0 : i32
      %dma_wait3A_1064 = arith.constant 0 : i32
      %dma_wait3A_1065 = tpu.memref_slice %arg3[%dma_wait3A_1063, %dma_wait3A_1064] : memref<16x1000000xf32, #tpu.memory_space<hbm>> -> memref<16x128xf32, #tpu.memory_space<hbm>>
      tpu.wait_dma2 semaphore(%arg10 : memref<!tpu.dma_semaphore, #tpu.memory_space<semaphore_mem>>) src(%dma_wait3A_1065 : memref<16x128xf32, #tpu.memory_space<hbm>>) dst(%dma_wait3A_1062 : memref<16x128xf32, #tpu.memory_space<vmem>>)
      %dma_wait3A_1066 = arith.constant 0 : i32
      %dma_wait3A_1067 = arith.constant 0 : i32
      %dma_wait3A_1068 = arith.constant 0 : i32
      %dma_wait3A_1069 = tpu.memref_slice %arg7[%dma_wait3A_1066, %dma_wait3A_1067, %dma_wait3A_1068] : memref<16x16x128xf32, #tpu.memory_space<vmem>> -> memref<1x16x128xf32, #tpu.memory_space<vmem>>
      %dma_wait3A_1070 = tpu.memref_squeeze %dma_wait3A_1069 : memref<1x16x128xf32, #tpu.memory_space<vmem>> -> memref<16x128xf32, #tpu.memory_space<vmem>>
      %dma_wait3A_1071 = arith.constant 0 : i32
      %dma_wait3A_1072 = arith.constant 0 : i32
      %dma_wait3A_1073 = tpu.memref_slice %arg3[%dma_wait3A_1071, %dma_wait3A_1072] : memref<16x1000000xf32, #tpu.memory_space<hbm>> -> memref<16x128xf32, #tpu.memory_space<hbm>>
      %dma_wait3A_1074 = arith.constant 0 : i32
      %dma_wait3A_1075 = arith.constant 0 : i32
      %dma_wait3A_1076 = tpu.memref_slice %arg7[%dma_wait3A_1066, %dma_wait3A_1074, %dma_wait3A_1075] : memref<16x16x128xf32, #tpu.memory_space<vmem>> -> memref<1x16x128xf32, #tpu.memory_space<vmem>>
      %dma_wait3A_1077 = tpu.memref_squeeze %dma_wait3A_1076 : memref<1x16x128xf32, #tpu.memory_space<vmem>> -> memref<16x128xf32, #tpu.memory_space<vmem>>
      %dma_wait3A_1078 = arith.constant 0 : i32
      %dma_wait3A_1079 = arith.constant 0 : i32
      %dma_wait3A_1080 = tpu.memref_slice %arg3[%dma_wait3A_1078, %dma_wait3A_1079] : memref<16x1000000xf32, #tpu.memory_space<hbm>> -> memref<16x128xf32, #tpu.memory_space<hbm>>
      tpu.wait_dma2 semaphore(%arg10 : memref<!tpu.dma_semaphore, #tpu.memory_space<semaphore_mem>>) src(%dma_wait3A_1080 : memref<16x128xf32, #tpu.memory_space<hbm>>) dst(%dma_wait3A_1077 : memref<16x128xf32, #tpu.memory_space<vmem>>)
      %dma_wait3A_1081 = arith.constant 0 : i32
      %dma_wait3A_1082 = arith.constant 0 : i32
      %dma_wait3A_1083 = arith.constant 0 : i32
      %dma_wait3A_1084 = tpu.memref_slice %arg7[%dma_wait3A_1081, %dma_wait3A_1082, %dma_wait3A_1083] : memref<16x16x128xf32, #tpu.memory_space<vmem>> -> memref<1x16x128xf32, #tpu.memory_space<vmem>>
      %dma_wait3A_1085 = tpu.memref_squeeze %dma_wait3A_1084 : memref<1x16x128xf32, #tpu.memory_space<vmem>> -> memref<16x128xf32, #tpu.memory_space<vmem>>
      %dma_wait3A_1086 = arith.constant 0 : i32
      %dma_wait3A_1087 = arith.constant 0 : i32
      %dma_wait3A_1088 = tpu.memref_slice %arg3[%dma_wait3A_1086, %dma_wait3A_1087] : memref<16x1000000xf32, #tpu.memory_space<hbm>> -> memref<16x128xf32, #tpu.memory_space<hbm>>
      %dma_wait3A_1089 = arith.constant 0 : i32
      %dma_wait3A_1090 = arith.constant 0 : i32
      %dma_wait3A_1091 = tpu.memref_slice %arg7[%dma_wait3A_1081, %dma_wait3A_1089, %dma_wait3A_1090] : memref<16x16x128xf32, #tpu.memory_space<vmem>> -> memref<1x16x128xf32, #tpu.memory_space<vmem>>
      %dma_wait3A_1092 = tpu.memref_squeeze %dma_wait3A_1091 : memref<1x16x128xf32, #tpu.memory_space<vmem>> -> memref<16x128xf32, #tpu.memory_space<vmem>>
      %dma_wait3A_1093 = arith.constant 0 : i32
      %dma_wait3A_1094 = arith.constant 0 : i32
      %dma_wait3A_1095 = tpu.memref_slice %arg3[%dma_wait3A_1093, %dma_wait3A_1094] : memref<16x1000000xf32, #tpu.memory_space<hbm>> -> memref<16x128xf32, #tpu.memory_space<hbm>>
      tpu.wait_dma2 semaphore(%arg10 : memref<!tpu.dma_semaphore, #tpu.memory_space<semaphore_mem>>) src(%dma_wait3A_1095 : memref<16x128xf32, #tpu.memory_space<hbm>>) dst(%dma_wait3A_1092 : memref<16x128xf32, #tpu.memory_space<vmem>>)
      %dma_wait3A_1096 = arith.constant 0 : i32
      %dma_wait3A_1097 = arith.constant 0 : i32
      %dma_wait3A_1098 = arith.constant 0 : i32
      %dma_wait3A_1099 = tpu.memref_slice %arg7[%dma_wait3A_1096, %dma_wait3A_1097, %dma_wait3A_1098] : memref<16x16x128xf32, #tpu.memory_space<vmem>> -> memref<1x16x128xf32, #tpu.memory_space<vmem>>
      %dma_wait3A_1100 = tpu.memref_squeeze %dma_wait3A_1099 : memref<1x16x128xf32, #tpu.memory_space<vmem>> -> memref<16x128xf32, #tpu.memory_space<vmem>>
      %dma_wait3A_1101 = arith.constant 0 : i32
      %dma_wait3A_1102 = arith.constant 0 : i32
      %dma_wait3A_1103 = tpu.memref_slice %arg3[%dma_wait3A_1101, %dma_wait3A_1102] : memref<16x1000000xf32, #tpu.memory_space<hbm>> -> memref<16x128xf32, #tpu.memory_space<hbm>>
      %dma_wait3A_1104 = arith.constant 0 : i32
      %dma_wait3A_1105 = arith.constant 0 : i32
      %dma_wait3A_1106 = tpu.memref_slice %arg7[%dma_wait3A_1096, %dma_wait3A_1104, %dma_wait3A_1105] : memref<16x16x128xf32, #tpu.memory_space<vmem>> -> memref<1x16x128xf32, #tpu.memory_space<vmem>>
      %dma_wait3A_1107 = tpu.memref_squeeze %dma_wait3A_1106 : memref<1x16x128xf32, #tpu.memory_space<vmem>> -> memref<16x128xf32, #tpu.memory_space<vmem>>
      %dma_wait3A_1108 = arith.constant 0 : i32
      %dma_wait3A_1109 = arith.constant 0 : i32
      %dma_wait3A_1110 = tpu.memref_slice %arg3[%dma_wait3A_1108, %dma_wait3A_1109] : memref<16x1000000xf32, #tpu.memory_space<hbm>> -> memref<16x128xf32, #tpu.memory_space<hbm>>
      tpu.wait_dma2 semaphore(%arg10 : memref<!tpu.dma_semaphore, #tpu.memory_space<semaphore_mem>>) src(%dma_wait3A_1110 : memref<16x128xf32, #tpu.memory_space<hbm>>) dst(%dma_wait3A_1107 : memref<16x128xf32, #tpu.memory_space<vmem>>)
      %dma_wait3A_1111 = arith.constant 0 : i32
      %dma_wait3A_1112 = arith.constant 0 : i32
      %dma_wait3A_1113 = arith.constant 0 : i32
      %dma_wait3A_1114 = tpu.memref_slice %arg7[%dma_wait3A_1111, %dma_wait3A_1112, %dma_wait3A_1113] : memref<16x16x128xf32, #tpu.memory_space<vmem>> -> memref<1x16x128xf32, #tpu.memory_space<vmem>>
      %dma_wait3A_1115 = tpu.memref_squeeze %dma_wait3A_1114 : memref<1x16x128xf32, #tpu.memory_space<vmem>> -> memref<16x128xf32, #tpu.memory_space<vmem>>
      %dma_wait3A_1116 = arith.constant 0 : i32
      %dma_wait3A_1117 = arith.constant 0 : i32
      %dma_wait3A_1118 = tpu.memref_slice %arg3[%dma_wait3A_1116, %dma_wait3A_1117] : memref<16x1000000xf32, #tpu.memory_space<hbm>> -> memref<16x128xf32, #tpu.memory_space<hbm>>
      %dma_wait3A_1119 = arith.constant 0 : i32
      %dma_wait3A_1120 = arith.constant 0 : i32
      %dma_wait3A_1121 = tpu.memref_slice %arg7[%dma_wait3A_1111, %dma_wait3A_1119, %dma_wait3A_1120] : memref<16x16x128xf32, #tpu.memory_space<vmem>> -> memref<1x16x128xf32, #tpu.memory_space<vmem>>
      %dma_wait3A_1122 = tpu.memref_squeeze %dma_wait3A_1121 : memref<1x16x128xf32, #tpu.memory_space<vmem>> -> memref<16x128xf32, #tpu.memory_space<vmem>>
      %dma_wait3A_1123 = arith.constant 0 : i32
      %dma_wait3A_1124 = arith.constant 0 : i32
      %dma_wait3A_1125 = tpu.memref_slice %arg3[%dma_wait3A_1123, %dma_wait3A_1124] : memref<16x1000000xf32, #tpu.memory_space<hbm>> -> memref<16x128xf32, #tpu.memory_space<hbm>>
      tpu.wait_dma2 semaphore(%arg10 : memref<!tpu.dma_semaphore, #tpu.memory_space<semaphore_mem>>) src(%dma_wait3A_1125 : memref<16x128xf32, #tpu.memory_space<hbm>>) dst(%dma_wait3A_1122 : memref<16x128xf32, #tpu.memory_space<vmem>>)
      %dma_wait3A_1126 = arith.constant 0 : i32
      %dma_wait3A_1127 = arith.constant 0 : i32
      %dma_wait3A_1128 = arith.constant 0 : i32
      %dma_wait3A_1129 = tpu.memref_slice %arg7[%dma_wait3A_1126, %dma_wait3A_1127, %dma_wait3A_1128] : memref<16x16x128xf32, #tpu.memory_space<vmem>> -> memref<1x16x128xf32, #tpu.memory_space<vmem>>
      %dma_wait3A_1130 = tpu.memref_squeeze %dma_wait3A_1129 : memref<1x16x128xf32, #tpu.memory_space<vmem>> -> memref<16x128xf32, #tpu.memory_space<vmem>>
      %dma_wait3A_1131 = arith.constant 0 : i32
      %dma_wait3A_1132 = arith.constant 0 : i32
      %dma_wait3A_1133 = tpu.memref_slice %arg3[%dma_wait3A_1131, %dma_wait3A_1132] : memref<16x1000000xf32, #tpu.memory_space<hbm>> -> memref<16x128xf32, #tpu.memory_space<hbm>>
      %dma_wait3A_1134 = arith.constant 0 : i32
      %dma_wait3A_1135 = arith.constant 0 : i32
      %dma_wait3A_1136 = tpu.memref_slice %arg7[%dma_wait3A_1126, %dma_wait3A_1134, %dma_wait3A_1135] : memref<16x16x128xf32, #tpu.memory_space<vmem>> -> memref<1x16x128xf32, #tpu.memory_space<vmem>>
      %dma_wait3A_1137 = tpu.memref_squeeze %dma_wait3A_1136 : memref<1x16x128xf32, #tpu.memory_space<vmem>> -> memref<16x128xf32, #tpu.memory_space<vmem>>
      %dma_wait3A_1138 = arith.constant 0 : i32
      %dma_wait3A_1139 = arith.constant 0 : i32
      %dma_wait3A_1140 = tpu.memref_slice %arg3[%dma_wait3A_1138, %dma_wait3A_1139] : memref<16x1000000xf32, #tpu.memory_space<hbm>> -> memref<16x128xf32, #tpu.memory_space<hbm>>
      tpu.wait_dma2 semaphore(%arg10 : memref<!tpu.dma_semaphore, #tpu.memory_space<semaphore_mem>>) src(%dma_wait3A_1140 : memref<16x128xf32, #tpu.memory_space<hbm>>) dst(%dma_wait3A_1137 : memref<16x128xf32, #tpu.memory_space<vmem>>)
      %dma_wait3A_1141 = arith.constant 0 : i32
      %dma_wait3A_1142 = arith.constant 0 : i32
      %dma_wait3A_1143 = arith.constant 0 : i32
      %dma_wait3A_1144 = tpu.memref_slice %arg7[%dma_wait3A_1141, %dma_wait3A_1142, %dma_wait3A_1143] : memref<16x16x128xf32, #tpu.memory_space<vmem>> -> memref<1x16x128xf32, #tpu.memory_space<vmem>>
      %dma_wait3A_1145 = tpu.memref_squeeze %dma_wait3A_1144 : memref<1x16x128xf32, #tpu.memory_space<vmem>> -> memref<16x128xf32, #tpu.memory_space<vmem>>
      %dma_wait3A_1146 = arith.constant 0 : i32
      %dma_wait3A_1147 = arith.constant 0 : i32
      %dma_wait3A_1148 = tpu.memref_slice %arg3[%dma_wait3A_1146, %dma_wait3A_1147] : memref<16x1000000xf32, #tpu.memory_space<hbm>> -> memref<16x128xf32, #tpu.memory_space<hbm>>
      %dma_wait3A_1149 = arith.constant 0 : i32
      %dma_wait3A_1150 = arith.constant 0 : i32
      %dma_wait3A_1151 = tpu.memref_slice %arg7[%dma_wait3A_1141, %dma_wait3A_1149, %dma_wait3A_1150] : memref<16x16x128xf32, #tpu.memory_space<vmem>> -> memref<1x16x128xf32, #tpu.memory_space<vmem>>
      %dma_wait3A_1152 = tpu.memref_squeeze %dma_wait3A_1151 : memref<1x16x128xf32, #tpu.memory_space<vmem>> -> memref<16x128xf32, #tpu.memory_space<vmem>>
      %dma_wait3A_1153 = arith.constant 0 : i32
      %dma_wait3A_1154 = arith.constant 0 : i32
      %dma_wait3A_1155 = tpu.memref_slice %arg3[%dma_wait3A_1153, %dma_wait3A_1154] : memref<16x1000000xf32, #tpu.memory_space<hbm>> -> memref<16x128xf32, #tpu.memory_space<hbm>>
      tpu.wait_dma2 semaphore(%arg10 : memref<!tpu.dma_semaphore, #tpu.memory_space<semaphore_mem>>) src(%dma_wait3A_1155 : memref<16x128xf32, #tpu.memory_space<hbm>>) dst(%dma_wait3A_1152 : memref<16x128xf32, #tpu.memory_space<vmem>>)
      %add3A_1156 = arith.constant 1 : i32
      %add3A_1157 = arith.addi %mul3A_268, %add3A_1156 : i32
      %mul3A_1158 = arith.constant 16 : i32
      %mul3A_1159 = arith.muli %add3A_1157, %mul3A_1158 : i32
      %get3A_1160 = arith.index_cast %mul3A_1159 : i32 to index
      %get3A_1161 = tpu.vector_load %arg5[%get3A_1160] {strides = array<i32>} : memref<512xi32, #tpu.memory_space<vmem>>, vector<16xi32>,
      %and3A_1162 = arith.constant 127 : i32
      %and3A_1163 = vector.broadcast %and3A_1162 : i32 to vector<16xi32>
      %and3A_1164 = arith.andi %get3A_1161, %and3A_1163 : vector<16xi32>
      %broadcast_in_dim3A_1165 = arith.constant 0 : i32
      %broadcast_in_dim3A_1166 = vector.broadcast %broadcast_in_dim3A_1165 : i32 to vector<16xi32>
      %gather3A_1167 = tpu.vector_load_idx %arg7[%iota3A, %broadcast_in_dim3A_1166, %and3A_1164] : memref<16x16x128xf32, #tpu.memory_space<vmem>>[vector<16xi32>, vector<16xi32>, vector<16xi32>], vector<16xf32>,
      %exp3A_1168 = math.exp %gather3A_1167 : vector<16xf32>
      %broadcast_in_dim3A_1169 = arith.constant 1 : i32
      %broadcast_in_dim3A_1170 = vector.broadcast %broadcast_in_dim3A_1169 : i32 to vector<16xi32>
      %gather3A_1171 = tpu.vector_load_idx %arg7[%iota3A, %broadcast_in_dim3A_1170, %and3A_1164] : memref<16x16x128xf32, #tpu.memory_space<vmem>>[vector<16xi32>, vector<16xi32>, vector<16xi32>], vector<16xf32>,
      %exp3A_1172 = math.exp %gather3A_1171 : vector<16xf32>
      %add3A_1173 = arith.addf %exp3A_1168, %exp3A_1172 : vector<16xf32>
      %broadcast_in_dim3A_1174 = arith.constant 2 : i32
      %broadcast_in_dim3A_1175 = vector.broadcast %broadcast_in_dim3A_1174 : i32 to vector<16xi32>
      %gather3A_1176 = tpu.vector_load_idx %arg7[%iota3A, %broadcast_in_dim3A_1175, %and3A_1164] : memref<16x16x128xf32, #tpu.memory_space<vmem>>[vector<16xi32>, vector<16xi32>, vector<16xi32>], vector<16xf32>,
      %exp3A_1177 = math.exp %gather3A_1176 : vector<16xf32>
      %add3A_1178 = arith.addf %add3A_1173, %exp3A_1177 : vector<16xf32>
      %broadcast_in_dim3A_1179 = arith.constant 3 : i32
      %broadcast_in_dim3A_1180 = vector.broadcast %broadcast_in_dim3A_1179 : i32 to vector<16xi32>
      %gather3A_1181 = tpu.vector_load_idx %arg7[%iota3A, %broadcast_in_dim3A_1180, %and3A_1164] : memref<16x16x128xf32, #tpu.memory_space<vmem>>[vector<16xi32>, vector<16xi32>, vector<16xi32>], vector<16xf32>,
      %exp3A_1182 = math.exp %gather3A_1181 : vector<16xf32>
      %add3A_1183 = arith.addf %add3A_1178, %exp3A_1182 : vector<16xf32>
      %broadcast_in_dim3A_1184 = arith.constant 4 : i32
      %broadcast_in_dim3A_1185 = vector.broadcast %broadcast_in_dim3A_1184 : i32 to vector<16xi32>
      %gather3A_1186 = tpu.vector_load_idx %arg7[%iota3A, %broadcast_in_dim3A_1185, %and3A_1164] : memref<16x16x128xf32, #tpu.memory_space<vmem>>[vector<16xi32>, vector<16xi32>, vector<16xi32>], vector<16xf32>,
      %exp3A_1187 = math.exp %gather3A_1186 : vector<16xf32>
      %add3A_1188 = arith.addf %add3A_1183, %exp3A_1187 : vector<16xf32>
      %broadcast_in_dim3A_1189 = arith.constant 5 : i32
      %broadcast_in_dim3A_1190 = vector.broadcast %broadcast_in_dim3A_1189 : i32 to vector<16xi32>
      %gather3A_1191 = tpu.vector_load_idx %arg7[%iota3A, %broadcast_in_dim3A_1190, %and3A_1164] : memref<16x16x128xf32, #tpu.memory_space<vmem>>[vector<16xi32>, vector<16xi32>, vector<16xi32>], vector<16xf32>,
      %exp3A_1192 = math.exp %gather3A_1191 : vector<16xf32>
      %add3A_1193 = arith.addf %add3A_1188, %exp3A_1192 : vector<16xf32>
      %broadcast_in_dim3A_1194 = arith.constant 6 : i32
      %broadcast_in_dim3A_1195 = vector.broadcast %broadcast_in_dim3A_1194 : i32 to vector<16xi32>
      %gather3A_1196 = tpu.vector_load_idx %arg7[%iota3A, %broadcast_in_dim3A_1195, %and3A_1164] : memref<16x16x128xf32, #tpu.memory_space<vmem>>[vector<16xi32>, vector<16xi32>, vector<16xi32>], vector<16xf32>,
      %exp3A_1197 = math.exp %gather3A_1196 : vector<16xf32>
      %add3A_1198 = arith.addf %add3A_1193, %exp3A_1197 : vector<16xf32>
      %broadcast_in_dim3A_1199 = arith.constant 7 : i32
      %broadcast_in_dim3A_1200 = vector.broadcast %broadcast_in_dim3A_1199 : i32 to vector<16xi32>
      %gather3A_1201 = tpu.vector_load_idx %arg7[%iota3A, %broadcast_in_dim3A_1200, %and3A_1164] : memref<16x16x128xf32, #tpu.memory_space<vmem>>[vector<16xi32>, vector<16xi32>, vector<16xi32>], vector<16xf32>,
      %exp3A_1202 = math.exp %gather3A_1201 : vector<16xf32>
      %add3A_1203 = arith.addf %add3A_1198, %exp3A_1202 : vector<16xf32>
      %broadcast_in_dim3A_1204 = arith.constant 8 : i32
      %broadcast_in_dim3A_1205 = vector.broadcast %broadcast_in_dim3A_1204 : i32 to vector<16xi32>
      %gather3A_1206 = tpu.vector_load_idx %arg7[%iota3A, %broadcast_in_dim3A_1205, %and3A_1164] : memref<16x16x128xf32, #tpu.memory_space<vmem>>[vector<16xi32>, vector<16xi32>, vector<16xi32>], vector<16xf32>,
      %exp3A_1207 = math.exp %gather3A_1206 : vector<16xf32>
      %add3A_1208 = arith.addf %add3A_1203, %exp3A_1207 : vector<16xf32>
      %broadcast_in_dim3A_1209 = arith.constant 9 : i32
      %broadcast_in_dim3A_1210 = vector.broadcast %broadcast_in_dim3A_1209 : i32 to vector<16xi32>
      %gather3A_1211 = tpu.vector_load_idx %arg7[%iota3A, %broadcast_in_dim3A_1210, %and3A_1164] : memref<16x16x128xf32, #tpu.memory_space<vmem>>[vector<16xi32>, vector<16xi32>, vector<16xi32>], vector<16xf32>,
      %exp3A_1212 = math.exp %gather3A_1211 : vector<16xf32>
      %add3A_1213 = arith.addf %add3A_1208, %exp3A_1212 : vector<16xf32>
      %broadcast_in_dim3A_1214 = arith.constant 10 : i32
      %broadcast_in_dim3A_1215 = vector.broadcast %broadcast_in_dim3A_1214 : i32 to vector<16xi32>
      %gather3A_1216 = tpu.vector_load_idx %arg7[%iota3A, %broadcast_in_dim3A_1215, %and3A_1164] : memref<16x16x128xf32, #tpu.memory_space<vmem>>[vector<16xi32>, vector<16xi32>, vector<16xi32>], vector<16xf32>,
      %exp3A_1217 = math.exp %gather3A_1216 : vector<16xf32>
      %add3A_1218 = arith.addf %add3A_1213, %exp3A_1217 : vector<16xf32>
      %broadcast_in_dim3A_1219 = arith.constant 11 : i32
      %broadcast_in_dim3A_1220 = vector.broadcast %broadcast_in_dim3A_1219 : i32 to vector<16xi32>
      %gather3A_1221 = tpu.vector_load_idx %arg7[%iota3A, %broadcast_in_dim3A_1220, %and3A_1164] : memref<16x16x128xf32, #tpu.memory_space<vmem>>[vector<16xi32>, vector<16xi32>, vector<16xi32>], vector<16xf32>,
      %exp3A_1222 = math.exp %gather3A_1221 : vector<16xf32>
      %add3A_1223 = arith.addf %add3A_1218, %exp3A_1222 : vector<16xf32>
      %broadcast_in_dim3A_1224 = arith.constant 12 : i32
      %broadcast_in_dim3A_1225 = vector.broadcast %broadcast_in_dim3A_1224 : i32 to vector<16xi32>
      %gather3A_1226 = tpu.vector_load_idx %arg7[%iota3A, %broadcast_in_dim3A_1225, %and3A_1164] : memref<16x16x128xf32, #tpu.memory_space<vmem>>[vector<16xi32>, vector<16xi32>, vector<16xi32>], vector<16xf32>,
      %exp3A_1227 = math.exp %gather3A_1226 : vector<16xf32>
      %add3A_1228 = arith.addf %add3A_1223, %exp3A_1227 : vector<16xf32>
      %broadcast_in_dim3A_1229 = arith.constant 13 : i32
      %broadcast_in_dim3A_1230 = vector.broadcast %broadcast_in_dim3A_1229 : i32 to vector<16xi32>
      %gather3A_1231 = tpu.vector_load_idx %arg7[%iota3A, %broadcast_in_dim3A_1230, %and3A_1164] : memref<16x16x128xf32, #tpu.memory_space<vmem>>[vector<16xi32>, vector<16xi32>, vector<16xi32>], vector<16xf32>,
      %exp3A_1232 = math.exp %gather3A_1231 : vector<16xf32>
      %add3A_1233 = arith.addf %add3A_1228, %exp3A_1232 : vector<16xf32>
      %broadcast_in_dim3A_1234 = arith.constant 14 : i32
      %broadcast_in_dim3A_1235 = vector.broadcast %broadcast_in_dim3A_1234 : i32 to vector<16xi32>
      %gather3A_1236 = tpu.vector_load_idx %arg7[%iota3A, %broadcast_in_dim3A_1235, %and3A_1164] : memref<16x16x128xf32, #tpu.memory_space<vmem>>[vector<16xi32>, vector<16xi32>, vector<16xi32>], vector<16xf32>,
      %exp3A_1237 = math.exp %gather3A_1236 : vector<16xf32>
      %add3A_1238 = arith.addf %add3A_1233, %exp3A_1237 : vector<16xf32>
      %broadcast_in_dim3A_1239 = arith.constant 15 : i32
      %broadcast_in_dim3A_1240 = vector.broadcast %broadcast_in_dim3A_1239 : i32 to vector<16xi32>
      %gather3A_1241 = tpu.vector_load_idx %arg7[%iota3A, %broadcast_in_dim3A_1240, %and3A_1164] : memref<16x16x128xf32, #tpu.memory_space<vmem>>[vector<16xi32>, vector<16xi32>, vector<16xi32>], vector<16xf32>,
      %exp3A_1242 = math.exp %gather3A_1241 : vector<16xf32>
      %add3A_1243 = arith.addf %add3A_1238, %exp3A_1242 : vector<16xf32>
      %div3A_1244 = arith.constant 1.000000e+00 : f32
      %div3A_1245 = vector.broadcast %div3A_1244 : f32 to vector<16xf32>
      %div3A_1246 = arith.divf %div3A_1245, %add3A_1243 : vector<16xf32>
      %mul3A_1247 = arith.constant 16 : i32
      %mul3A_1248 = arith.muli %add3A_1157, %mul3A_1247 : i32
      %add3A_1249 = vector.broadcast %mul3A_1248 : i32 to vector<16xi32>
      %add3A_1250 = arith.addi %add3A_1249, %iota3A : vector<16xi32>
      %broadcast_in_dim3A_1251 = arith.constant 0 : i32
      %broadcast_in_dim3A_1252 = vector.broadcast %broadcast_in_dim3A_1251 : i32 to vector<16xi32>
      %mul3A_1253 = arith.mulf %exp3A_1168, %div3A_1246 : vector<16xf32>
      tpu.vector_store_idx %arg8[%broadcast_in_dim3A_1252, %add3A_1250], %mul3A_1253 : memref<16x512xf32, #tpu.memory_space<vmem>>[vector<16xi32>, vector<16xi32>], vector<16xf32>,
      %broadcast_in_dim3A_1254 = arith.constant 1 : i32
      %broadcast_in_dim3A_1255 = vector.broadcast %broadcast_in_dim3A_1254 : i32 to vector<16xi32>
      %mul3A_1256 = arith.mulf %exp3A_1172, %div3A_1246 : vector<16xf32>
      tpu.vector_store_idx %arg8[%broadcast_in_dim3A_1255, %add3A_1250], %mul3A_1256 : memref<16x512xf32, #tpu.memory_space<vmem>>[vector<16xi32>, vector<16xi32>], vector<16xf32>,
      %broadcast_in_dim3A_1257 = arith.constant 2 : i32
      %broadcast_in_dim3A_1258 = vector.broadcast %broadcast_in_dim3A_1257 : i32 to vector<16xi32>
      %mul3A_1259 = arith.mulf %exp3A_1177, %div3A_1246 : vector<16xf32>
      tpu.vector_store_idx %arg8[%broadcast_in_dim3A_1258, %add3A_1250], %mul3A_1259 : memref<16x512xf32, #tpu.memory_space<vmem>>[vector<16xi32>, vector<16xi32>], vector<16xf32>,
      %broadcast_in_dim3A_1260 = arith.constant 3 : i32
      %broadcast_in_dim3A_1261 = vector.broadcast %broadcast_in_dim3A_1260 : i32 to vector<16xi32>
      %mul3A_1262 = arith.mulf %exp3A_1182, %div3A_1246 : vector<16xf32>
      tpu.vector_store_idx %arg8[%broadcast_in_dim3A_1261, %add3A_1250], %mul3A_1262 : memref<16x512xf32, #tpu.memory_space<vmem>>[vector<16xi32>, vector<16xi32>], vector<16xf32>,
      %broadcast_in_dim3A_1263 = arith.constant 4 : i32
      %broadcast_in_dim3A_1264 = vector.broadcast %broadcast_in_dim3A_1263 : i32 to vector<16xi32>
      %mul3A_1265 = arith.mulf %exp3A_1187, %div3A_1246 : vector<16xf32>
      tpu.vector_store_idx %arg8[%broadcast_in_dim3A_1264, %add3A_1250], %mul3A_1265 : memref<16x512xf32, #tpu.memory_space<vmem>>[vector<16xi32>, vector<16xi32>], vector<16xf32>,
      %broadcast_in_dim3A_1266 = arith.constant 5 : i32
      %broadcast_in_dim3A_1267 = vector.broadcast %broadcast_in_dim3A_1266 : i32 to vector<16xi32>
      %mul3A_1268 = arith.mulf %exp3A_1192, %div3A_1246 : vector<16xf32>
      tpu.vector_store_idx %arg8[%broadcast_in_dim3A_1267, %add3A_1250], %mul3A_1268 : memref<16x512xf32, #tpu.memory_space<vmem>>[vector<16xi32>, vector<16xi32>], vector<16xf32>,
      %broadcast_in_dim3A_1269 = arith.constant 6 : i32
      %broadcast_in_dim3A_1270 = vector.broadcast %broadcast_in_dim3A_1269 : i32 to vector<16xi32>
      %mul3A_1271 = arith.mulf %exp3A_1197, %div3A_1246 : vector<16xf32>
      tpu.vector_store_idx %arg8[%broadcast_in_dim3A_1270, %add3A_1250], %mul3A_1271 : memref<16x512xf32, #tpu.memory_space<vmem>>[vector<16xi32>, vector<16xi32>], vector<16xf32>,
      %broadcast_in_dim3A_1272 = arith.constant 7 : i32
      %broadcast_in_dim3A_1273 = vector.broadcast %broadcast_in_dim3A_1272 : i32 to vector<16xi32>
      %mul3A_1274 = arith.mulf %exp3A_1202, %div3A_1246 : vector<16xf32>
      tpu.vector_store_idx %arg8[%broadcast_in_dim3A_1273, %add3A_1250], %mul3A_1274 : memref<16x512xf32, #tpu.memory_space<vmem>>[vector<16xi32>, vector<16xi32>], vector<16xf32>,
      %broadcast_in_dim3A_1275 = arith.constant 8 : i32
      %broadcast_in_dim3A_1276 = vector.broadcast %broadcast_in_dim3A_1275 : i32 to vector<16xi32>
      %mul3A_1277 = arith.mulf %exp3A_1207, %div3A_1246 : vector<16xf32>
      tpu.vector_store_idx %arg8[%broadcast_in_dim3A_1276, %add3A_1250], %mul3A_1277 : memref<16x512xf32, #tpu.memory_space<vmem>>[vector<16xi32>, vector<16xi32>], vector<16xf32>,
      %broadcast_in_dim3A_1278 = arith.constant 9 : i32
      %broadcast_in_dim3A_1279 = vector.broadcast %broadcast_in_dim3A_1278 : i32 to vector<16xi32>
      %mul3A_1280 = arith.mulf %exp3A_1212, %div3A_1246 : vector<16xf32>
      tpu.vector_store_idx %arg8[%broadcast_in_dim3A_1279, %add3A_1250], %mul3A_1280 : memref<16x512xf32, #tpu.memory_space<vmem>>[vector<16xi32>, vector<16xi32>], vector<16xf32>,
      %broadcast_in_dim3A_1281 = arith.constant 10 : i32
      %broadcast_in_dim3A_1282 = vector.broadcast %broadcast_in_dim3A_1281 : i32 to vector<16xi32>
      %mul3A_1283 = arith.mulf %exp3A_1217, %div3A_1246 : vector<16xf32>
      tpu.vector_store_idx %arg8[%broadcast_in_dim3A_1282, %add3A_1250], %mul3A_1283 : memref<16x512xf32, #tpu.memory_space<vmem>>[vector<16xi32>, vector<16xi32>], vector<16xf32>,
      %broadcast_in_dim3A_1284 = arith.constant 11 : i32
      %broadcast_in_dim3A_1285 = vector.broadcast %broadcast_in_dim3A_1284 : i32 to vector<16xi32>
      %mul3A_1286 = arith.mulf %exp3A_1222, %div3A_1246 : vector<16xf32>
      tpu.vector_store_idx %arg8[%broadcast_in_dim3A_1285, %add3A_1250], %mul3A_1286 : memref<16x512xf32, #tpu.memory_space<vmem>>[vector<16xi32>, vector<16xi32>], vector<16xf32>,
      %broadcast_in_dim3A_1287 = arith.constant 12 : i32
      %broadcast_in_dim3A_1288 = vector.broadcast %broadcast_in_dim3A_1287 : i32 to vector<16xi32>
      %mul3A_1289 = arith.mulf %exp3A_1227, %div3A_1246 : vector<16xf32>
      tpu.vector_store_idx %arg8[%broadcast_in_dim3A_1288, %add3A_1250], %mul3A_1289 : memref<16x512xf32, #tpu.memory_space<vmem>>[vector<16xi32>, vector<16xi32>], vector<16xf32>,
      %broadcast_in_dim3A_1290 = arith.constant 13 : i32
      %broadcast_in_dim3A_1291 = vector.broadcast %broadcast_in_dim3A_1290 : i32 to vector<16xi32>
      %mul3A_1292 = arith.mulf %exp3A_1232, %div3A_1246 : vector<16xf32>
      tpu.vector_store_idx %arg8[%broadcast_in_dim3A_1291, %add3A_1250], %mul3A_1292 : memref<16x512xf32, #tpu.memory_space<vmem>>[vector<16xi32>, vector<16xi32>], vector<16xf32>,
      %broadcast_in_dim3A_1293 = arith.constant 14 : i32
      %broadcast_in_dim3A_1294 = vector.broadcast %broadcast_in_dim3A_1293 : i32 to vector<16xi32>
      %mul3A_1295 = arith.mulf %exp3A_1237, %div3A_1246 : vector<16xf32>
      tpu.vector_store_idx %arg8[%broadcast_in_dim3A_1294, %add3A_1250], %mul3A_1295 : memref<16x512xf32, #tpu.memory_space<vmem>>[vector<16xi32>, vector<16xi32>], vector<16xf32>,
      %broadcast_in_dim3A_1296 = arith.constant 15 : i32
      %broadcast_in_dim3A_1297 = vector.broadcast %broadcast_in_dim3A_1296 : i32 to vector<16xi32>
      %mul3A_1298 = arith.mulf %exp3A_1242, %div3A_1246 : vector<16xf32>
      tpu.vector_store_idx %arg8[%broadcast_in_dim3A_1297, %add3A_1250], %mul3A_1298 : memref<16x512xf32, #tpu.memory_space<vmem>>[vector<16xi32>, vector<16xi32>], vector<16xf32>,
    }
    %scan3A_265 = arith.constant 16 : i32
    "tpu.region"() ({
      %run_scoped3A = tpu.sem_alloc : memref<!tpu.dma_semaphore, #tpu.memory_space<semaphore_mem>>
      %dma_start3A_266 = arith.constant 0 : i32
      %dma_start3A_267 = tpu.memref_slice %arg4[%dma_start3A_266, %mul3A_2] : memref<16x16384xf32, #tpu.memory_space<hbm>> -> memref<16x512xf32, #tpu.memory_space<hbm>>
      %dma_start3A_268 = arith.constant 0 : i32
      %dma_start3A_269 = tpu.memref_slice %arg4[%dma_start3A_268, %mul3A_2] : memref<16x16384xf32, #tpu.memory_space<hbm>> -> memref<16x512xf32, #tpu.memory_space<hbm>>
      tpu.enqueue_dma source(%arg8 : memref<16x512xf32, #tpu.memory_space<vmem>>) target(%dma_start3A_269 : memref<16x512xf32, #tpu.memory_space<hbm>>) target_semaphore(%run_scoped3A : memref<!tpu.dma_semaphore, #tpu.memory_space<semaphore_mem>>)
      %dma_wait3A = arith.constant 0 : i32
      %dma_wait3A_270 = tpu.memref_slice %arg4[%dma_wait3A, %mul3A_2] : memref<16x16384xf32, #tpu.memory_space<hbm>> -> memref<16x512xf32, #tpu.memory_space<hbm>>
      %dma_wait3A_271 = arith.constant 0 : i32
      %dma_wait3A_272 = tpu.memref_slice %arg4[%dma_wait3A_271, %mul3A_2] : memref<16x16384xf32, #tpu.memory_space<hbm>> -> memref<16x512xf32, #tpu.memory_space<hbm>>
      tpu.wait_dma2 semaphore(%run_scoped3A : memref<!tpu.dma_semaphore, #tpu.memory_space<semaphore_mem>>) src(%arg8 : memref<16x512xf32, #tpu.memory_space<vmem>>) dst(%dma_wait3A_272 : memref<16x512xf32, #tpu.memory_space<hbm>>)
      tpu.yield
    }) : () -> ()
    return
  }
}

</mosaic_0001>

<sc_bundles>
// kernel: kernel.3.cloned.1.call-start
scs
__scs_entry_jumppad:
0x0: {  	(pc) =	sbr.rel $0x88, $3  }
0x1: {  	(tag) =	ssettag $0x0;
	lr =	simm.s32 $0x1  }
0x2: {  	[smem:$0x3F9F] =	sst lr;
	_ =	strace $0xD0000000  }
0x3: {  	_ = 	snop  }
0x4: {  	_ = 	snop  }
0x5: {  	_ = 	snop  }
0x6: {  	_ = 	snop  }
0x7: {  	_ = 	snop  }
__scs_overlays_trampoline_lowered:
0x8: {  	[smem:$0x3FAE] =	sst s0  }
0x9: {  	[smem:$0x3FAF] =	sst s1  }
0xa: {  	[smem:$0x3FB0] =	sst s2  }
0xb: {  	[smem:$0x3FB1] =	sst s3  }
0xc: {  	[smem:$0x3FB2] =	sst s4  }
0xd: {  	[smem:$0x3FB3] =	sst s5  }
0xe: {  	[smem:$0x3FB4] =	sst s6  }
0xf: {  	[smem:$0x3FB5] =	sst s7  }
0x10: {  	[smem:$0x3FB6] =	sst s8  }
0x11: {  	[smem:$0x3FB7] =	sst s9;
	s0 =	simm.s32 @!p0 $0x0  }
0x12: {  	s1 =	sld [smem:$0x3F9D];
	s0 =	simm.s32 @p0 $0x1  }
0x13: {  	[smem:$0x3FB8] =	sst s0;
	s0 =	simm.s32 @!p1 $0x0  }
0x14: {  	s2 =	sld [smem:$0x3F9C];
	s0 =	simm.s32 @p1 $0x1  }
0x15: {  	[smem:$0x3FB9] =	sst s0;
	s0 =	simm.s32 @!p2 $0x0  }
0x16: {  	s3 =	sld [smem:$0x3FDB];
	s0 =	simm.s32 @p2 $0x1  }
0x17: {  	s4 =	simm.s32 $0x1BF5;
	[smem:$0x3FBB] =	sst s0  }
0x18: {  	s0 =	sld [smem:$0x3F9E];
	_ =	swait.ge [sflag:s4], $0x0  }
0x19: {  	s7 =	sld [smem:$0x3F9F]  }
0x1a: {  	s8 =	sadd.s32 $0xFFFFE003, lr  }
0x1b: {  	s9 =	sadd.s32 $0xFFFFFEF7, lr;
	s5 =	simm.s32 $0xFFFFFFFF;
	p2 =	slt.u32 s8, $0xFFFFF086  }
0x1c: {  	p1 =	slt.u32 s9, $0xF7A;
	s5 =	simm.s32 @!p2 $0x0  }
0x1d: {  	s5 =	simm.s32 @p1 $0x1;
	p0 =	seq.s32 s7, s2  }
0x1e: {  	s7 =	smul.u32 @!p0 $0xF7A, s2;
	p2 =	seq.s32 @!p0 s5, $0x0  }
0x1f: {  	s9 =	smul.u32 $0xF7A, s1;
	s8 =	simm.s32 @!p0 $0x1BF5;
	p2 =	por !p2, p0  }
0x20: {  	[sflag:s8] =	ssyncset.s32 @!p0 $0xFFFFF086;
	s6 =	sadd.s32 @!p0 s3, s7;
	s7 =	simm.s32 @!p0 $0x108  }
0x21: {  	s3 =	sadd.s32 s3, s9;
	s6 =	sadd.s32 @!p0 $0x88, s6;
	s7 =	simm.s32 @p2 $0x1082  }
0x22: {  	[simem:s7], [sflag:s8] =	dma.local @!p0 [hbm:s6], $0xF7A  }
0x23: {  	s9 =	sor.u32 $0xD0000000, s2;
	s6 =	simm.s32 $0x108;
	_ =	swait.ge @!p0 [sflag:s8], $0x0  }
0x24: {  	s3 =	sadd.s32 $0x88, s3;
	s6 =	simm.s32 @!p1 $0x1082;
	[sflag:s4] =	ssyncset.s32 $0xFFFFF086  }
0x25: {  	[simem:s6], [sflag:s4] =	dma.local [hbm:s3], $0xF7A  }
0x26: {  	[smem:$0x3F9F] =	sst s1;
	(tag) =	ssettag s2;
	_ =	strace s9  }
0x27: {  	s1 =	sld [smem:$0x3FAF]  }
0x28: {  	s2 =	sld [smem:$0x3FB0]  }
0x29: {  	s4 =	sld [smem:$0x3FB2]  }
0x2a: {  	p0 =	seq.s32 s5, $0x0;
	s5 =	sld [smem:$0x3FB3]  }
0x2b: {  	s6 =	sld [smem:$0x3FB4]  }
0x2c: {  	s7 =	sld [smem:$0x3FB5]  }
0x2d: {  	s3 =	simm.s32 $0x108;
	s8 =	sld [smem:$0x3FB6]  }
0x2e: {  	s3 =	simm.s32 @!p0 $0x1082;
	s9 =	sld [smem:$0x3FB7]  }
0x2f: {  	lr =	sadd.s32 s0, s3;
	s0 =	sld [smem:$0x3FAE]  }
0x30: {  	s3 =	sld [smem:$0x3FB1]  }
0x31: {  	[smem:$0x3FBA] =	sst s10  }
0x32: {  	s10 =	sld [smem:$0x3FB8];
	_ =	sdelay $0x3  }
0x33: {  	p0 =	seq.s32 s10, $0x1;
	s10 =	sld [smem:$0x3FBA];
	_ =	sdelay $0x3  }
0x34: {  	[smem:$0x3FBA] =	sst s10  }
0x35: {  	s10 =	sld [smem:$0x3FB9];
	_ =	sdelay $0x3  }
0x36: {  	p1 =	seq.s32 s10, $0x1;
	s10 =	sld [smem:$0x3FBA];
	_ =	sdelay $0x3  }
0x37: {  	[smem:$0x3FBA] =	sst s10  }
0x38: {  	s10 =	sld [smem:$0x3FBB]  }
0x39: {  	_ = 	snop;
	(pc) =	sbr.ind lr, $3  }
0x3a: {  	_ = 	snop  }
0x3b: {  	_ = 	snop  }
0x3c: {  	p2 =	seq.s32 s10, $0x1;
	s10 =	sld [smem:$0x3FBA]  }
0x3d: {  	_ =	shalt  }
0x3e: {  	_ =	shalt  }
0x3f: {  	_ =	shalt  }
0x40: {  	_ =	shalt  }
0x41: {  	_ =	shalt  }
0x42: {  	_ =	shalt  }
0x43: {  	_ =	shalt  }
0x44: {  	_ =	shalt  }
0x45: {  	_ =	shalt  }
0x46: {  	_ =	shalt  }
0x47: {  	_ =	shalt  }
0x48: {  	_ =	shalt  }
0x49: {  	_ =	shalt  }
0x4a: {  	_ =	shalt  }
0x4b: {  	_ =	shalt  }
0x4c: {  	_ =	shalt  }
0x4d: {  	_ =	shalt  }
0x4e: {  	_ =	shalt  }
0x4f: {  	_ =	shalt  }
0x50: {  	_ =	shalt  }
0x51: {  	_ =	shalt  }
0x52: {  	_ =	shalt  }
0x53: {  	_ =	shalt  }
0x54: {  	_ =	shalt  }
0x55: {  	_ =	shalt  }
0x56: {  	_ =	shalt  }
0x57: {  	_ =	shalt  }
0x58: {  	_ =	shalt  }
0x59: {  	_ =	shalt  }
0x5a: {  	_ =	shalt  }
0x5b: {  	_ =	shalt  }
0x5c: {  	_ =	shalt  }
0x5d: {  	_ =	shalt  }
0x5e: {  	_ =	shalt  }
0x5f: {  	_ =	shalt  }
0x60: {  	_ =	shalt  }
0x61: {  	_ =	shalt  }
0x62: {  	_ =	shalt  }
0x63: {  	_ =	shalt  }
0x64: {  	_ =	shalt  }
0x65: {  	_ =	shalt  }
0x66: {  	_ =	shalt  }
0x67: {  	_ =	shalt  }
0x68: {  	_ =	shalt  }
0x69: {  	_ =	shalt  }
0x6a: {  	_ =	shalt  }
0x6b: {  	_ =	shalt  }
0x6c: {  	_ =	shalt  }
0x6d: {  	_ =	shalt  }
0x6e: {  	_ =	shalt  }
0x6f: {  	_ =	shalt  }
0x70: {  	_ =	shalt  }
0x71: {  	_ =	shalt  }
0x72: {  	_ =	shalt  }
0x73: {  	_ =	shalt  }
0x74: {  	_ =	shalt  }
0x75: {  	_ =	shalt  }
0x76: {  	_ =	shalt  }
0x77: {  	_ =	shalt  }
0x78: {  	_ =	shalt  }
0x79: {  	_ =	shalt  }
0x7a: {  	_ =	shalt  }
0x7b: {  	_ =	shalt  }
0x7c: {  	_ =	shalt  }
0x7d: {  	_ =	shalt  }
0x7e: {  	_ =	shalt  }
0x7f: {  	_ =	shalt  }
0x80: {  	_ =	shalt  }
0x81: {  	_ =	shalt  }
0x82: {  	_ =	shalt  }
0x83: {  	_ =	shalt  }
0x84: {  	_ =	shalt  }
0x85: {  	_ =	shalt  }
0x86: {  	_ =	shalt  }
0x87: {  	_ =	shalt  }
.Lfunc_end0:
.L_simem_size_0:
called_computation_lowered:
.L_overlay_start_0:
0x88: {  	s2 =	sld [smem:$0x3FD9]  }
0x89: {  	s3 =	sld [smem:$0x3FFE];
	_ =	sdelay $0x1  }
0x8a: {  	s1 =	srdreg.scid  }
0x8b: {  	s0 =	sand.u32 $0x1, s1  }
0x8c: {  	s18 =	sshll.u32 s0, $0xA;
	s2 =	sadd.s32 s3, s2  }
0x8d: {  	s2 =	sadd.s32 s2, s18  }
0x8e: {  	[smem:$0x3FC6] =	sst s2  }
0x8f: {  	_ = 	snop  }
0x90: {  	s2 =	sld [smem:$0x3FC9]  }
0x91: {  	s19 =	sld [smem:$0x3FC8]  }
0x92: {  	s4 =	sld [smem:$0x3FD0];
	(tm) =	ssettm $0x1  }
0x93: {  	s5 =	sld [smem:$0x3FFB];
	_ =	sdelay $0x3  }
0x94: {  	_ =	strace s5  }
0x95: {  	s5 =	sld [smem:$0x3FFC];
	_ =	sdelay $0x3  }
0x96: {  	_ =	strace s5  }
0x97: {  	s5 =	sld [smem:$0x3FFD];
	_ =	sdelay $0x3  }
0x98: {  	_ =	strace s5  }
0x99: {  	_ =	strace $0x8FFFFFFF  }
0x9a: {  	s20 =	sld [smem:$0x3FDB];
	_ =	sdelay $0x1  }
0x9b: {  	s6 =	simm.s32 $_scs_section_size  }
0x9c: {  	s7 =	simm.s32 $_size__tile_overlayer_lowered;
	s8 =	simm.s32 $_tile_overlayer_lowered  }
0x9d: {  	s23 =	simm.s32 $0x1BFF;
	s22 =	sshll.u32 s8, $0x1;
	s5 =	sadd.s32 s6, s20  }
0x9e: {  	s9 =	simm.s32 $0x0;
	s21 =	sshll.u32 s7, $0x1;
	s7 =	sadd.s32 s22, s5  }
0x9f: {  	[timem:s9], [sflag:s23] =	dma.local [hbm:s7], s21  }
0xa0: {  	_ =	swait.ge [sflag:s23], s21  }
0xa1: {  	s6 =	ssub.s32 $0x0, s21;
	[sflag:s23] =	ssyncset.done $0x0  }
0xa2: {  	[sflag:s23] =	ssyncadd.s32 s6;
	_ =	sdelay $0x1  }
0xa3: {  	s24 =	simm.s32 $0x1B8B  }
0xa4: {  	_ =	swait.ge [sflag:s24], $0x1  }
0xa5: {  	[sflag:s24] =	ssyncset.done $0x0  }
0xa6: {  	s25 =	simm.s32 $0x1B8E;
	[sflag:s24] =	ssyncadd.s32 $0xFFFFFFFF  }
0xa7: {  	s26 =	simm.s32 $execute0_lowered;
	[smem:$0x3FD2] =	sst s25  }
0xa8: {  	s6 =	sshll.u32 s26, $0x1;
	_ =	strace $0x80000046;
	[dreg:$0x1] =	wrdreg $0xFFFFFFFF  }
0xa9: {  	s28 =	simm.s32 $_size_execute0_lowered;
	s5 =	sadd.s32 s5, s6;
	[dreg:$0x0] =	wrdreg $0x0  }
0xaa: {  	s6 =	sshll.u32 s28, $0x1;
	[dreg:$0x2] =	wrdreg s5  }
0xab: {  	[dreg:$0x3] =	wrdreg s6  }
0xac: {  	[dreg:$0x4] =	wrdreg $0xC0  }
0xad: {  	_ =	task [dreg:s9], $0x5FFFF  }
0xae: {  	[dreg:$0x1] =	wrdreg $0xFFFFFFFF  }
0xaf: {  	[dreg:$0x0] =	wrdreg $0x60  }
0xb0: {  	[dreg:$0x2] =	wrdreg s2  }
0xb1: {  	[dreg:$0x3] =	wrdreg s19  }
0xb2: {  	[dreg:$0x4] =	wrdreg s4  }
0xb3: {  	[dreg:$0x5] =	wrdreg $0x9  }
0xb4: {  	_ =	task.clear_ibuf [dreg:s9], $0x6FFFF;
	_ =	strace $0x90000046  }
0xb5: {  	s29 =	simm.s32 $0x9;
	_ =	strace $0x80000048  }
0xb6: {  	_ =	swait.ge [sflag:s29], $0x1  }
0xb7: {  	[sflag:s29] =	ssyncadd.s32 $0xFFFFFFFF  }
0xb8: {  	_ =	strace $0x90000048  }
0xb9: {  	_ =	sfence  }
0xba: {  	s30 =	sld [smem:$0x0];
	_ =	sdelay $0x2  }
0xbb: {  	s31 =	sshll.u32 s1, $0xD;
	s1 =	sshrl.u32 s1, $0x2  }
0xbc: {  	s3 =	sand.u32 $0x4000, s31;
	s1 =	sadd.s32 s1, s30  }
0xbd: {  	s0 =	sor.u32 s3, s0;
	s1 =	sshll.u32 s1, $0x11  }
0xbe: {  	s0 =	sor.u32 s1, s0  }
0xbf: {  	s0 =	sadd.s32 $0x8F2B, s0  }
0xc0: {  	[sflag:s0] =	ssyncadd.remote.s32 $0x1  }
0xc1: {  	_ =	sfence.sel $0xFFFF  }
0xc2: {  	[dreg:$0x0] =	wrdreg $0xFFFFFFFF;
	(pc) =	sbr.abs _section_cstart, $3  }
0xc3: {  	[dreg:$0x1] =	wrdreg $0xFFFFFFFF  }
0xc4: {  	_ =	task.clear_ibuf [dreg:s9], $0x2FFFF;
	_ =	strace $0x9FFFFFFF  }
0xc5: {  	(tm) =	ssettm $0x7FFFFFFF  }
tec
execute0_lowered:
.L_overlay_start_1:
0x0: {  	(tag) =	ssettag $0x1  }
0x1: {  	s0 =	rddreg [dreg:$0x0]  }
0x2: {  	s2 =	rddreg [dreg:$0x1]  }
0x3: {  	s1 =	rddreg [dreg:$0x2]  }
0x4: {  	s3 =	srdreg.scid;
	s4 =	stileid.u32;
	s6 =	simm.s32 $0x0  }
0x5: {  	s20 =	simm.s32 $0x3;
	s8 =	simm.s32 $0x400;
	s9 =	simm.s32 $0x7A1400  }
0x6: {  	s10 =	simm.s32 $0x200;
	s22 =	simm.s32 $0x6200;
	s28 =	simm.s32 $0x8A00  }
0x7: {  	s29 =	simm.s32 $0x9200;
	s30 =	simm.s32 $0x9A00;
	s31 =	simm.s32 $0xA200  }
0x8: {  	s7 =	simm.s32 $0xDA00;
	s11 =	simm.s32 $0xE200;
	s12 =	simm.s32 $0xEA00  }
0x9: {  	s13 =	simm.s32 $0xF200;
	s14 =	simm.s32 $0xFA00;
	s15 =	simm.s32 $0x1  }
0xa: {  	s16 =	simm.s32 $0x10200;
	s17 =	simm.s32 $0x2;
	s19 =	simm.s32 $0x0  }
0xb: {  	s3 =	sand.u32 $0x1, s3;
	s4 =	sshll.u32 s4, $0xA;
	[smem:$0x7FF] =	sst s6  }
0xc: {  	v0 =	vlaneseq.u32;
	s6 =	simm.s32 $0xD200;
	s5 =	sshll.u32 s3, $0x9;
	s3 =	ssub.s32 $0x2, s3  }
0xd: {  	v1 =	vmul.u32 $0x800, v0;
	_ =	strace $0x80000047;
	s4 =	sor.u32 s5, s4;
	s23 =	sshrl.u32 s3, $0x1  }
0xe: {  	s5 =	simm.s32 $0xCA00;
	s24 =	sshrl.u32 s4, $0x3;
	s3 =	ssub.s32 s3, s23  }
.Ltmp0:
0xf: {  	v2 =	vor.u32 $0x80, v1;
	v3 =	vor.u32 $0x100, v1;
	v4 =	vor.u32 $0x180, v1;
	s25 =	sadd.s32 s1, s4;
	s23 =	simm.s32 $0x6A00;
	(pc) =	sbr.rel .LBB2_1-.Ltmp0, $4  }
0x10: {  	v5 =	vor.u32 $0x200, v1;
	v6 =	vor.u32 $0x280, v1;
	v7 =	vor.u32 $0x300, v1;
	s1 =	simm.s32 $0xB200;
	s4 =	simm.s32 $0xC200;
	s0 =	sadd.s32 s0, s24  }
0x11: {  	v8 =	vor.u32 $0x380, v1;
	v9 =	vor.u32 $0x400, v1;
	v10 =	vor.u32 $0x480, v1;
	[dreg:$0x5] =	wrdreg s25;
	s26 =	smax.u32 s3, $0x1;
	s24 =	simm.s32 $0x7200  }
0x12: {  	v11 =	vor.u32 $0x500, v1;
	v12 =	vor.u32 $0x580, v1;
	v13 =	vor.u32 $0x600, v1;
	s25 =	simm.s32 $0x7A00;
	s3 =	simm.s32 $0xBA00;
	[dreg:$0x4] =	wrdreg s0  }
0x13: {  	v14 =	vor.u32 $0x680, v1;
	v15 =	vor.u32 $0x700, v1;
	v16 =	vor.u32 $0x780, v1;
	[dreg:$0x6] =	wrdreg s26;
	s26 =	simm.s32 $0x8200;
	s0 =	simm.s32 $0xAA00  }
.LBB2_5:
0x14: {  	s18 =	rddreg [dreg:$0x5];
	s19 =	simm.s32 $0x1000;
	s20 =	simm.s32 $0x20000  }
0x15: {  	[hbm4b:s18+s19] =	stream.strided.scatter [tilespmem:s16], [sflag:$0x3], $0x2000, s20, s19, $0x38;
	[tilespmem:$0x12200] =	vst v63  }
0x16: {  	s20 =	simm.s32 $0x3  }
0x17: {  	_ =	swait.ge [sflag:s20], $0x2000  }
0x18: {  	s18 =	rddreg [dreg:$0x7]  }
0x19: {  	s21 =	rddreg [dreg:$0x6];
	s19 =	sadd.s32 $0x1, s18  }
0x1a: {  	p0 =	sne.s32 s19, s21  }
.Ltmp1:
0x1b: {  	_ = 	snop;
	(pc) =	sbr.rel @!p0 .LBB2_6-.Ltmp1, $3  }
0x1c: {  	_ =	sdelay $0x1  }
0x1d: {  	[sflag:s20] =	ssyncset.done $0x0  }
0x1e: {  	[sflag:s20] =	ssyncadd.s32 $0xFFFFE000  }
.LBB2_1:
0x1f: {  	[dreg:$0x7] =	wrdreg s19  }
0x20: {  	s18 =	simm.s32 $0x0;
	s21 =	rddreg [dreg:$0x4]  }
0x21: {  	[tilespmem:s18], [sflag:$0x3] =	stream.linear.gather [hbm4b:s21+s18], $0x200, $0x38;
	[tilespmem:$0x12200] =	vst v63  }
0x22: {  	_ =	swait.ge [sflag:s20], $0x200  }
0x23: {  	[sflag:s20] =	ssyncset.done $0x0  }
0x24: {  	[sflag:s20] =	ssyncadd.s32 $0xFFFFFE00  }
0x25: {  	v17 =	vld [tilespmem:$0x0];
	_ =	sdelay $0x4  }
0x26: {  	v17 =	vand.u32 $0xFFFFFF80, v17  }
0x27: {  	v17 =	vadd.s32 s2, v17  }
0x28: {  	(v2sf) =	vpush v17, $0x0;
	_ =	sdelay $0x1  }
0x29: {  	(v2sf) =	vpush v17, $0x1;
	_ =	sdelay $0x1  }
0x2a: {  	(v2sf) =	vpush v17, $0x2;
	_ =	sdelay $0x1  }
0x2b: {  	(v2sf) =	vpush v17, $0x3;
	_ =	sdelay $0x1  }
0x2c: {  	(v2sf) =	vpush v17, $0x4;
	_ =	sdelay $0x1  }
0x2d: {  	(v2sf) =	vpush v17, $0x5;
	_ =	sdelay $0x1  }
0x2e: {  	(v2sf) =	vpush v17, $0x6;
	_ =	sdelay $0x1  }
0x2f: {  	(v2sf) =	vpush v17, $0x7  }
0x30: {  	s19 =	spop (v2sf)  }
0x31: {  	(v2sf) =	vpush v17, $0x8;
	[tilespmem:s10], [sflag:$0x1] =	stream.strided.gather [hbm4b:s19+s8], $0x800, s9, s8, $0x38;
	[tilespmem:$0x12200] =	vst v63  }
0x32: {  	s21 =	simm.s32 $0xA00;
	s20 =	spop (v2sf)  }
0x33: {  	(v2sf) =	vpush v17, $0x9;
	[tilespmem:s21], [sflag:$0x1] =	stream.strided.gather [hbm4b:s20+s8], $0x800, s9, s8, $0x38;
	[tilespmem:$0x12200] =	vst v63  }
0x34: {  	s20 =	spop (v2sf);
	s21 =	simm.s32 $0x1200  }
0x35: {  	(v2sf) =	vpush v17, $0xA;
	[tilespmem:s21], [sflag:$0x1] =	stream.strided.gather [hbm4b:s20+s8], $0x800, s9, s8, $0x38;
	[tilespmem:$0x12200] =	vst v63  }
0x36: {  	s20 =	spop (v2sf);
	s21 =	simm.s32 $0x1A00  }
0x37: {  	(v2sf) =	vpush v17, $0xB;
	[tilespmem:s21], [sflag:$0x1] =	stream.strided.gather [hbm4b:s20+s8], $0x800, s9, s8, $0x38;
	[tilespmem:$0x12200] =	vst v63  }
0x38: {  	s20 =	spop (v2sf);
	s21 =	simm.s32 $0x2200  }
0x39: {  	(v2sf) =	vpush v17, $0xC;
	[tilespmem:s21], [sflag:$0x1] =	stream.strided.gather [hbm4b:s20+s8], $0x800, s9, s8, $0x38;
	[tilespmem:$0x12200] =	vst v63  }
0x3a: {  	s20 =	spop (v2sf);
	s21 =	simm.s32 $0x2A00  }
0x3b: {  	(v2sf) =	vpush v17, $0xD;
	[tilespmem:s21], [sflag:$0x1] =	stream.strided.gather [hbm4b:s20+s8], $0x800, s9, s8, $0x38;
	[tilespmem:$0x12200] =	vst v63  }
0x3c: {  	s20 =	spop (v2sf);
	s21 =	simm.s32 $0x3200  }
0x3d: {  	[tilespmem:s21], [sflag:$0x1] =	stream.strided.gather [hbm4b:s20+s8], $0x800, s9, s8, $0x38;
	[tilespmem:$0x12200] =	vst v63  }
0x3e: {  	(v2sf) =	vpush v17, $0xE;
	s20 =	spop (v2sf);
	s21 =	simm.s32 $0x3A00  }
0x3f: {  	[tilespmem:s21], [sflag:$0x1] =	stream.strided.gather [hbm4b:s20+s8], $0x800, s9, s8, $0x38;
	[tilespmem:$0x12200] =	vst v63  }
0x40: {  	(v2sf) =	vpush v17, $0xF;
	s20 =	spop (v2sf);
	s21 =	simm.s32 $0x4200  }
0x41: {  	[tilespmem:s21], [sflag:$0x1] =	stream.strided.gather [hbm4b:s20+s8], $0x800, s9, s8, $0x38;
	[tilespmem:$0x12200] =	vst v63  }
0x42: {  	s20 =	spop (v2sf);
	s21 =	simm.s32 $0x4A00  }
0x43: {  	[tilespmem:s21], [sflag:$0x1] =	stream.strided.gather [hbm4b:s20+s8], $0x800, s9, s8, $0x38;
	[tilespmem:$0x12200] =	vst v63  }
0x44: {  	s20 =	spop (v2sf);
	s21 =	simm.s32 $0x5200  }
0x45: {  	[tilespmem:s21], [sflag:$0x1] =	stream.strided.gather [hbm4b:s20+s8], $0x800, s9, s8, $0x38;
	[tilespmem:$0x12200] =	vst v63  }
0x46: {  	s19 =	spop (v2sf);
	s20 =	simm.s32 $0x5A00  }
0x47: {  	[tilespmem:s20], [sflag:$0x1] =	stream.strided.gather [hbm4b:s19+s8], $0x800, s9, s8, $0x38;
	[tilespmem:$0x12200] =	vst v63  }
0x48: {  	s21 =	spop (v2sf)  }
0x49: {  	[tilespmem:s22], [sflag:$0x1] =	stream.strided.gather [hbm4b:s21+s8], $0x800, s9, s8, $0x38;
	[tilespmem:$0x12200] =	vst v63  }
0x4a: {  	s19 =	spop (v2sf)  }
0x4b: {  	[tilespmem:s23], [sflag:$0x1] =	stream.strided.gather [hbm4b:s19+s8], $0x800, s9, s8, $0x38;
	[tilespmem:$0x12200] =	vst v63  }
.Ltmp2:
0x4c: {  	_ = 	snop;
	(pc) =	sbr.rel .LBB2_2-.Ltmp2, $4  }
0x4d: {  	s20 =	spop (v2sf)  }
0x4e: {  	[tilespmem:s24], [sflag:$0x1] =	stream.strided.gather [hbm4b:s20+s8], $0x800, s9, s8, $0x38;
	[tilespmem:$0x12200] =	vst v63  }
0x4f: {  	s18 =	simm.s32 $0x10;
	s19 =	simm.s32 $0x0;
	s21 =	spop (v2sf)  }
0x50: {  	[tilespmem:s25], [sflag:$0x1] =	stream.strided.gather [hbm4b:s21+s8], $0x800, s9, s8, $0x38;
	[tilespmem:$0x12200] =	vst v63  }
.LBB2_4:
0x51: {  	_ =	swait.ge [sflag:s17], $0x800  }
0x52: {  	[sflag:s17] =	ssyncset.done $0x0  }
0x53: {  	[sflag:s17] =	ssyncadd.s32 $0xFFFFF800  }
0x54: {  	_ =	swait.ge [sflag:s17], $0x800  }
0x55: {  	[sflag:s17] =	ssyncset.done $0x0  }
0x56: {  	[sflag:s17] =	ssyncadd.s32 $0xFFFFF800  }
0x57: {  	_ =	swait.ge [sflag:s17], $0x800  }
0x58: {  	[sflag:s17] =	ssyncset.done $0x0  }
0x59: {  	[sflag:s17] =	ssyncadd.s32 $0xFFFFF800  }
0x5a: {  	_ =	swait.ge [sflag:s17], $0x800  }
0x5b: {  	[sflag:s17] =	ssyncset.done $0x0  }
0x5c: {  	[sflag:s17] =	ssyncadd.s32 $0xFFFFF800  }
0x5d: {  	_ =	swait.ge [sflag:s17], $0x800  }
0x5e: {  	[sflag:s17] =	ssyncset.done $0x0  }
0x5f: {  	[sflag:s17] =	ssyncadd.s32 $0xFFFFF800  }
0x60: {  	_ =	swait.ge [sflag:s17], $0x800  }
0x61: {  	[sflag:s17] =	ssyncset.done $0x0  }
0x62: {  	[sflag:s17] =	ssyncadd.s32 $0xFFFFF800  }
0x63: {  	_ =	swait.ge [sflag:s17], $0x800  }
0x64: {  	[sflag:s17] =	ssyncset.done $0x0  }
0x65: {  	[sflag:s17] =	ssyncadd.s32 $0xFFFFF800  }
0x66: {  	_ =	swait.ge [sflag:s17], $0x800  }
0x67: {  	[sflag:s17] =	ssyncset.done $0x0  }
0x68: {  	[sflag:s17] =	ssyncadd.s32 $0xFFFFF800  }
0x69: {  	_ =	swait.ge [sflag:s17], $0x800  }
0x6a: {  	[sflag:s17] =	ssyncset.done $0x0  }
0x6b: {  	[sflag:s17] =	ssyncadd.s32 $0xFFFFF800  }
0x6c: {  	_ =	swait.ge [sflag:s17], $0x800  }
0x6d: {  	[sflag:s17] =	ssyncset.done $0x0  }
0x6e: {  	[sflag:s17] =	ssyncadd.s32 $0xFFFFF800  }
0x6f: {  	_ =	swait.ge [sflag:s17], $0x800  }
0x70: {  	[sflag:s17] =	ssyncset.done $0x0  }
0x71: {  	[sflag:s17] =	ssyncadd.s32 $0xFFFFF800  }
0x72: {  	_ =	swait.ge [sflag:s17], $0x800  }
0x73: {  	[sflag:s17] =	ssyncset.done $0x0  }
0x74: {  	[sflag:s17] =	ssyncadd.s32 $0xFFFFF800  }
0x75: {  	_ =	swait.ge [sflag:s17], $0x800  }
0x76: {  	[sflag:s17] =	ssyncset.done $0x0  }
0x77: {  	[sflag:s17] =	ssyncadd.s32 $0xFFFFF800  }
0x78: {  	_ =	swait.ge [sflag:s17], $0x800  }
0x79: {  	[sflag:s17] =	ssyncset.done $0x0  }
0x7a: {  	[sflag:s17] =	ssyncadd.s32 $0xFFFFF800  }
0x7b: {  	_ =	swait.ge [sflag:s17], $0x800  }
0x7c: {  	[sflag:s17] =	ssyncset.done $0x0  }
0x7d: {  	[sflag:s17] =	ssyncadd.s32 $0xFFFFF800  }
0x7e: {  	_ =	swait.ge [sflag:s17], $0x800  }
0x7f: {  	[sflag:s17] =	ssyncset.done $0x0  }
0x80: {  	[sflag:s17] =	ssyncadd.s32 $0xFFFFF800  }
0x81: {  	v17 =	vld [tilespmem:s18+$0x0];
	_ =	sdelay $0x4  }
0x82: {  	v17 =	vand.u32 $0x7F, v17  }
0x83: {  	v18 =	vor.u32 v1, v17  }
0x84: {  	v19 =	vor.u32 v2, v17;
	_ =	sdelay $0x1  }
0x85: {  	v20 =	vor.u32 v3, v17;
	_ =	sdelay $0x1  }
0x86: {  	v21 =	vor.u32 v4, v17;
	v18 =	vld.idx.msk [tilespmem:v18+s26+$0x0], $0xffff  }
0x87: {  	v19 =	vld.idx.msk [tilespmem:v19+s26+$0x0], $0xffff  }
0x88: {  	v22 =	vor.u32 v5, v17  }
0x89: {  	v20 =	vld.idx.msk [tilespmem:v20+s26+$0x0], $0xffff;
	_ =	sdelay $0x1  }
0x8a: {  	v21 =	vld.idx.msk [tilespmem:v21+s26+$0x0], $0xffff;
	v18 =	vmul.f32 $1.442695020e+00, v18  }
0x8b: {  	v23 =	vor.u32 v6, v17;
	v19 =	vmul.f32 $1.442695020e+00, v19  }
0x8c: {  	v36 =	vor.u32 v7, v17;
	(erf) = vpow2.f32 v18;
	v18 =	vld.idx.msk [tilespmem:v22+s26+$0x0], $0xffff  }
0x8d: {  	(erf) = vpow2.f32 v19;
	v19 =	vmul.f32 $1.442695020e+00, v20  }
0x8e: {  	v37 =	vor.u32 v8, v17  }
0x8f: {  	(erf) = vpow2.f32 v19;
	v19 =	vmul.f32 $1.442695020e+00, v21  }
0x90: {  	v39 =	vor.u32 v9, v17;
	v38 =	vld.idx.msk [tilespmem:v23+s26+$0x0], $0xffff  }
0x91: {  	(erf) = vpow2.f32 v19;
	v18 =	vmul.f32 $1.442695020e+00, v18;
	v19 =	vld.idx.msk [tilespmem:v36+s26+$0x0], $0xffff  }
0x92: {  	v40 =	vor.u32 v10, v17  }
0x93: {  	(erf) = vpow2.f32 v18;
	v18 =	vld.idx.msk [tilespmem:v37+s26+$0x0], $0xffff  }
0x94: {  	v42 =	vor.u32 v11, v17  }
0x95: {  	v23 =	vld.idx.msk [tilespmem:v39+s26+$0x0], $0xffff;
	v41 =	vmul.f32 $1.442695020e+00, v38  }
0x96: {  	v43 =	vor.u32 v12, v17;
	v19 =	vmul.f32 $1.442695020e+00, v19  }
0x97: {  	v22 =	vld.idx.msk [tilespmem:v40+s26+$0x0], $0xffff;
	v24 =	vpop (erf);
	(erf) = vpow2.f32 v41  }
0x98: {  	v25 =	vpop (erf);
	(erf) = vpow2.f32 v19;
	v18 =	vmul.f32 $1.442695020e+00, v18;
	v19 =	vor.u32 v13, v17  }
0x99: {  	v21 =	vld.idx.msk [tilespmem:v42+s26+$0x0], $0xffff;
	v26 =	vadd.f32 v25, v24  }
0x9a: {  	v44 =	vor.u32 v14, v17;
	v27 =	vpop (erf);
	(erf) = vpow2.f32 v18;
	v18 =	vmul.f32 $1.442695020e+00, v23  }
0x9b: {  	v20 =	vld.idx.msk [tilespmem:v43+s26+$0x0], $0xffff;
	v26 =	vadd.f32 v27, v26  }
0x9c: {  	v45 =	vor.u32 v15, v17;
	v28 =	vpop (erf);
	(erf) = vpow2.f32 v18;
	v18 =	vmul.f32 $1.442695020e+00, v22  }
0x9d: {  	v26 =	vadd.f32 v28, v26;
	v19 =	vld.idx.msk [tilespmem:v19+s26+$0x0], $0xffff  }
0x9e: {  	v17 =	vor.u32 v16, v17;
	v29 =	vpop (erf);
	(erf) = vpow2.f32 v18;
	v18 =	vmul.f32 $1.442695020e+00, v21  }
0x9f: {  	v23 =	vld.idx.msk [tilespmem:v44+s26+$0x0], $0xffff;
	v26 =	vadd.f32 v29, v26  }
0xa0: {  	v46 =	vpop (erf);
	(erf) = vpow2.f32 v18;
	v18 =	vmul.f32 $1.442695020e+00, v20  }
0xa1: {  	v22 =	vld.idx.msk [tilespmem:v45+s26+$0x0], $0xffff;
	v26 =	vadd.f32 v46, v26  }
0xa2: {  	v47 =	vpop (erf);
	(erf) = vpow2.f32 v18;
	v18 =	vmul.f32 $1.442695020e+00, v19  }
0xa3: {  	v17 =	vld.idx.msk [tilespmem:v17+s26+$0x0], $0xffff;
	v26 =	vadd.f32 v47, v26  }
0xa4: {  	v19 =	vpop (erf);
	(erf) = vpow2.f32 v18;
	v18 =	vmul.f32 $1.442695020e+00, v23  }
0xa5: {  	v26 =	vadd.f32 v19, v26  }
0xa6: {  	v48 =	vpop (erf);
	(erf) = vpow2.f32 v18;
	v18 =	vmul.f32 $1.442695020e+00, v22  }
0xa7: {  	v26 =	vadd.f32 v48, v26  }
0xa8: {  	v17 =	vmul.f32 $1.442695020e+00, v17;
	v49 =	vpop (erf)  }
0xa9: {  	v26 =	vadd.f32 v49, v26;
	(erf) = vpow2.f32 v18  }
0xaa: {  	v18 =	vpop (erf)  }
0xab: {  	(erf) = vpow2.f32 v17;
	v26 =	vadd.f32 v18, v26  }
0xac: {  	v17 =	vpop (erf)  }
0xad: {  	v26 =	vadd.f32 v17, v26  }
0xae: {  	v30 =	vpop (erf)  }
0xaf: {  	v26 =	vadd.f32 v30, v26  }
0xb0: {  	v31 =	vpop (erf)  }
0xb1: {  	v26 =	vadd.f32 v31, v26  }
0xb2: {  	v32 =	vpop (erf)  }
0xb3: {  	v26 =	vadd.f32 v32, v26  }
0xb4: {  	v33 =	vpop (erf)  }
0xb5: {  	v26 =	vadd.f32 v33, v26;
	_ =	sdelay $0x1  }
0xb6: {  	(erf) = vrcp.f32 v26;
	_ =	sdelay $0x2  }
0xb7: {  	s20 =	sadd.s32 $0x10, s19  }
0xb8: {  	v50 =	vmov s20  }
0xb9: {  	v34 =	vor.u32 s20, v0;
	v26 =	vshll.u32 v50, $0x3  }
0xba: {  	v34 =	vand.u32 $0x7F, v34;
	v35 =	vand.u32 $0xC00, v26  }
0xbb: {  	v35 =	vor.u32 v34, v35  }
0xbc: {  	v36 =	vor.u32 $0x80, v35  }
0xbd: {  	v38 =	vor.u32 $0x100, v35;
	v37 =	vpop (erf)  }
0xbe: {  	v39 =	vor.u32 $0x180, v35;
	v24 =	vmul.f32 v37, v24  }
0xbf: {  	v40 =	vor.u32 $0x200, v35;
	v25 =	vmul.f32 v37, v25  }
0xc0: {  	v52 =	vor.u32 $0x280, v35;
	v51 =	vmul.f32 v37, v27;
	[tilespmem:v35+s16+$0x0] =	vst.idx.msk $0xffff, v24  }
0xc1: {  	v26 =	vor.u32 v34, v26;
	v54 =	vor.u32 $0x300, v35;
	v53 =	vmul.f32 v37, v28;
	[tilespmem:v36+s16+$0x0] =	vst.idx.msk $0xffff, v25  }
0xc2: {  	v26 =	vor.u32 $0x380, v26;
	v55 =	vmul.f32 v37, v29;
	[tilespmem:v38+s16+$0x0] =	vst.idx.msk $0xffff, v51  }
0xc3: {  	v56 =	vor.u32 $0x1000, v35;
	v21 =	vmul.f32 v37, v46;
	[tilespmem:v39+s16+$0x0] =	vst.idx.msk $0xffff, v53  }
0xc4: {  	v57 =	vor.u32 $0x1080, v35;
	v20 =	vmul.f32 v37, v47;
	[tilespmem:v40+s16+$0x0] =	vst.idx.msk $0xffff, v55  }
0xc5: {  	v58 =	vor.u32 $0x1100, v35;
	v19 =	vmul.f32 v37, v19;
	[tilespmem:v52+s16+$0x0] =	vst.idx.msk $0xffff, v21  }
0xc6: {  	v60 =	vor.u32 $0x1180, v35;
	v59 =	vmul.f32 v37, v48;
	[tilespmem:v54+s16+$0x0] =	vst.idx.msk $0xffff, v20  }
0xc7: {  	v61 =	vor.u32 $0x1200, v35;
	[tilespmem:v26+s16+$0x0] =	vst.idx.msk $0xffff, v19;
	v19 =	vmul.f32 v37, v49  }
0xc8: {  	v62 =	vor.u32 $0x1280, v35;
	v18 =	vmul.f32 v37, v18;
	[tilespmem:v56+s16+$0x0] =	vst.idx.msk $0xffff, v59  }
0xc9: {  	s19 =	sadd.s32 $0x20, s19;
	v17 =	vmul.f32 v37, v17;
	[tilespmem:v57+s16+$0x0] =	vst.idx.msk $0xffff, v19;
	v19 =	vor.u32 $0x1300, v35  }
0xca: {  	p0 =	sne.s32 s19, $0x200;
	v63 =	vor.u32 $0x1380, v35;
	[tilespmem:v58+s16+$0x0] =	vst.idx.msk $0xffff, v18;
	v18 =	vmul.f32 v37, v30  }
.Ltmp3:
0xcb: {  	[tilespmem:v60+s16+$0x0] =	vst.idx.msk $0xffff, v17;
	v17 =	vmul.f32 v37, v31;
	(pc) =	sbr.rel @!p0 .LBB2_5-.Ltmp3, $4  }
0xcc: {  	[tilespmem:v61+s16+$0x0] =	vst.idx.msk $0xffff, v18;
	v18 =	vmul.f32 v37, v32  }
0xcd: {  	[tilespmem:v62+s16+$0x0] =	vst.idx.msk $0xffff, v17;
	v17 =	vmul.f32 v37, v33  }
0xce: {  	[tilespmem:v19+s16+$0x0] =	vst.idx.msk $0xffff, v18  }
0xcf: {  	s18 =	sadd.s32 $0x20, s18;
	[tilespmem:v63+s16+$0x0] =	vst.idx.msk $0xffff, v17  }
.LBB2_2:
0xd0: {  	v17 =	vld [tilespmem:s18+$0x0];
	_ =	sdelay $0x4  }
0xd1: {  	v17 =	vand.u32 $0xFFFFFF80, v17  }
0xd2: {  	v17 =	vadd.s32 s2, v17  }
0xd3: {  	(v2sf) =	vpush v17, $0x0;
	_ =	sdelay $0x1  }
0xd4: {  	(v2sf) =	vpush v17, $0x1;
	_ =	sdelay $0x1  }
0xd5: {  	(v2sf) =	vpush v17, $0x2;
	_ =	sdelay $0x1  }
0xd6: {  	(v2sf) =	vpush v17, $0x3;
	_ =	sdelay $0x1  }
0xd7: {  	(v2sf) =	vpush v17, $0x4;
	_ =	sdelay $0x1  }
0xd8: {  	(v2sf) =	vpush v17, $0x5;
	_ =	sdelay $0x1  }
0xd9: {  	(v2sf) =	vpush v17, $0x6;
	_ =	sdelay $0x1  }
0xda: {  	(v2sf) =	vpush v17, $0x7  }
0xdb: {  	s20 =	spop (v2sf)  }
0xdc: {  	(v2sf) =	vpush v17, $0x8;
	[tilespmem:s26], [sflag:$0x2] =	stream.strided.gather [hbm4b:s20+s8], $0x800, s9, s8, $0x38;
	[tilespmem:$0x12200] =	vst v63  }
0xdd: {  	s21 =	spop (v2sf)  }
0xde: {  	(v2sf) =	vpush v17, $0x9;
	[tilespmem:s28], [sflag:$0x2] =	stream.strided.gather [hbm4b:s21+s8], $0x800, s9, s8, $0x38;
	[tilespmem:$0x12200] =	vst v63  }
0xdf: {  	s21 =	spop (v2sf)  }
0xe0: {  	(v2sf) =	vpush v17, $0xA;
	[tilespmem:s29], [sflag:$0x2] =	stream.strided.gather [hbm4b:s21+s8], $0x800, s9, s8, $0x38;
	[tilespmem:$0x12200] =	vst v63  }
0xe1: {  	s21 =	spop (v2sf)  }
0xe2: {  	(v2sf) =	vpush v17, $0xB;
	[tilespmem:s30], [sflag:$0x2] =	stream.strided.gather [hbm4b:s21+s8], $0x800, s9, s8, $0x38;
	[tilespmem:$0x12200] =	vst v63  }
0xe3: {  	s21 =	spop (v2sf)  }
0xe4: {  	(v2sf) =	vpush v17, $0xC;
	[tilespmem:s31], [sflag:$0x2] =	stream.strided.gather [hbm4b:s21+s8], $0x800, s9, s8, $0x38;
	[tilespmem:$0x12200] =	vst v63  }
0xe5: {  	s21 =	spop (v2sf)  }
0xe6: {  	(v2sf) =	vpush v17, $0xD;
	[tilespmem:s0], [sflag:$0x2] =	stream.strided.gather [hbm4b:s21+s8], $0x800, s9, s8, $0x38;
	[tilespmem:$0x12200] =	vst v63  }
0xe7: {  	s21 =	spop (v2sf)  }
0xe8: {  	(v2sf) =	vpush v17, $0xE;
	[tilespmem:s1], [sflag:$0x2] =	stream.strided.gather [hbm4b:s21+s8], $0x800, s9, s8, $0x38;
	[tilespmem:$0x12200] =	vst v63  }
0xe9: {  	s21 =	spop (v2sf)  }
0xea: {  	(v2sf) =	vpush v17, $0xF;
	[tilespmem:s3], [sflag:$0x2] =	stream.strided.gather [hbm4b:s21+s8], $0x800, s9, s8, $0x38;
	[tilespmem:$0x12200] =	vst v63  }
0xeb: {  	s21 =	spop (v2sf)  }
0xec: {  	[tilespmem:s4], [sflag:$0x2] =	stream.strided.gather [hbm4b:s21+s8], $0x800, s9, s8, $0x38;
	[tilespmem:$0x12200] =	vst v63  }
0xed: {  	s21 =	spop (v2sf)  }
0xee: {  	[tilespmem:s5], [sflag:$0x2] =	stream.strided.gather [hbm4b:s21+s8], $0x800, s9, s8, $0x38;
	[tilespmem:$0x12200] =	vst v63  }
0xef: {  	s21 =	spop (v2sf)  }
0xf0: {  	[tilespmem:s6], [sflag:$0x2] =	stream.strided.gather [hbm4b:s21+s8], $0x800, s9, s8, $0x38;
	[tilespmem:$0x12200] =	vst v63  }
0xf1: {  	s21 =	spop (v2sf)  }
0xf2: {  	[tilespmem:s7], [sflag:$0x2] =	stream.strided.gather [hbm4b:s21+s8], $0x800, s9, s8, $0x38;
	[tilespmem:$0x12200] =	vst v63  }
0xf3: {  	s21 =	spop (v2sf)  }
0xf4: {  	[tilespmem:s11], [sflag:$0x2] =	stream.strided.gather [hbm4b:s21+s8], $0x800, s9, s8, $0x38;
	[tilespmem:$0x12200] =	vst v63  }
0xf5: {  	s21 =	spop (v2sf)  }
0xf6: {  	[tilespmem:s12], [sflag:$0x2] =	stream.strided.gather [hbm4b:s21+s8], $0x800, s9, s8, $0x38;
	[tilespmem:$0x12200] =	vst v63  }
0xf7: {  	s21 =	spop (v2sf)  }
0xf8: {  	[tilespmem:s13], [sflag:$0x2] =	stream.strided.gather [hbm4b:s21+s8], $0x800, s9, s8, $0x38;
	[tilespmem:$0x12200] =	vst v63  }
0xf9: {  	s21 =	spop (v2sf)  }
0xfa: {  	[tilespmem:s14], [sflag:$0x2] =	stream.strided.gather [hbm4b:s21+s8], $0x800, s9, s8, $0x38;
	[tilespmem:$0x12200] =	vst v63  }
0xfb: {  	_ =	swait.ge [sflag:s15], $0x800  }
0xfc: {  	[sflag:s15] =	ssyncset.done $0x0  }
0xfd: {  	[sflag:s15] =	ssyncadd.s32 $0xFFFFF800  }
0xfe: {  	_ =	swait.ge [sflag:s15], $0x800  }
0xff: {  	[sflag:s15] =	ssyncset.done $0x0  }
0x100: {  	[sflag:s15] =	ssyncadd.s32 $0xFFFFF800  }
0x101: {  	_ =	swait.ge [sflag:s15], $0x800  }
0x102: {  	[sflag:s15] =	ssyncset.done $0x0  }
0x103: {  	[sflag:s15] =	ssyncadd.s32 $0xFFFFF800  }
0x104: {  	_ =	swait.ge [sflag:s15], $0x800  }
0x105: {  	[sflag:s15] =	ssyncset.done $0x0  }
0x106: {  	[sflag:s15] =	ssyncadd.s32 $0xFFFFF800  }
0x107: {  	_ =	swait.ge [sflag:s15], $0x800  }
0x108: {  	[sflag:s15] =	ssyncset.done $0x0  }
0x109: {  	[sflag:s15] =	ssyncadd.s32 $0xFFFFF800  }
0x10a: {  	_ =	swait.ge [sflag:s15], $0x800  }
0x10b: {  	[sflag:s15] =	ssyncset.done $0x0  }
0x10c: {  	[sflag:s15] =	ssyncadd.s32 $0xFFFFF800  }
0x10d: {  	_ =	swait.ge [sflag:s15], $0x800  }
0x10e: {  	[sflag:s15] =	ssyncset.done $0x0  }
0x10f: {  	[sflag:s15] =	ssyncadd.s32 $0xFFFFF800  }
0x110: {  	_ =	swait.ge [sflag:s15], $0x800  }
0x111: {  	[sflag:s15] =	ssyncset.done $0x0  }
0x112: {  	[sflag:s15] =	ssyncadd.s32 $0xFFFFF800  }
0x113: {  	_ =	swait.ge [sflag:s15], $0x800  }
0x114: {  	[sflag:s15] =	ssyncset.done $0x0  }
0x115: {  	[sflag:s15] =	ssyncadd.s32 $0xFFFFF800  }
0x116: {  	_ =	swait.ge [sflag:s15], $0x800  }
0x117: {  	[sflag:s15] =	ssyncset.done $0x0  }
0x118: {  	[sflag:s15] =	ssyncadd.s32 $0xFFFFF800  }
0x119: {  	_ =	swait.ge [sflag:s15], $0x800  }
0x11a: {  	[sflag:s15] =	ssyncset.done $0x0  }
0x11b: {  	[sflag:s15] =	ssyncadd.s32 $0xFFFFF800  }
0x11c: {  	_ =	swait.ge [sflag:s15], $0x800  }
0x11d: {  	[sflag:s15] =	ssyncset.done $0x0  }
0x11e: {  	[sflag:s15] =	ssyncadd.s32 $0xFFFFF800  }
0x11f: {  	_ =	swait.ge [sflag:s15], $0x800  }
0x120: {  	[sflag:s15] =	ssyncset.done $0x0  }
0x121: {  	[sflag:s15] =	ssyncadd.s32 $0xFFFFF800  }
0x122: {  	_ =	swait.ge [sflag:s15], $0x800  }
0x123: {  	[sflag:s15] =	ssyncset.done $0x0  }
0x124: {  	[sflag:s15] =	ssyncadd.s32 $0xFFFFF800  }
0x125: {  	_ =	swait.ge [sflag:s15], $0x800  }
0x126: {  	[sflag:s15] =	ssyncset.done $0x0  }
0x127: {  	[sflag:s15] =	ssyncadd.s32 $0xFFFFF800  }
0x128: {  	_ =	swait.ge [sflag:s15], $0x800  }
0x129: {  	[sflag:s15] =	ssyncset.done $0x0  }
0x12a: {  	[sflag:s15] =	ssyncadd.s32 $0xFFFFF800  }
0x12b: {  	v17 =	vld [tilespmem:s18+$0xFFFFFFF0];
	_ =	sdelay $0x4  }
0x12c: {  	v17 =	vand.u32 $0x7F, v17  }
0x12d: {  	v18 =	vor.u32 v1, v17  }
0x12e: {  	v19 =	vor.u32 v2, v17;
	_ =	sdelay $0x1  }
0x12f: {  	v20 =	vor.u32 v3, v17;
	_ =	sdelay $0x1  }
0x130: {  	v21 =	vor.u32 v4, v17;
	v18 =	vld.idx.msk [tilespmem:v18+s10+$0x0], $0xffff  }
0x131: {  	v19 =	vld.idx.msk [tilespmem:v19+s10+$0x0], $0xffff  }
0x132: {  	v22 =	vor.u32 v5, v17  }
0x133: {  	v20 =	vld.idx.msk [tilespmem:v20+s10+$0x0], $0xffff;
	_ =	sdelay $0x1  }
0x134: {  	v21 =	vld.idx.msk [tilespmem:v21+s10+$0x0], $0xffff;
	v18 =	vmul.f32 $1.442695020e+00, v18  }
0x135: {  	v23 =	vor.u32 v6, v17;
	v19 =	vmul.f32 $1.442695020e+00, v19  }
0x136: {  	v35 =	vor.u32 v7, v17;
	(erf) = vpow2.f32 v18;
	v18 =	vld.idx.msk [tilespmem:v22+s10+$0x0], $0xffff  }
0x137: {  	(erf) = vpow2.f32 v19;
	v19 =	vmul.f32 $1.442695020e+00, v20  }
0x138: {  	v36 =	vor.u32 v8, v17  }
0x139: {  	(erf) = vpow2.f32 v19;
	v19 =	vmul.f32 $1.442695020e+00, v21  }
0x13a: {  	v38 =	vor.u32 v9, v17;
	v37 =	vld.idx.msk [tilespmem:v23+s10+$0x0], $0xffff  }
0x13b: {  	(erf) = vpow2.f32 v19;
	v18 =	vmul.f32 $1.442695020e+00, v18;
	v19 =	vld.idx.msk [tilespmem:v35+s10+$0x0], $0xffff  }
0x13c: {  	v39 =	vor.u32 v10, v17  }
0x13d: {  	(erf) = vpow2.f32 v18;
	v18 =	vld.idx.msk [tilespmem:v36+s10+$0x0], $0xffff  }
0x13e: {  	v41 =	vor.u32 v11, v17  }
0x13f: {  	v23 =	vld.idx.msk [tilespmem:v38+s10+$0x0], $0xffff;
	v40 =	vmul.f32 $1.442695020e+00, v37  }
0x140: {  	v42 =	vor.u32 v12, v17;
	v19 =	vmul.f32 $1.442695020e+00, v19  }
0x141: {  	v22 =	vld.idx.msk [tilespmem:v39+s10+$0x0], $0xffff;
	v24 =	vpop (erf);
	(erf) = vpow2.f32 v40  }
0x142: {  	v25 =	vpop (erf);
	(erf) = vpow2.f32 v19;
	v18 =	vmul.f32 $1.442695020e+00, v18;
	v19 =	vor.u32 v13, v17  }
0x143: {  	v21 =	vld.idx.msk [tilespmem:v41+s10+$0x0], $0xffff;
	v26 =	vadd.f32 v25, v24  }
0x144: {  	v43 =	vor.u32 v14, v17;
	v27 =	vpop (erf);
	(erf) = vpow2.f32 v18;
	v18 =	vmul.f32 $1.442695020e+00, v23  }
0x145: {  	v20 =	vld.idx.msk [tilespmem:v42+s10+$0x0], $0xffff;
	v26 =	vadd.f32 v27, v26  }
0x146: {  	v44 =	vor.u32 v15, v17;
	v28 =	vpop (erf);
	(erf) = vpow2.f32 v18;
	v18 =	vmul.f32 $1.442695020e+00, v22  }
0x147: {  	v26 =	vadd.f32 v28, v26;
	v19 =	vld.idx.msk [tilespmem:v19+s10+$0x0], $0xffff  }
0x148: {  	v17 =	vor.u32 v16, v17;
	v29 =	vpop (erf);
	(erf) = vpow2.f32 v18;
	v18 =	vmul.f32 $1.442695020e+00, v21  }
0x149: {  	v23 =	vld.idx.msk [tilespmem:v43+s10+$0x0], $0xffff;
	v26 =	vadd.f32 v29, v26  }
0x14a: {  	v45 =	vpop (erf);
	(erf) = vpow2.f32 v18;
	v18 =	vmul.f32 $1.442695020e+00, v20  }
0x14b: {  	v22 =	vld.idx.msk [tilespmem:v44+s10+$0x0], $0xffff;
	v26 =	vadd.f32 v45, v26  }
0x14c: {  	v46 =	vpop (erf);
	(erf) = vpow2.f32 v18;
	v18 =	vmul.f32 $1.442695020e+00, v19  }
0x14d: {  	v17 =	vld.idx.msk [tilespmem:v17+s10+$0x0], $0xffff;
	v26 =	vadd.f32 v46, v26  }
0x14e: {  	v19 =	vpop (erf);
	(erf) = vpow2.f32 v18;
	v18 =	vmul.f32 $1.442695020e+00, v23  }
0x14f: {  	v26 =	vadd.f32 v19, v26  }
0x150: {  	v47 =	vpop (erf);
	(erf) = vpow2.f32 v18;
	v18 =	vmul.f32 $1.442695020e+00, v22  }
0x151: {  	v26 =	vadd.f32 v47, v26  }
0x152: {  	v17 =	vmul.f32 $1.442695020e+00, v17;
	v48 =	vpop (erf)  }
0x153: {  	v26 =	vadd.f32 v48, v26;
	(erf) = vpow2.f32 v18  }
0x154: {  	v18 =	vpop (erf)  }
0x155: {  	(erf) = vpow2.f32 v17;
	v26 =	vadd.f32 v18, v26  }
0x156: {  	v17 =	vpop (erf)  }
0x157: {  	v26 =	vadd.f32 v17, v26  }
0x158: {  	v30 =	vpop (erf)  }
0x159: {  	v26 =	vadd.f32 v30, v26  }
0x15a: {  	v31 =	vpop (erf)  }
0x15b: {  	v26 =	vadd.f32 v31, v26  }
0x15c: {  	v32 =	vpop (erf)  }
0x15d: {  	v26 =	vadd.f32 v32, v26  }
0x15e: {  	v33 =	vpop (erf)  }
0x15f: {  	v26 =	vadd.f32 v33, v26;
	_ =	sdelay $0x1  }
0x160: {  	(erf) = vrcp.f32 v26;
	_ =	sdelay $0x3  }
0x161: {  	v49 =	vmov s19  }
0x162: {  	v34 =	vor.u32 s19, v0;
	v26 =	vshll.u32 v49, $0x3  }
0x163: {  	v34 =	vand.u32 $0x6F, v34;
	v35 =	vand.u32 $0xC00, v26  }
0x164: {  	v35 =	vor.u32 v34, v35  }
0x165: {  	v36 =	vor.u32 $0x80, v35  }
0x166: {  	v38 =	vor.u32 $0x100, v35;
	v37 =	vpop (erf)  }
0x167: {  	v39 =	vor.u32 $0x180, v35;
	v24 =	vmul.f32 v37, v24  }
0x168: {  	v40 =	vor.u32 $0x200, v35;
	v25 =	vmul.f32 v37, v25  }
0x169: {  	v26 =	vor.u32 v26, v34;
	v51 =	vor.u32 $0x280, v35;
	v50 =	vmul.f32 v37, v27;
	[tilespmem:v35+s16+$0x0] =	vst.idx.msk $0xffff, v24  }
0x16a: {  	v53 =	vor.u32 $0x300, v26;
	v52 =	vmul.f32 v37, v28;
	[tilespmem:v36+s16+$0x0] =	vst.idx.msk $0xffff, v25  }
0x16b: {  	v55 =	vor.u32 $0x380, v26;
	v54 =	vmul.f32 v37, v29;
	[tilespmem:v38+s16+$0x0] =	vst.idx.msk $0xffff, v50  }
0x16c: {  	v56 =	vor.u32 $0x1000, v35;
	v21 =	vmul.f32 v37, v45;
	[tilespmem:v39+s16+$0x0] =	vst.idx.msk $0xffff, v52  }
0x16d: {  	v57 =	vor.u32 $0x1080, v35;
	v20 =	vmul.f32 v37, v46;
	[tilespmem:v40+s16+$0x0] =	vst.idx.msk $0xffff, v54  }
0x16e: {  	v58 =	vor.u32 $0x1100, v35;
	v19 =	vmul.f32 v37, v19;
	[tilespmem:v51+s16+$0x0] =	vst.idx.msk $0xffff, v21  }
0x16f: {  	v60 =	vor.u32 $0x1180, v35;
	v59 =	vmul.f32 v37, v47;
	[tilespmem:v53+s16+$0x0] =	vst.idx.msk $0xffff, v20  }
0x170: {  	v61 =	vor.u32 $0x1200, v35;
	[tilespmem:v55+s16+$0x0] =	vst.idx.msk $0xffff, v19;
	v19 =	vmul.f32 v37, v48  }
0x171: {  	v62 =	vor.u32 $0x1280, v35;
	v18 =	vmul.f32 v37, v18;
	[tilespmem:v56+s16+$0x0] =	vst.idx.msk $0xffff, v59  }
0x172: {  	v17 =	vmul.f32 v37, v17;
	[tilespmem:v57+s16+$0x0] =	vst.idx.msk $0xffff, v19;
	v19 =	vor.u32 $0x1300, v26  }
0x173: {  	p0 =	seq.s32 s19, $0x1E0;
	v63 =	vor.u32 $0x1380, v26;
	[tilespmem:v58+s16+$0x0] =	vst.idx.msk $0xffff, v18;
	v18 =	vmul.f32 v37, v30  }
.Ltmp4:
0x174: {  	[tilespmem:v60+s16+$0x0] =	vst.idx.msk $0xffff, v17;
	v17 =	vmul.f32 v37, v31;
	(pc) =	sbr.rel @p0 .LBB2_4-.Ltmp4, $4  }
0x175: {  	[tilespmem:v61+s16+$0x0] =	vst.idx.msk $0xffff, v18;
	v18 =	vmul.f32 v37, v32  }
0x176: {  	[tilespmem:v62+s16+$0x0] =	vst.idx.msk $0xffff, v17;
	v17 =	vmul.f32 v37, v33  }
0x177: {  	[tilespmem:v19+s16+$0x0] =	vst.idx.msk $0xffff, v18  }
0x178: {  	[tilespmem:v63+s16+$0x0] =	vst.idx.msk $0xffff, v17  }
0x179: {  	v17 =	vld [tilespmem:s18+$0x10];
	_ =	sdelay $0x4  }
0x17a: {  	v17 =	vand.u32 $0xFFFFFF80, v17  }
0x17b: {  	v17 =	vadd.s32 s2, v17  }
0x17c: {  	(v2sf) =	vpush v17, $0x0;
	_ =	sdelay $0x1  }
0x17d: {  	(v2sf) =	vpush v17, $0x1;
	_ =	sdelay $0x1  }
0x17e: {  	(v2sf) =	vpush v17, $0x2;
	_ =	sdelay $0x1  }
0x17f: {  	(v2sf) =	vpush v17, $0x3;
	_ =	sdelay $0x1  }
0x180: {  	(v2sf) =	vpush v17, $0x4;
	_ =	sdelay $0x1  }
0x181: {  	(v2sf) =	vpush v17, $0x5;
	_ =	sdelay $0x1  }
0x182: {  	(v2sf) =	vpush v17, $0x6;
	_ =	sdelay $0x1  }
0x183: {  	(v2sf) =	vpush v17, $0x7  }
0x184: {  	s20 =	spop (v2sf)  }
0x185: {  	(v2sf) =	vpush v17, $0x8;
	[tilespmem:s10], [sflag:$0x1] =	stream.strided.gather [hbm4b:s20+s8], $0x800, s9, s8, $0x38;
	[tilespmem:$0x12200] =	vst v63  }
0x186: {  	s21 =	simm.s32 $0xA00;
	s20 =	spop (v2sf)  }
0x187: {  	(v2sf) =	vpush v17, $0x9;
	[tilespmem:s21], [sflag:$0x1] =	stream.strided.gather [hbm4b:s20+s8], $0x800, s9, s8, $0x38;
	[tilespmem:$0x12200] =	vst v63  }
0x188: {  	s20 =	spop (v2sf);
	s21 =	simm.s32 $0x1200  }
0x189: {  	(v2sf) =	vpush v17, $0xA;
	[tilespmem:s21], [sflag:$0x1] =	stream.strided.gather [hbm4b:s20+s8], $0x800, s9, s8, $0x38;
	[tilespmem:$0x12200] =	vst v63  }
0x18a: {  	s20 =	spop (v2sf);
	s21 =	simm.s32 $0x1A00  }
0x18b: {  	(v2sf) =	vpush v17, $0xB;
	[tilespmem:s21], [sflag:$0x1] =	stream.strided.gather [hbm4b:s20+s8], $0x800, s9, s8, $0x38;
	[tilespmem:$0x12200] =	vst v63  }
0x18c: {  	s20 =	spop (v2sf);
	s21 =	simm.s32 $0x2200  }
0x18d: {  	(v2sf) =	vpush v17, $0xC;
	[tilespmem:s21], [sflag:$0x1] =	stream.strided.gather [hbm4b:s20+s8], $0x800, s9, s8, $0x38;
	[tilespmem:$0x12200] =	vst v63  }
0x18e: {  	s20 =	spop (v2sf);
	s21 =	simm.s32 $0x2A00  }
0x18f: {  	(v2sf) =	vpush v17, $0xD;
	[tilespmem:s21], [sflag:$0x1] =	stream.strided.gather [hbm4b:s20+s8], $0x800, s9, s8, $0x38;
	[tilespmem:$0x12200] =	vst v63  }
0x190: {  	s20 =	spop (v2sf);
	s21 =	simm.s32 $0x3200  }
0x191: {  	[tilespmem:s21], [sflag:$0x1] =	stream.strided.gather [hbm4b:s20+s8], $0x800, s9, s8, $0x38;
	[tilespmem:$0x12200] =	vst v63  }
0x192: {  	(v2sf) =	vpush v17, $0xE;
	s20 =	spop (v2sf);
	s21 =	simm.s32 $0x3A00  }
0x193: {  	[tilespmem:s21], [sflag:$0x1] =	stream.strided.gather [hbm4b:s20+s8], $0x800, s9, s8, $0x38;
	[tilespmem:$0x12200] =	vst v63  }
0x194: {  	(v2sf) =	vpush v17, $0xF;
	s20 =	spop (v2sf);
	s21 =	simm.s32 $0x4200  }
0x195: {  	[tilespmem:s21], [sflag:$0x1] =	stream.strided.gather [hbm4b:s20+s8], $0x800, s9, s8, $0x38;
	[tilespmem:$0x12200] =	vst v63  }
0x196: {  	s20 =	spop (v2sf);
	s21 =	simm.s32 $0x4A00  }
0x197: {  	[tilespmem:s21], [sflag:$0x1] =	stream.strided.gather [hbm4b:s20+s8], $0x800, s9, s8, $0x38;
	[tilespmem:$0x12200] =	vst v63  }
0x198: {  	s20 =	spop (v2sf);
	s21 =	simm.s32 $0x5200  }
0x199: {  	[tilespmem:s21], [sflag:$0x1] =	stream.strided.gather [hbm4b:s20+s8], $0x800, s9, s8, $0x38;
	[tilespmem:$0x12200] =	vst v63  }
0x19a: {  	s20 =	spop (v2sf);
	s21 =	simm.s32 $0x5A00  }
0x19b: {  	[tilespmem:s21], [sflag:$0x1] =	stream.strided.gather [hbm4b:s20+s8], $0x800, s9, s8, $0x38;
	[tilespmem:$0x12200] =	vst v63  }
0x19c: {  	s21 =	spop (v2sf)  }
0x19d: {  	[tilespmem:s22], [sflag:$0x1] =	stream.strided.gather [hbm4b:s21+s8], $0x800, s9, s8, $0x38;
	[tilespmem:$0x12200] =	vst v63  }
0x19e: {  	s21 =	spop (v2sf)  }
0x19f: {  	[tilespmem:s23], [sflag:$0x1] =	stream.strided.gather [hbm4b:s21+s8], $0x800, s9, s8, $0x38;
	[tilespmem:$0x12200] =	vst v63  }
.Ltmp5:
0x1a0: {  	_ = 	snop;
	(pc) =	sbr.rel .LBB2_4-.Ltmp5, $4  }
0x1a1: {  	s21 =	spop (v2sf)  }
0x1a2: {  	[tilespmem:s24], [sflag:$0x1] =	stream.strided.gather [hbm4b:s21+s8], $0x800, s9, s8, $0x38;
	[tilespmem:$0x12200] =	vst v63  }
0x1a3: {  	s21 =	spop (v2sf)  }
0x1a4: {  	[tilespmem:s25], [sflag:$0x1] =	stream.strided.gather [hbm4b:s21+s8], $0x800, s9, s8, $0x38;
	[tilespmem:$0x12200] =	vst v63  }
.LBB2_6:
0x1a5: {  	_ =	sfence.sel $0x180000  }
0x1a6: {  	[bflag:$0x0] =	sbarrier.arrive $0xFFFF  }
0x1a7: {  	_ =	strace $0x90000047  }
0x1a8: {  	s0 =	stileid.u32;
	[bflag:$0x2] =	sbarrier.arrive $0xFFFF  }
0x1a9: {  	p0 =	sne.s32 s0, $0x0;
	s0 =	rddreg [dreg:$0x3]  }
0x1aa: {  	s0 =	sadd.s32 @!p0 $0x100000, s0  }
0x1ab: {  	[sflag:s0] =	ssyncadd.tile.s32 @!p0 $0x1;
	_ =	shalt  }
.Lfunc_end2:
_tile_overlayer_lowered:
.L_overlay_start_2:
0x1ac: {  	(tag) =	ssettag $0x2  }
0x1ad: {  	s0 =	rddreg [dreg:$0x0];
	s2 =	stileid.u32  }
0x1ae: {  	s1 =	rddreg [dreg:$0x1];
	p0 =	sne.s32 s2, $0x0  }
0x1af: {  	s3 =	rddreg [dreg:$0x2];
	[bflag:$0x3] =	sbarrier.arrive $0xFFFF;
	s2 =	simm.s32 @!p0 $0x1C03  }
0x1b0: {  	[timem:s3], [sflag:s2] =	dma.local @!p0 [hbm:s0], s1  }
0x1b1: {  	s0 =	simm.s32 @!p0 $0x3  }
0x1b2: {  	_ =	swait.ge @!p0 [sflag:s0], s1  }
0x1b3: {  	s1 =	ssub.s32 @!p0 $0x0, s1;
	[sflag:s0] =	ssyncset.done @!p0 $0x0  }
0x1b4: {  	[sflag:s0] =	ssyncadd.s32 @!p0 s1  }
0x1b5: {  	[bflag:$0x3] =	sbarrier.arrive $0xFFFF  }
0x1b6: {  	_ =	shalt  }

</sc_bundles>
